<compile_context>
chip_gen: v7x
topology: tpu7x:2x2x1
jax: 0.10.2.dev20260603
libtpu: 0.0.44.dev20260713+nightly
codegen_flags: <defaults>
</compile_context>

<pallas_src>
import functools

import jax
import jax.numpy as jnp
from jax import lax
from jax.experimental import pallas as pl
from jax.experimental.pallas import tpu as pltpu
from jax.experimental.pallas import tpu_sc as plsc

N = 10000
E = 160000
F = 256
H = 512
C = 40
NP = 10240
FC = 128
NC, NS = 2, 16
EB = 128
NB = 80
NPT = NP // NS
RPT_S = NP // NS

_MESH = plsc.VectorSubcoreMesh(
    core_axis_name="c", subcore_axis_name="s", num_cores=NC, num_subcores=NS)



@functools.partial(
    pl.kernel,
    out_type=jax.ShapeDtypeStruct((NC * NS * NP,), jnp.float32),
    mesh=_MESH,
    compiler_params=pltpu.CompilerParams(needs_layout_passes=False),
    scratch_types=[
        pltpu.VMEM((NB, EB), jnp.int32),
        pltpu.VMEM((NP,), jnp.float32),
    ],
)
def _deg_hist(idx_hbm, out_hbm, idx_v, hist_v):
    c = lax.axis_index("c")
    s = lax.axis_index("s")
    w = c * NS + s

    pltpu.sync_copy(idx_hbm.at[w], idx_v)

    def zero(i, _):
        hist_v[pl.ds(i * 16, 16)] = jnp.zeros((16,), jnp.float32)
        return 0
    lax.fori_loop(0, NP // 16, zero, 0)

    ones = jnp.ones((16,), jnp.float32)

    def body(b, _):
        def inner(j, _):
            v = idx_v[b, pl.ds(j * 16, 16)]
            plsc.addupdate_scatter(hist_v, [v], ones)
            return 0
        lax.fori_loop(0, EB // 16, inner, 0)
        return 0
    lax.fori_loop(0, NB, body, 0)

    pltpu.sync_copy(hist_v, out_hbm.at[pl.ds(w * NP, NP)])




@functools.partial(
    pl.kernel,
    out_type=jax.ShapeDtypeStruct((NC * NP,), jnp.float32),
    mesh=_MESH,
    scratch_types=[
        pltpu.VMEM((NS, NPT), jnp.float32),
        pltpu.VMEM((NPT,), jnp.float32),
    ],
)
def _deg_reduce(parts_hbm, out_hbm, part_v, sum_v):
    c = lax.axis_index("c")
    s = lax.axis_index("s")
    off = s * NPT

    for j in range(NS):
        pltpu.sync_copy(parts_hbm.at[pl.ds((c * NS + j) * NP + off, NPT)],
                        part_v.at[j])

    def red(k, _):
        sl = pl.ds(k * 16, 16)
        acc = part_v[0, sl]
        for j in range(1, NS):
            acc = acc + part_v[j, sl]
        sum_v[sl] = acc
        return 0
    lax.fori_loop(0, NPT // 16, red, 0)

    pltpu.sync_copy(sum_v, out_hbm.at[pl.ds(c * NP + off, NPT)])


def _make_segsum(nchunk):
    passes = nchunk // NC

    @functools.partial(
        pl.kernel,
        out_type=jax.ShapeDtypeStruct((nchunk * NP, FC), jnp.float32),
        mesh=_MESH,
        scratch_types=[
            pltpu.VMEM((NB, EB), jnp.int32),
            pltpu.VMEM((NB, EB), jnp.int32),
            pltpu.VMEM((EB, FC), jnp.float32),
            pltpu.VMEM_SHARED((NP, FC), jnp.float32),
            pltpu.SemaphoreType.DMA,
        ],
    )
    def seg(sidx_hbm, didx_hbm, feat_hbm, out_hbm, sidx_v, didx_v, rows_v,
            acc, sem):
        c = lax.axis_index("c")
        s = lax.axis_index("s")

        pltpu.sync_copy(didx_hbm.at[s], didx_v)

        for p in range(passes):
            chunk = c * passes + p
            row_off = chunk * NP
            pltpu.sync_copy(sidx_hbm.at[s], sidx_v)

            def adj(r, _):
                for j in range(EB // 16):
                    sl = pl.ds(j * 16, 16)
                    sidx_v[r, sl] = sidx_v[r, sl] + row_off
                return 0
            lax.fori_loop(0, NB, adj, 0)

            def zrow(r, _):
                for j in range(FC // 16):
                    rows_v[r, pl.ds(j * 16, 16)] = jnp.zeros((16,),
                                                             jnp.float32)
                return 0
            lax.fori_loop(0, EB, zrow, 0)

            def zcp(j, _):
                pltpu.sync_copy(rows_v,
                                acc.at[pl.ds(s * RPT_S + j * 128, 128)])
                return 0
            lax.fori_loop(0, RPT_S // 128, zcp, 0)
            plsc.subcore_barrier()

            def body(b, _):
                pltpu.async_copy(feat_hbm.at[sidx_v.at[b]], rows_v,
                                 sem).wait()
                pltpu.sync_copy(rows_v, acc.at[didx_v.at[b]], add=True)
                return 0
            lax.fori_loop(0, NB, body, 0)
            plsc.subcore_barrier()

            def ocp(j, _):
                off = s * RPT_S + j * 128
                pltpu.sync_copy(acc.at[pl.ds(off, 128)], rows_v)
                pltpu.sync_copy(rows_v, out_hbm.at[pl.ds(chunk * NP + off,
                                                         128)])
                return 0
            lax.fori_loop(0, RPT_S // 128, ocp, 0)

    return seg


_segsum2 = _make_segsum(F // FC)
_segsum4 = _make_segsum(H // FC)


RB = 1280
GRID = NP // RB


def _prep_body(deg_ref, x_ref, o_ref):
    od = jnp.maximum(deg_ref[:, 0:1], 1.0)
    onorm = 1.0 / jnp.sqrt(od)
    xn = x_ref[...] * onorm
    o_ref[0] = xn[:, :FC]
    o_ref[1] = xn[:, FC:]


def _prep(deg, x):
    return pl.pallas_call(
        _prep_body,
        grid=(GRID,),
        in_specs=[
            pl.BlockSpec((RB, 2), lambda r: (r, 0)),
            pl.BlockSpec((RB, F), lambda r: (r, 0)),
        ],
        out_specs=pl.BlockSpec((2, RB, FC), lambda r: (0, r, 0)),
        out_shape=jax.ShapeDtypeStruct((2, NP, FC), jnp.float32),
    )(deg, x)


def _layer1_body(a0_ref, a1_ref, deg_ref, w_ref, b_ref, o_ref):
    od = jnp.maximum(deg_ref[:, 0:1], 1.0)
    idg = jnp.maximum(deg_ref[:, 1:2], 1.0)
    onorm = 1.0 / jnp.sqrt(od)
    inorm = 1.0 / jnp.sqrt(idg)
    acc = jnp.dot(a0_ref[...], w_ref[:FC, :],
                  preferred_element_type=jnp.float32)
    acc += jnp.dot(a1_ref[...], w_ref[FC:, :],
                   preferred_element_type=jnp.float32)
    h = jnp.maximum(acc * inorm + b_ref[...], 0.0) * onorm
    for k in range(H // FC):
        o_ref[k] = h[:, k * FC:(k + 1) * FC]


def _layer1(aggx, deg, W1, b1):
    return pl.pallas_call(
        _layer1_body,
        grid=(GRID,),
        in_specs=[
            pl.BlockSpec((RB, FC), lambda r: (r, 0)),
            pl.BlockSpec((RB, FC), lambda r: (r + GRID, 0)),
            pl.BlockSpec((RB, 2), lambda r: (r, 0)),
            pl.BlockSpec((F, H), lambda r: (0, 0)),
            pl.BlockSpec((1, H), lambda r: (0, 0)),
        ],
        out_specs=pl.BlockSpec((H // FC, RB, FC), lambda r: (0, r, 0)),
        out_shape=jax.ShapeDtypeStruct((H // FC, NP, FC), jnp.float32),
    )(aggx, aggx, deg, W1, b1)


def _head_body(a0_ref, a1_ref, a2_ref, a3_ref, deg_ref,
               w_ref, b_ref, emb_ref, pr_ref, o_ref):
    idg = jnp.maximum(deg_ref[:, 1:2], 1.0)
    inorm = 1.0 / jnp.sqrt(idg)
    a = (a0_ref, a1_ref, a2_ref, a3_ref)
    acc = jnp.dot(a[0][...], w_ref[:FC, :],
                  preferred_element_type=jnp.float32)
    for k in range(1, H // FC):
        acc += jnp.dot(a[k][...], w_ref[k * FC:(k + 1) * FC, :],
                       preferred_element_type=jnp.float32)
    h2 = acc * inorm + b_ref[...]
    e = emb_ref[...]
    pr = pr_ref[...]
    ssum = (jnp.sum(h2 * h2, axis=1, keepdims=True)
            + jnp.sum(e * e, axis=1, keepdims=True))
    zp = lax.dot_general(h2, pr[:, :H], (((1,), (1,)), ((), ())),
                         preferred_element_type=jnp.float32)
    zp += lax.dot_general(e, pr[:, H:], (((1,), (1,)), ((), ())),
                          preferred_element_type=jnp.float32)
    p2 = jnp.sum(pr * pr, axis=1)[None, :]
    o_ref[...] = -(ssum - 2.0 * zp + p2)


def _head(aggh, deg, W2, b2, emb, P):
    return pl.pallas_call(
        _head_body,
        grid=(GRID,),
        in_specs=[
            pl.BlockSpec((RB, FC), lambda r: (r, 0)),
            pl.BlockSpec((RB, FC), lambda r: (r + GRID, 0)),
            pl.BlockSpec((RB, FC), lambda r: (r + 2 * GRID, 0)),
            pl.BlockSpec((RB, FC), lambda r: (r + 3 * GRID, 0)),
            pl.BlockSpec((RB, 2), lambda r: (r, 0)),
            pl.BlockSpec((H, H), lambda r: (0, 0)),
            pl.BlockSpec((1, H), lambda r: (0, 0)),
            pl.BlockSpec((RB, H), lambda r: (r, 0)),
            pl.BlockSpec((C, 2 * H), lambda r: (0, 0)),
        ],
        out_specs=pl.BlockSpec((RB, C), lambda r: (r, 0)),
        out_shape=jax.ShapeDtypeStruct((NP, C), jnp.float32),
    )(aggh, aggh, aggh, aggh, deg, W2, b2, emb, P)


def kernel(edge_index, x, emb, W1, b1, W2, b2, P):
    src = edge_index[0]
    dst = edge_index[1]

    dstream = jnp.concatenate([src, dst]).reshape(NC * NS, -1)
    pad32 = jnp.full((NC * NS, NB * EB - dstream.shape[1]), N, jnp.int32)
    didx = jnp.concatenate([dstream, pad32], axis=1).reshape(NC * NS, NB, EB)

    padT = jnp.full((NS, NB * EB - E // NS), N, jnp.int32)
    sseg = jnp.concatenate([src.reshape(NS, -1), padT],
                           axis=1).reshape(NS, NB, EB)
    dseg = jnp.concatenate([dst.reshape(NS, -1), padT],
                           axis=1).reshape(NS, NB, EB)

    xp = jnp.zeros((NP, F), jnp.float32).at[:N].set(x)
    embp = jnp.zeros((NP, H), jnp.float32).at[:N].set(emb)

    parts = _deg_hist(didx)
    deg = _deg_reduce(parts).reshape(NC, NP).T
    xn = _prep(deg, xp).reshape(2 * NP, FC)
    aggx = _segsum2(sseg, dseg, xn)
    h1n = _layer1(aggx, deg, W1,
                  b1.reshape(1, H)).reshape(4 * NP, FC)
    aggh = _segsum4(sseg, dseg, h1n)
    return _head(aggh, deg, W2, b2.reshape(1, H), embp, P)[:N]

# --- scband reference (transcript-rebuilt; emitter-appended) ---
"""Pipeline reference for scband-model-87892210745359 (READ-ONLY COPY).

The authoritative reference and input builder live on the scoring server;
editing this copy changes nothing except your own understanding.
"""

import jax, jax.numpy as jnp
import numpy as np

N, E, F, H, C = 10000, 160000, 256, 512, 40

def setup_inputs(seed: int = 0) -> dict:
    key = jax.random.key(seed)
    ks = jax.random.split(key, 8)
    x = jax.random.normal(ks[0], (N, F), dtype=jnp.float32)
    edge_index = jax.random.randint(ks[1], (2, E), 0, N, dtype=jnp.int32)
    emb = jax.random.normal(ks[2], (N, H), dtype=jnp.float32)
    W1 = jax.random.normal(ks[3], (F, H), dtype=jnp.float32) * (1.0 / np.sqrt(F))
    b1 = jnp.zeros((H,), dtype=jnp.float32)
    W2 = jax.random.normal(ks[4], (H, H), dtype=jnp.float32) * (1.0 / np.sqrt(H))
    b2 = jnp.zeros((H,), dtype=jnp.float32)
    P = jax.random.normal(ks[5], (C, 2 * H), dtype=jnp.float32)
    return {"edge_index": edge_index, "x": x, "emb": emb, "W1": W1, "b1": b1, "W2": W2, "b2": b2, "P": P}

def _graph_conv(h, src, dst, out_norm, in_norm, W, b):
    # DGL GraphConv with norm='both': D_out^{-1/2} applied to src feats, D_in^{-1/2} to aggregated dst feats
    h = h * out_norm[:, None]
    h = h @ W  # mult W first (dense compute)
    agg = jax.ops.segment_sum(h[src], dst, num_segments=N)
    agg = agg * in_norm[:, None]
    return agg + b

def reference(edge_index, x, emb, W1, b1, W2, b2, P):
    src = edge_index[0]
    dst = edge_index[1]
    out_deg = jnp.clip(jnp.bincount(src, length=N), 1).astype(jnp.float32)
    in_deg = jnp.clip(jnp.bincount(dst, length=N), 1).astype(jnp.float32)
    out_norm = out_deg ** -0.5
    in_norm = in_deg ** -0.5
    # layer 1 (dropout is identity in eval), activation on first layer
    h = _graph_conv(x, src, dst, out_norm, in_norm, W1, b1)
    h = jax.nn.relu(h)
    # layer 2 (no activation)
    h = _graph_conv(h, src, dst, out_norm, in_norm, W2, b2)
    # concat with external embedding
    h = jnp.concatenate([h, emb], axis=1)  # [N, 2H]
    # Prototype layer: negative squared Euclidean distance to class prototypes
    d = jnp.sum(h * h, axis=1, keepdims=True) - 2.0 * (h @ P.T) + jnp.sum(P * P, axis=1)[None, :]
    return -d  # [N, C]

if __name__ == "__main__":
    import jax
    _d = setup_inputs()
    print(jax.jit(kernel)(*tuple(_d.values())))

</pallas_src>

<mosaic_0001>
#map = affine_map<(d0, d1) -> (0, 0, 0)>
#map1 = affine_map<(d0, d1) -> (0)>
module attributes {stable_mosaic.version = 14 : i64} {
  func.func @_deg_hist(%arg0: i32, %arg1: i32, %arg2: memref<32x80x128xi32, #tpu.memory_space<hbm>>, %arg3: memref<327680xf32, #tpu.memory_space<hbm>>, %arg4: memref<80x128xi32, #tpu.memory_space<vmem>>, %arg5: memref<10240xf32, #tpu.memory_space<vmem>>) attributes {dimension_semantics = [#tpu.dimension_semantics<core_parallel>, #tpu.dimension_semantics<subcore_parallel>], iteration_bounds = array<i64: 2, 16>, scalar_prefetch = 0 : i64, scratch_operands = 2 : i64, tpu.core_type = #tpu.core_type<sc_vector_subcore>, window_params = [{transform_indices = #map}, {transform_indices = #map1}]} {
    %mul3A = arith.constant 16 : i32
    %mul3A_0 = arith.muli %arg0, %mul3A : i32
    %add3A = arith.addi %mul3A_0, %arg1 : i32
    "tpu.region"() ({
      %run_scoped3A = tpu.sem_alloc : memref<!tpu.dma_semaphore, #tpu.memory_space<semaphore_mem>>
      %dma_start3A = arith.constant 0 : i32
      %dma_start3A_17 = arith.constant 0 : i32
      %dma_start3A_18 = tpu.memref_slice %arg2[%add3A, %dma_start3A, %dma_start3A_17] : memref<32x80x128xi32, #tpu.memory_space<hbm>> -> memref<1x80x128xi32, #tpu.memory_space<hbm>>
      %dma_start3A_19 = tpu.memref_squeeze %dma_start3A_18 : memref<1x80x128xi32, #tpu.memory_space<hbm>> -> memref<80x128xi32, #tpu.memory_space<hbm>>
      %dma_start3A_20 = arith.constant 0 : i32
      %dma_start3A_21 = arith.constant 0 : i32
      %dma_start3A_22 = tpu.memref_slice %arg2[%add3A, %dma_start3A_20, %dma_start3A_21] : memref<32x80x128xi32, #tpu.memory_space<hbm>> -> memref<1x80x128xi32, #tpu.memory_space<hbm>>
      %dma_start3A_23 = tpu.memref_squeeze %dma_start3A_22 : memref<1x80x128xi32, #tpu.memory_space<hbm>> -> memref<80x128xi32, #tpu.memory_space<hbm>>
      tpu.enqueue_dma source(%dma_start3A_23 : memref<80x128xi32, #tpu.memory_space<hbm>>) target(%arg4 : memref<80x128xi32, #tpu.memory_space<vmem>>) target_semaphore(%run_scoped3A : memref<!tpu.dma_semaphore, #tpu.memory_space<semaphore_mem>>)
      %dma_wait3A = arith.constant 0 : i32
      %dma_wait3A_24 = arith.constant 0 : i32
      %dma_wait3A_25 = tpu.memref_slice %arg2[%add3A, %dma_wait3A, %dma_wait3A_24] : memref<32x80x128xi32, #tpu.memory_space<hbm>> -> memref<1x80x128xi32, #tpu.memory_space<hbm>>
      %dma_wait3A_26 = tpu.memref_squeeze %dma_wait3A_25 : memref<1x80x128xi32, #tpu.memory_space<hbm>> -> memref<80x128xi32, #tpu.memory_space<hbm>>
      %dma_wait3A_27 = arith.constant 0 : i32
      %dma_wait3A_28 = arith.constant 0 : i32
      %dma_wait3A_29 = tpu.memref_slice %arg2[%add3A, %dma_wait3A_27, %dma_wait3A_28] : memref<32x80x128xi32, #tpu.memory_space<hbm>> -> memref<1x80x128xi32, #tpu.memory_space<hbm>>
      %dma_wait3A_30 = tpu.memref_squeeze %dma_wait3A_29 : memref<1x80x128xi32, #tpu.memory_space<hbm>> -> memref<80x128xi32, #tpu.memory_space<hbm>>
      tpu.wait_dma2 semaphore(%run_scoped3A : memref<!tpu.dma_semaphore, #tpu.memory_space<semaphore_mem>>) src(%dma_wait3A_30 : memref<80x128xi32, #tpu.memory_space<hbm>>) dst(%arg4 : memref<80x128xi32, #tpu.memory_space<vmem>>)
      tpu.yield
    }) : () -> ()
    %scan3A = arith.constant 0 : i32
    %scan3A_1 = arith.constant 0 : i32
    %scan3A_2 = arith.constant 640 : i32
    %scan3A_3 = arith.addi %scan3A_1, %scan3A_2 : i32
    %scan3A_4 = arith.constant 1 : i32
    %scan3A_5 = scf.for %scan3A_17 = %scan3A_1 to %scan3A_3 step %scan3A_4 iter_args(%scan3A_18 = %scan3A) -> (i32)  : i32 {
      %broadcast_in_dim3A_19 = arith.constant 0.000000e+00 : f32
      %broadcast_in_dim3A_20 = vector.broadcast %broadcast_in_dim3A_19 : f32 to vector<16xf32>
      %mul3A_21 = arith.constant 16 : i32
      %mul3A_22 = arith.muli %scan3A_17, %mul3A_21 : i32
      %swap3A = arith.index_cast %mul3A_22 : i32 to index
      %swap3A_23 = tpu.vector_load %arg5[%swap3A] {strides = array<i32>} : memref<10240xf32, #tpu.memory_space<vmem>>, vector<16xf32>,
      tpu.vector_store %arg5[%swap3A], %broadcast_in_dim3A_20 {strides = array<i32>} : memref<10240xf32, #tpu.memory_space<vmem>>, vector<16xf32>,
      %scan3A_24 = arith.constant 0 : i32
      scf.yield %scan3A_24 : i32
    }
    %scan3A_6 = arith.constant 640 : i32
    %broadcast_in_dim3A = arith.constant 1.000000e+00 : f32
    %broadcast_in_dim3A_7 = vector.broadcast %broadcast_in_dim3A : f32 to vector<16xf32>
    %scan3A_8 = arith.constant 0 : i32
    %scan3A_9 = arith.constant 0 : i32
    %scan3A_10 = arith.constant 80 : i32
    %scan3A_11 = arith.addi %scan3A_9, %scan3A_10 : i32
    %scan3A_12 = arith.constant 1 : i32
    %scan3A_13 = scf.for %scan3A_17 = %scan3A_9 to %scan3A_11 step %scan3A_12 iter_args(%scan3A_18 = %scan3A_8) -> (i32)  : i32 {
      %scan3A_19 = arith.constant 0 : i32
      %scan3A_20 = arith.constant 0 : i32
      %scan3A_21 = arith.constant 8 : i32
      %scan3A_22 = arith.addi %scan3A_20, %scan3A_21 : i32
      %scan3A_23 = arith.constant 1 : i32
      %scan3A_24 = scf.for %scan3A_27 = %scan3A_20 to %scan3A_22 step %scan3A_23 iter_args(%scan3A_28 = %scan3A_19) -> (i32)  : i32 {
        %mul3A_29 = arith.constant 16 : i32
        %mul3A_30 = arith.muli %scan3A_27, %mul3A_29 : i32
        %get3A = arith.index_cast %scan3A_17 : i32 to index
        %get3A_31 = arith.index_cast %mul3A_30 : i32 to index
        %get3A_32 = tpu.vector_load %arg4[%get3A, %get3A_31] {strides = array<i32>} : memref<80x128xi32, #tpu.memory_space<vmem>>, vector<16xi32>,
        tpu.vector_store_idx %arg5[%get3A_32], %broadcast_in_dim3A_7 {add = true} : memref<10240xf32, #tpu.memory_space<vmem>>[vector<16xi32>], vector<16xf32>,
        %scan3A_33 = arith.constant 0 : i32
        scf.yield %scan3A_33 : i32
      }
      %scan3A_25 = arith.constant 8 : i32
      %scan3A_26 = arith.constant 0 : i32
      scf.yield %scan3A_26 : i32
    }
    %scan3A_14 = arith.constant 80 : i32
    %mul3A_15 = arith.constant 10240 : i32
    %mul3A_16 = arith.muli %add3A, %mul3A_15 : i32
    "tpu.region"() ({
      %run_scoped3A = tpu.sem_alloc : memref<!tpu.dma_semaphore, #tpu.memory_space<semaphore_mem>>
      %dma_start3A = tpu.memref_slice %arg3[%mul3A_16] : memref<327680xf32, #tpu.memory_space<hbm>> -> memref<10240xf32, #tpu.memory_space<hbm>>
      %dma_start3A_17 = tpu.memref_slice %arg3[%mul3A_16] : memref<327680xf32, #tpu.memory_space<hbm>> -> memref<10240xf32, #tpu.memory_space<hbm>>
      tpu.enqueue_dma source(%arg5 : memref<10240xf32, #tpu.memory_space<vmem>>) target(%dma_start3A_17 : memref<10240xf32, #tpu.memory_space<hbm>>) target_semaphore(%run_scoped3A : memref<!tpu.dma_semaphore, #tpu.memory_space<semaphore_mem>>)
      %dma_wait3A = tpu.memref_slice %arg3[%mul3A_16] : memref<327680xf32, #tpu.memory_space<hbm>> -> memref<10240xf32, #tpu.memory_space<hbm>>
      %dma_wait3A_18 = tpu.memref_slice %arg3[%mul3A_16] : memref<327680xf32, #tpu.memory_space<hbm>> -> memref<10240xf32, #tpu.memory_space<hbm>>
      tpu.wait_dma2 semaphore(%run_scoped3A : memref<!tpu.dma_semaphore, #tpu.memory_space<semaphore_mem>>) src(%arg5 : memref<10240xf32, #tpu.memory_space<vmem>>) dst(%dma_wait3A_18 : memref<10240xf32, #tpu.memory_space<hbm>>)
      tpu.yield
    }) : () -> ()
    return
  }
}

#map = affine_map<(d0, d1) -> (0, 0, 0)>
#map1 = affine_map<(d0, d1) -> (0, 0)>
module attributes {stable_mosaic.version = 14 : i64} {
  func.func @seg(%arg0: i32, %arg1: i32, %arg2: memref<16x80x128xi32, #tpu.memory_space<hbm>>, %arg3: memref<16x80x128xi32, #tpu.memory_space<hbm>>, %arg4: memref<40960x128xf32, #tpu.memory_space<hbm>>, %arg5: memref<40960x128xf32, #tpu.memory_space<hbm>>, %arg6: memref<80x128xi32, #tpu.memory_space<vmem>>, %arg7: memref<80x128xi32, #tpu.memory_space<vmem>>, %arg8: memref<128x128xf32, #tpu.memory_space<vmem>>, %arg9: memref<10240x128xf32, #tpu.memory_space<vmem_shared>>, %arg10: memref<!tpu.dma_semaphore, #tpu.memory_space<semaphore_mem>>) attributes {dimension_semantics = [#tpu.dimension_semantics<core_parallel>, #tpu.dimension_semantics<subcore_parallel>], iteration_bounds = array<i64: 2, 16>, scalar_prefetch = 0 : i64, scratch_operands = 5 : i64, tpu.core_type = #tpu.core_type<sc_vector_subcore>, window_params = [{transform_indices = #map}, {transform_indices = #map}, {transform_indices = #map1}, {transform_indices = #map1}]} {
    "tpu.region"() ({
      %run_scoped3A = tpu.sem_alloc : memref<!tpu.dma_semaphore, #tpu.memory_space<semaphore_mem>>
      %dma_start3A = arith.constant 0 : i32
      %dma_start3A_82 = arith.constant 0 : i32
      %dma_start3A_83 = tpu.memref_slice %arg3[%arg1, %dma_start3A, %dma_start3A_82] : memref<16x80x128xi32, #tpu.memory_space<hbm>> -> memref<1x80x128xi32, #tpu.memory_space<hbm>>
      %dma_start3A_84 = tpu.memref_squeeze %dma_start3A_83 : memref<1x80x128xi32, #tpu.memory_space<hbm>> -> memref<80x128xi32, #tpu.memory_space<hbm>>
      %dma_start3A_85 = arith.constant 0 : i32
      %dma_start3A_86 = arith.constant 0 : i32
      %dma_start3A_87 = tpu.memref_slice %arg3[%arg1, %dma_start3A_85, %dma_start3A_86] : memref<16x80x128xi32, #tpu.memory_space<hbm>> -> memref<1x80x128xi32, #tpu.memory_space<hbm>>
      %dma_start3A_88 = tpu.memref_squeeze %dma_start3A_87 : memref<1x80x128xi32, #tpu.memory_space<hbm>> -> memref<80x128xi32, #tpu.memory_space<hbm>>
      tpu.enqueue_dma source(%dma_start3A_88 : memref<80x128xi32, #tpu.memory_space<hbm>>) target(%arg7 : memref<80x128xi32, #tpu.memory_space<vmem>>) target_semaphore(%run_scoped3A : memref<!tpu.dma_semaphore, #tpu.memory_space<semaphore_mem>>)
      %dma_wait3A = arith.constant 0 : i32
      %dma_wait3A_89 = arith.constant 0 : i32
      %dma_wait3A_90 = tpu.memref_slice %arg3[%arg1, %dma_wait3A, %dma_wait3A_89] : memref<16x80x128xi32, #tpu.memory_space<hbm>> -> memref<1x80x128xi32, #tpu.memory_space<hbm>>
      %dma_wait3A_91 = tpu.memref_squeeze %dma_wait3A_90 : memref<1x80x128xi32, #tpu.memory_space<hbm>> -> memref<80x128xi32, #tpu.memory_space<hbm>>
      %dma_wait3A_92 = arith.constant 0 : i32
      %dma_wait3A_93 = arith.constant 0 : i32
      %dma_wait3A_94 = tpu.memref_slice %arg3[%arg1, %dma_wait3A_92, %dma_wait3A_93] : memref<16x80x128xi32, #tpu.memory_space<hbm>> -> memref<1x80x128xi32, #tpu.memory_space<hbm>>
      %dma_wait3A_95 = tpu.memref_squeeze %dma_wait3A_94 : memref<1x80x128xi32, #tpu.memory_space<hbm>> -> memref<80x128xi32, #tpu.memory_space<hbm>>
      tpu.wait_dma2 semaphore(%run_scoped3A : memref<!tpu.dma_semaphore, #tpu.memory_space<semaphore_mem>>) src(%dma_wait3A_95 : memref<80x128xi32, #tpu.memory_space<hbm>>) dst(%arg7 : memref<80x128xi32, #tpu.memory_space<vmem>>)
      tpu.yield
    }) : () -> ()
    %mul3A = arith.constant 2 : i32
    %mul3A_0 = arith.muli %arg0, %mul3A : i32
    %add3A = arith.constant 0 : i32
    %add3A_1 = arith.addi %mul3A_0, %add3A : i32
    %mul3A_2 = arith.constant 10240 : i32
    %mul3A_3 = arith.muli %add3A_1, %mul3A_2 : i32
    "tpu.region"() ({
      %run_scoped3A = tpu.sem_alloc : memref<!tpu.dma_semaphore, #tpu.memory_space<semaphore_mem>>
      %dma_start3A = arith.constant 0 : i32
      %dma_start3A_82 = arith.constant 0 : i32
      %dma_start3A_83 = tpu.memref_slice %arg2[%arg1, %dma_start3A, %dma_start3A_82] : memref<16x80x128xi32, #tpu.memory_space<hbm>> -> memref<1x80x128xi32, #tpu.memory_space<hbm>>
      %dma_start3A_84 = tpu.memref_squeeze %dma_start3A_83 : memref<1x80x128xi32, #tpu.memory_space<hbm>> -> memref<80x128xi32, #tpu.memory_space<hbm>>
      %dma_start3A_85 = arith.constant 0 : i32
      %dma_start3A_86 = arith.constant 0 : i32
      %dma_start3A_87 = tpu.memref_slice %arg2[%arg1, %dma_start3A_85, %dma_start3A_86] : memref<16x80x128xi32, #tpu.memory_space<hbm>> -> memref<1x80x128xi32, #tpu.memory_space<hbm>>
      %dma_start3A_88 = tpu.memref_squeeze %dma_start3A_87 : memref<1x80x128xi32, #tpu.memory_space<hbm>> -> memref<80x128xi32, #tpu.memory_space<hbm>>
      tpu.enqueue_dma source(%dma_start3A_88 : memref<80x128xi32, #tpu.memory_space<hbm>>) target(%arg6 : memref<80x128xi32, #tpu.memory_space<vmem>>) target_semaphore(%run_scoped3A : memref<!tpu.dma_semaphore, #tpu.memory_space<semaphore_mem>>)
      %dma_wait3A = arith.constant 0 : i32
      %dma_wait3A_89 = arith.constant 0 : i32
      %dma_wait3A_90 = tpu.memref_slice %arg2[%arg1, %dma_wait3A, %dma_wait3A_89] : memref<16x80x128xi32, #tpu.memory_space<hbm>> -> memref<1x80x128xi32, #tpu.memory_space<hbm>>
      %dma_wait3A_91 = tpu.memref_squeeze %dma_wait3A_90 : memref<1x80x128xi32, #tpu.memory_space<hbm>> -> memref<80x128xi32, #tpu.memory_space<hbm>>
      %dma_wait3A_92 = arith.constant 0 : i32
      %dma_wait3A_93 = arith.constant 0 : i32
      %dma_wait3A_94 = tpu.memref_slice %arg2[%arg1, %dma_wait3A_92, %dma_wait3A_93] : memref<16x80x128xi32, #tpu.memory_space<hbm>> -> memref<1x80x128xi32, #tpu.memory_space<hbm>>
      %dma_wait3A_95 = tpu.memref_squeeze %dma_wait3A_94 : memref<1x80x128xi32, #tpu.memory_space<hbm>> -> memref<80x128xi32, #tpu.memory_space<hbm>>
      tpu.wait_dma2 semaphore(%run_scoped3A : memref<!tpu.dma_semaphore, #tpu.memory_space<semaphore_mem>>) src(%dma_wait3A_95 : memref<80x128xi32, #tpu.memory_space<hbm>>) dst(%arg6 : memref<80x128xi32, #tpu.memory_space<vmem>>)
      tpu.yield
    }) : () -> ()
    %scan3A = arith.constant 0 : i32
    %scan3A_4 = arith.constant 0 : i32
    %scan3A_5 = arith.constant 80 : i32
    %scan3A_6 = arith.addi %scan3A_4, %scan3A_5 : i32
    %scan3A_7 = arith.constant 1 : i32
    %scan3A_8 = scf.for %scan3A_82 = %scan3A_4 to %scan3A_6 step %scan3A_7 iter_args(%scan3A_83 = %scan3A) -> (i32)  : i32 {
      %get3A = arith.index_cast %scan3A_82 : i32 to index
      %get3A_84 = arith.constant 0 : index
      %get3A_85 = tpu.vector_load %arg6[%get3A, %get3A_84] {strides = array<i32>} : memref<80x128xi32, #tpu.memory_space<vmem>>, vector<1x16xi32>,
      %get3A_86 = vector.shape_cast %get3A_85 : vector<1x16xi32> to vector<16xi32>
      %add3A_87 = vector.broadcast %mul3A_3 : i32 to vector<16xi32>
      %add3A_88 = arith.addi %get3A_86, %add3A_87 : vector<16xi32>
      %swap3A = arith.index_cast %scan3A_82 : i32 to index
      %swap3A_89 = arith.constant 0 : index
      %swap3A_90 = tpu.vector_load %arg6[%swap3A, %swap3A_89] {strides = array<i32>} : memref<80x128xi32, #tpu.memory_space<vmem>>, vector<1x16xi32>,
      %swap3A_91 = vector.shape_cast %swap3A_90 : vector<1x16xi32> to vector<16xi32>
      %swap3A_92 = vector.shape_cast %add3A_88 : vector<16xi32> to vector<1x16xi32>
      tpu.vector_store %arg6[%swap3A, %swap3A_89], %swap3A_92 {strides = array<i32>} : memref<80x128xi32, #tpu.memory_space<vmem>>, vector<1x16xi32>,
      %get3A_93 = arith.index_cast %scan3A_82 : i32 to index
      %get3A_94 = arith.constant 16 : index
      %get3A_95 = tpu.vector_load %arg6[%get3A_93, %get3A_94] {strides = array<i32>} : memref<80x128xi32, #tpu.memory_space<vmem>>, vector<1x16xi32>,
      %get3A_96 = vector.shape_cast %get3A_95 : vector<1x16xi32> to vector<16xi32>
      %add3A_97 = vector.broadcast %mul3A_3 : i32 to vector<16xi32>
      %add3A_98 = arith.addi %get3A_96, %add3A_97 : vector<16xi32>
      %swap3A_99 = arith.index_cast %scan3A_82 : i32 to index
      %swap3A_100 = arith.constant 16 : index
      %swap3A_101 = tpu.vector_load %arg6[%swap3A_99, %swap3A_100] {strides = array<i32>} : memref<80x128xi32, #tpu.memory_space<vmem>>, vector<1x16xi32>,
      %swap3A_102 = vector.shape_cast %swap3A_101 : vector<1x16xi32> to vector<16xi32>
      %swap3A_103 = vector.shape_cast %add3A_98 : vector<16xi32> to vector<1x16xi32>
      tpu.vector_store %arg6[%swap3A_99, %swap3A_100], %swap3A_103 {strides = array<i32>} : memref<80x128xi32, #tpu.memory_space<vmem>>, vector<1x16xi32>,
      %get3A_104 = arith.index_cast %scan3A_82 : i32 to index
      %get3A_105 = arith.constant 32 : index
      %get3A_106 = tpu.vector_load %arg6[%get3A_104, %get3A_105] {strides = array<i32>} : memref<80x128xi32, #tpu.memory_space<vmem>>, vector<1x16xi32>,
      %get3A_107 = vector.shape_cast %get3A_106 : vector<1x16xi32> to vector<16xi32>
      %add3A_108 = vector.broadcast %mul3A_3 : i32 to vector<16xi32>
      %add3A_109 = arith.addi %get3A_107, %add3A_108 : vector<16xi32>
      %swap3A_110 = arith.index_cast %scan3A_82 : i32 to index
      %swap3A_111 = arith.constant 32 : index
      %swap3A_112 = tpu.vector_load %arg6[%swap3A_110, %swap3A_111] {strides = array<i32>} : memref<80x128xi32, #tpu.memory_space<vmem>>, vector<1x16xi32>,
      %swap3A_113 = vector.shape_cast %swap3A_112 : vector<1x16xi32> to vector<16xi32>
      %swap3A_114 = vector.shape_cast %add3A_109 : vector<16xi32> to vector<1x16xi32>
      tpu.vector_store %arg6[%swap3A_110, %swap3A_111], %swap3A_114 {strides = array<i32>} : memref<80x128xi32, #tpu.memory_space<vmem>>, vector<1x16xi32>,
      %get3A_115 = arith.index_cast %scan3A_82 : i32 to index
      %get3A_116 = arith.constant 48 : index
      %get3A_117 = tpu.vector_load %arg6[%get3A_115, %get3A_116] {strides = array<i32>} : memref<80x128xi32, #tpu.memory_space<vmem>>, vector<1x16xi32>,
      %get3A_118 = vector.shape_cast %get3A_117 : vector<1x16xi32> to vector<16xi32>
      %add3A_119 = vector.broadcast %mul3A_3 : i32 to vector<16xi32>
      %add3A_120 = arith.addi %get3A_118, %add3A_119 : vector<16xi32>
      %swap3A_121 = arith.index_cast %scan3A_82 : i32 to index
      %swap3A_122 = arith.constant 48 : index
      %swap3A_123 = tpu.vector_load %arg6[%swap3A_121, %swap3A_122] {strides = array<i32>} : memref<80x128xi32, #tpu.memory_space<vmem>>, vector<1x16xi32>,
      %swap3A_124 = vector.shape_cast %swap3A_123 : vector<1x16xi32> to vector<16xi32>
      %swap3A_125 = vector.shape_cast %add3A_120 : vector<16xi32> to vector<1x16xi32>
      tpu.vector_store %arg6[%swap3A_121, %swap3A_122], %swap3A_125 {strides = array<i32>} : memref<80x128xi32, #tpu.memory_space<vmem>>, vector<1x16xi32>,
      %get3A_126 = arith.index_cast %scan3A_82 : i32 to index
      %get3A_127 = arith.constant 64 : index
      %get3A_128 = tpu.vector_load %arg6[%get3A_126, %get3A_127] {strides = array<i32>} : memref<80x128xi32, #tpu.memory_space<vmem>>, vector<1x16xi32>,
      %get3A_129 = vector.shape_cast %get3A_128 : vector<1x16xi32> to vector<16xi32>
      %add3A_130 = vector.broadcast %mul3A_3 : i32 to vector<16xi32>
      %add3A_131 = arith.addi %get3A_129, %add3A_130 : vector<16xi32>
      %swap3A_132 = arith.index_cast %scan3A_82 : i32 to index
      %swap3A_133 = arith.constant 64 : index
      %swap3A_134 = tpu.vector_load %arg6[%swap3A_132, %swap3A_133] {strides = array<i32>} : memref<80x128xi32, #tpu.memory_space<vmem>>, vector<1x16xi32>,
      %swap3A_135 = vector.shape_cast %swap3A_134 : vector<1x16xi32> to vector<16xi32>
      %swap3A_136 = vector.shape_cast %add3A_131 : vector<16xi32> to vector<1x16xi32>
      tpu.vector_store %arg6[%swap3A_132, %swap3A_133], %swap3A_136 {strides = array<i32>} : memref<80x128xi32, #tpu.memory_space<vmem>>, vector<1x16xi32>,
      %get3A_137 = arith.index_cast %scan3A_82 : i32 to index
      %get3A_138 = arith.constant 80 : index
      %get3A_139 = tpu.vector_load %arg6[%get3A_137, %get3A_138] {strides = array<i32>} : memref<80x128xi32, #tpu.memory_space<vmem>>, vector<1x16xi32>,
      %get3A_140 = vector.shape_cast %get3A_139 : vector<1x16xi32> to vector<16xi32>
      %add3A_141 = vector.broadcast %mul3A_3 : i32 to vector<16xi32>
      %add3A_142 = arith.addi %get3A_140, %add3A_141 : vector<16xi32>
      %swap3A_143 = arith.index_cast %scan3A_82 : i32 to index
      %swap3A_144 = arith.constant 80 : index
      %swap3A_145 = tpu.vector_load %arg6[%swap3A_143, %swap3A_144] {strides = array<i32>} : memref<80x128xi32, #tpu.memory_space<vmem>>, vector<1x16xi32>,
      %swap3A_146 = vector.shape_cast %swap3A_145 : vector<1x16xi32> to vector<16xi32>
      %swap3A_147 = vector.shape_cast %add3A_142 : vector<16xi32> to vector<1x16xi32>
      tpu.vector_store %arg6[%swap3A_143, %swap3A_144], %swap3A_147 {strides = array<i32>} : memref<80x128xi32, #tpu.memory_space<vmem>>, vector<1x16xi32>,
      %get3A_148 = arith.index_cast %scan3A_82 : i32 to index
      %get3A_149 = arith.constant 96 : index
      %get3A_150 = tpu.vector_load %arg6[%get3A_148, %get3A_149] {strides = array<i32>} : memref<80x128xi32, #tpu.memory_space<vmem>>, vector<1x16xi32>,
      %get3A_151 = vector.shape_cast %get3A_150 : vector<1x16xi32> to vector<16xi32>
      %add3A_152 = vector.broadcast %mul3A_3 : i32 to vector<16xi32>
      %add3A_153 = arith.addi %get3A_151, %add3A_152 : vector<16xi32>
      %swap3A_154 = arith.index_cast %scan3A_82 : i32 to index
      %swap3A_155 = arith.constant 96 : index
      %swap3A_156 = tpu.vector_load %arg6[%swap3A_154, %swap3A_155] {strides = array<i32>} : memref<80x128xi32, #tpu.memory_space<vmem>>, vector<1x16xi32>,
      %swap3A_157 = vector.shape_cast %swap3A_156 : vector<1x16xi32> to vector<16xi32>
      %swap3A_158 = vector.shape_cast %add3A_153 : vector<16xi32> to vector<1x16xi32>
      tpu.vector_store %arg6[%swap3A_154, %swap3A_155], %swap3A_158 {strides = array<i32>} : memref<80x128xi32, #tpu.memory_space<vmem>>, vector<1x16xi32>,
      %get3A_159 = arith.index_cast %scan3A_82 : i32 to index
      %get3A_160 = arith.constant 112 : index
      %get3A_161 = tpu.vector_load %arg6[%get3A_159, %get3A_160] {strides = array<i32>} : memref<80x128xi32, #tpu.memory_space<vmem>>, vector<1x16xi32>,
      %get3A_162 = vector.shape_cast %get3A_161 : vector<1x16xi32> to vector<16xi32>
      %add3A_163 = vector.broadcast %mul3A_3 : i32 to vector<16xi32>
      %add3A_164 = arith.addi %get3A_162, %add3A_163 : vector<16xi32>
      %swap3A_165 = arith.index_cast %scan3A_82 : i32 to index
      %swap3A_166 = arith.constant 112 : index
      %swap3A_167 = tpu.vector_load %arg6[%swap3A_165, %swap3A_166] {strides = array<i32>} : memref<80x128xi32, #tpu.memory_space<vmem>>, vector<1x16xi32>,
      %swap3A_168 = vector.shape_cast %swap3A_167 : vector<1x16xi32> to vector<16xi32>
      %swap3A_169 = vector.shape_cast %add3A_164 : vector<16xi32> to vector<1x16xi32>
      tpu.vector_store %arg6[%swap3A_165, %swap3A_166], %swap3A_169 {strides = array<i32>} : memref<80x128xi32, #tpu.memory_space<vmem>>, vector<1x16xi32>,
      %scan3A_170 = arith.constant 0 : i32
      scf.yield %scan3A_170 : i32
    }
    %scan3A_9 = arith.constant 80 : i32
    %scan3A_10 = arith.constant 0 : i32
    %scan3A_11 = arith.constant 0 : i32
    %scan3A_12 = arith.constant 128 : i32
    %scan3A_13 = arith.addi %scan3A_11, %scan3A_12 : i32
    %scan3A_14 = arith.constant 1 : i32
    %scan3A_15 = scf.for %scan3A_82 = %scan3A_11 to %scan3A_13 step %scan3A_14 iter_args(%scan3A_83 = %scan3A_10) -> (i32)  : i32 {
      %broadcast_in_dim3A = arith.constant 0.000000e+00 : f32
      %broadcast_in_dim3A_84 = vector.broadcast %broadcast_in_dim3A : f32 to vector<16xf32>
      %swap3A = arith.index_cast %scan3A_82 : i32 to index
      %swap3A_85 = arith.constant 0 : index
      %swap3A_86 = tpu.vector_load %arg8[%swap3A, %swap3A_85] {strides = array<i32>} : memref<128x128xf32, #tpu.memory_space<vmem>>, vector<1x16xf32>,
      %swap3A_87 = vector.shape_cast %swap3A_86 : vector<1x16xf32> to vector<16xf32>
      %swap3A_88 = vector.shape_cast %broadcast_in_dim3A_84 : vector<16xf32> to vector<1x16xf32>
      tpu.vector_store %arg8[%swap3A, %swap3A_85], %swap3A_88 {strides = array<i32>} : memref<128x128xf32, #tpu.memory_space<vmem>>, vector<1x16xf32>,
      %broadcast_in_dim3A_89 = arith.constant 0.000000e+00 : f32
      %broadcast_in_dim3A_90 = vector.broadcast %broadcast_in_dim3A_89 : f32 to vector<16xf32>
      %swap3A_91 = arith.index_cast %scan3A_82 : i32 to index
      %swap3A_92 = arith.constant 16 : index
      %swap3A_93 = tpu.vector_load %arg8[%swap3A_91, %swap3A_92] {strides = array<i32>} : memref<128x128xf32, #tpu.memory_space<vmem>>, vector<1x16xf32>,
      %swap3A_94 = vector.shape_cast %swap3A_93 : vector<1x16xf32> to vector<16xf32>
      %swap3A_95 = vector.shape_cast %broadcast_in_dim3A_90 : vector<16xf32> to vector<1x16xf32>
      tpu.vector_store %arg8[%swap3A_91, %swap3A_92], %swap3A_95 {strides = array<i32>} : memref<128x128xf32, #tpu.memory_space<vmem>>, vector<1x16xf32>,
      %broadcast_in_dim3A_96 = arith.constant 0.000000e+00 : f32
      %broadcast_in_dim3A_97 = vector.broadcast %broadcast_in_dim3A_96 : f32 to vector<16xf32>
      %swap3A_98 = arith.index_cast %scan3A_82 : i32 to index
      %swap3A_99 = arith.constant 32 : index
      %swap3A_100 = tpu.vector_load %arg8[%swap3A_98, %swap3A_99] {strides = array<i32>} : memref<128x128xf32, #tpu.memory_space<vmem>>, vector<1x16xf32>,
      %swap3A_101 = vector.shape_cast %swap3A_100 : vector<1x16xf32> to vector<16xf32>
      %swap3A_102 = vector.shape_cast %broadcast_in_dim3A_97 : vector<16xf32> to vector<1x16xf32>
      tpu.vector_store %arg8[%swap3A_98, %swap3A_99], %swap3A_102 {strides = array<i32>} : memref<128x128xf32, #tpu.memory_space<vmem>>, vector<1x16xf32>,
      %broadcast_in_dim3A_103 = arith.constant 0.000000e+00 : f32
      %broadcast_in_dim3A_104 = vector.broadcast %broadcast_in_dim3A_103 : f32 to vector<16xf32>
      %swap3A_105 = arith.index_cast %scan3A_82 : i32 to index
      %swap3A_106 = arith.constant 48 : index
      %swap3A_107 = tpu.vector_load %arg8[%swap3A_105, %swap3A_106] {strides = array<i32>} : memref<128x128xf32, #tpu.memory_space<vmem>>, vector<1x16xf32>,
      %swap3A_108 = vector.shape_cast %swap3A_107 : vector<1x16xf32> to vector<16xf32>
      %swap3A_109 = vector.shape_cast %broadcast_in_dim3A_104 : vector<16xf32> to vector<1x16xf32>
      tpu.vector_store %arg8[%swap3A_105, %swap3A_106], %swap3A_109 {strides = array<i32>} : memref<128x128xf32, #tpu.memory_space<vmem>>, vector<1x16xf32>,
      %broadcast_in_dim3A_110 = arith.constant 0.000000e+00 : f32
      %broadcast_in_dim3A_111 = vector.broadcast %broadcast_in_dim3A_110 : f32 to vector<16xf32>
      %swap3A_112 = arith.index_cast %scan3A_82 : i32 to index
      %swap3A_113 = arith.constant 64 : index
      %swap3A_114 = tpu.vector_load %arg8[%swap3A_112, %swap3A_113] {strides = array<i32>} : memref<128x128xf32, #tpu.memory_space<vmem>>, vector<1x16xf32>,
      %swap3A_115 = vector.shape_cast %swap3A_114 : vector<1x16xf32> to vector<16xf32>
      %swap3A_116 = vector.shape_cast %broadcast_in_dim3A_111 : vector<16xf32> to vector<1x16xf32>
      tpu.vector_store %arg8[%swap3A_112, %swap3A_113], %swap3A_116 {strides = array<i32>} : memref<128x128xf32, #tpu.memory_space<vmem>>, vector<1x16xf32>,
      %broadcast_in_dim3A_117 = arith.constant 0.000000e+00 : f32
      %broadcast_in_dim3A_118 = vector.broadcast %broadcast_in_dim3A_117 : f32 to vector<16xf32>
      %swap3A_119 = arith.index_cast %scan3A_82 : i32 to index
      %swap3A_120 = arith.constant 80 : index
      %swap3A_121 = tpu.vector_load %arg8[%swap3A_119, %swap3A_120] {strides = array<i32>} : memref<128x128xf32, #tpu.memory_space<vmem>>, vector<1x16xf32>,
      %swap3A_122 = vector.shape_cast %swap3A_121 : vector<1x16xf32> to vector<16xf32>
      %swap3A_123 = vector.shape_cast %broadcast_in_dim3A_118 : vector<16xf32> to vector<1x16xf32>
      tpu.vector_store %arg8[%swap3A_119, %swap3A_120], %swap3A_123 {strides = array<i32>} : memref<128x128xf32, #tpu.memory_space<vmem>>, vector<1x16xf32>,
      %broadcast_in_dim3A_124 = arith.constant 0.000000e+00 : f32
      %broadcast_in_dim3A_125 = vector.broadcast %broadcast_in_dim3A_124 : f32 to vector<16xf32>
      %swap3A_126 = arith.index_cast %scan3A_82 : i32 to index
      %swap3A_127 = arith.constant 96 : index
      %swap3A_128 = tpu.vector_load %arg8[%swap3A_126, %swap3A_127] {strides = array<i32>} : memref<128x128xf32, #tpu.memory_space<vmem>>, vector<1x16xf32>,
      %swap3A_129 = vector.shape_cast %swap3A_128 : vector<1x16xf32> to vector<16xf32>
      %swap3A_130 = vector.shape_cast %broadcast_in_dim3A_125 : vector<16xf32> to vector<1x16xf32>
      tpu.vector_store %arg8[%swap3A_126, %swap3A_127], %swap3A_130 {strides = array<i32>} : memref<128x128xf32, #tpu.memory_space<vmem>>, vector<1x16xf32>,
      %broadcast_in_dim3A_131 = arith.constant 0.000000e+00 : f32
      %broadcast_in_dim3A_132 = vector.broadcast %broadcast_in_dim3A_131 : f32 to vector<16xf32>
      %swap3A_133 = arith.index_cast %scan3A_82 : i32 to index
      %swap3A_134 = arith.constant 112 : index
      %swap3A_135 = tpu.vector_load %arg8[%swap3A_133, %swap3A_134] {strides = array<i32>} : memref<128x128xf32, #tpu.memory_space<vmem>>, vector<1x16xf32>,
      %swap3A_136 = vector.shape_cast %swap3A_135 : vector<1x16xf32> to vector<16xf32>
      %swap3A_137 = vector.shape_cast %broadcast_in_dim3A_132 : vector<16xf32> to vector<1x16xf32>
      tpu.vector_store %arg8[%swap3A_133, %swap3A_134], %swap3A_137 {strides = array<i32>} : memref<128x128xf32, #tpu.memory_space<vmem>>, vector<1x16xf32>,
      %scan3A_138 = arith.constant 0 : i32
      scf.yield %scan3A_138 : i32
    }
    %scan3A_16 = arith.constant 128 : i32
    %scan3A_17 = arith.constant 0 : i32
    %scan3A_18 = arith.constant 0 : i32
    %scan3A_19 = arith.constant 5 : i32
    %scan3A_20 = arith.addi %scan3A_18, %scan3A_19 : i32
    %scan3A_21 = arith.constant 1 : i32
    %scan3A_22 = scf.for %scan3A_82 = %scan3A_18 to %scan3A_20 step %scan3A_21 iter_args(%scan3A_83 = %scan3A_17) -> (i32)  : i32 {
      %mul3A_84 = arith.constant 640 : i32
      %mul3A_85 = arith.muli %arg1, %mul3A_84 : i32
      %mul3A_86 = arith.constant 128 : i32
      %mul3A_87 = arith.muli %scan3A_82, %mul3A_86 : i32
      %add3A_88 = arith.addi %mul3A_85, %mul3A_87 : i32
      "tpu.region"() ({
        %run_scoped3A = tpu.sem_alloc : memref<!tpu.dma_semaphore, #tpu.memory_space<semaphore_mem>>
        %dma_start3A = arith.constant 0 : i32
        %dma_start3A_90 = tpu.memref_slice %arg9[%add3A_88, %dma_start3A] : memref<10240x128xf32, #tpu.memory_space<vmem_shared>> -> memref<128x128xf32, #tpu.memory_space<vmem_shared>>
        %dma_start3A_91 = arith.constant 0 : i32
        %dma_start3A_92 = tpu.memref_slice %arg9[%add3A_88, %dma_start3A_91] : memref<10240x128xf32, #tpu.memory_space<vmem_shared>> -> memref<128x128xf32, #tpu.memory_space<vmem_shared>>
        tpu.enqueue_dma source(%arg8 : memref<128x128xf32, #tpu.memory_space<vmem>>) target(%dma_start3A_92 : memref<128x128xf32, #tpu.memory_space<vmem_shared>>) target_semaphore(%run_scoped3A : memref<!tpu.dma_semaphore, #tpu.memory_space<semaphore_mem>>)
        %dma_wait3A = arith.constant 0 : i32
        %dma_wait3A_93 = tpu.memref_slice %arg9[%add3A_88, %dma_wait3A] : memref<10240x128xf32, #tpu.memory_space<vmem_shared>> -> memref<128x128xf32, #tpu.memory_space<vmem_shared>>
        %dma_wait3A_94 = arith.constant 0 : i32
        %dma_wait3A_95 = tpu.memref_slice %arg9[%add3A_88, %dma_wait3A_94] : memref<10240x128xf32, #tpu.memory_space<vmem_shared>> -> memref<128x128xf32, #tpu.memory_space<vmem_shared>>
        tpu.wait_dma2 semaphore(%run_scoped3A : memref<!tpu.dma_semaphore, #tpu.memory_space<semaphore_mem>>) src(%arg8 : memref<128x128xf32, #tpu.memory_space<vmem>>) dst(%dma_wait3A_95 : memref<128x128xf32, #tpu.memory_space<vmem_shared>>)
        tpu.yield
      }) : () -> ()
      %scan3A_89 = arith.constant 0 : i32
      scf.yield %scan3A_89 : i32
    }
    %scan3A_23 = arith.constant 5 : i32
    %barrier3A = arith.constant 0 : index
    tpu.barrier barrier_id(%barrier3A)
    %scan3A_24 = arith.constant 0 : i32
    %scan3A_25 = arith.constant 0 : i32
    %scan3A_26 = arith.constant 80 : i32
    %scan3A_27 = arith.addi %scan3A_25, %scan3A_26 : i32
    %scan3A_28 = arith.constant 1 : i32
    %scan3A_29 = scf.for %scan3A_82 = %scan3A_25 to %scan3A_27 step %scan3A_28 iter_args(%scan3A_83 = %scan3A_24) -> (i32)  : i32 {
      %dma_start3A = arith.constant 0 : i32
      %dma_start3A_84 = tpu.memref_slice %arg6[%scan3A_82, %dma_start3A] : memref<80x128xi32, #tpu.memory_space<vmem>> -> memref<1x128xi32, #tpu.memory_space<vmem>>
      %dma_start3A_85 = tpu.memref_squeeze %dma_start3A_84 : memref<1x128xi32, #tpu.memory_space<vmem>> -> memref<128xi32, #tpu.memory_space<vmem>>
      %dma_start3A_86 = arith.constant 0 : i32
      %dma_start3A_87 = arith.constant 0 : i32
      %dma_start3A_88 = tpu.memref_slice %arg4[%dma_start3A_86, %dma_start3A_87] : memref<40960x128xf32, #tpu.memory_space<hbm>> -> memref<40960x128xf32, #tpu.memory_space<hbm>>
      tpu.enqueue_indirect_dma source(%dma_start3A_88 : memref<40960x128xf32, #tpu.memory_space<hbm>>) target(%arg8 : memref<128x128xf32, #tpu.memory_space<vmem>>) offsets(%dma_start3A_85 : memref<128xi32, #tpu.memory_space<vmem>>) semaphore(%arg10 : memref<!tpu.dma_semaphore, #tpu.memory_space<semaphore_mem>>)
      %dma_wait3A = arith.constant 0 : i32
      %dma_wait3A_89 = tpu.memref_slice %arg6[%scan3A_82, %dma_wait3A] : memref<80x128xi32, #tpu.memory_space<vmem>> -> memref<1x128xi32, #tpu.memory_space<vmem>>
      %dma_wait3A_90 = tpu.memref_squeeze %dma_wait3A_89 : memref<1x128xi32, #tpu.memory_space<vmem>> -> memref<128xi32, #tpu.memory_space<vmem>>
      %dma_wait3A_91 = arith.constant 0 : i32
      %dma_wait3A_92 = arith.constant 0 : i32
      %dma_wait3A_93 = tpu.memref_slice %arg4[%dma_wait3A_91, %dma_wait3A_92] : memref<40960x128xf32, #tpu.memory_space<hbm>> -> memref<40960x128xf32, #tpu.memory_space<hbm>>
      tpu.wait_indirect_dma semaphore(%arg10 : memref<!tpu.dma_semaphore, #tpu.memory_space<semaphore_mem>>) src(%dma_wait3A_93 : memref<40960x128xf32, #tpu.memory_space<hbm>>) dst(%arg8 : memref<128x128xf32, #tpu.memory_space<vmem>>)
      "tpu.region"() ({
        %run_scoped3A = tpu.sem_alloc : memref<!tpu.dma_semaphore, #tpu.memory_space<semaphore_mem>>
        %dma_start3A_95 = arith.constant 0 : i32
        %dma_start3A_96 = tpu.memref_slice %arg7[%scan3A_82, %dma_start3A_95] : memref<80x128xi32, #tpu.memory_space<vmem>> -> memref<1x128xi32, #tpu.memory_space<vmem>>
        %dma_start3A_97 = tpu.memref_squeeze %dma_start3A_96 : memref<1x128xi32, #tpu.memory_space<vmem>> -> memref<128xi32, #tpu.memory_space<vmem>>
        %dma_start3A_98 = arith.constant 0 : i32
        %dma_start3A_99 = arith.constant 0 : i32
        %dma_start3A_100 = tpu.memref_slice %arg9[%dma_start3A_98, %dma_start3A_99] : memref<10240x128xf32, #tpu.memory_space<vmem_shared>> -> memref<10240x128xf32, #tpu.memory_space<vmem_shared>>
        tpu.enqueue_indirect_dma source(%arg8 : memref<128x128xf32, #tpu.memory_space<vmem>>) target(%dma_start3A_100 : memref<10240x128xf32, #tpu.memory_space<vmem_shared>>) offsets(%dma_start3A_97 : memref<128xi32, #tpu.memory_space<vmem>>) semaphore(%run_scoped3A : memref<!tpu.dma_semaphore, #tpu.memory_space<semaphore_mem>>) {add = true}
        %dma_wait3A_101 = arith.constant 0 : i32
        %dma_wait3A_102 = tpu.memref_slice %arg7[%scan3A_82, %dma_wait3A_101] : memref<80x128xi32, #tpu.memory_space<vmem>> -> memref<1x128xi32, #tpu.memory_space<vmem>>
        %dma_wait3A_103 = tpu.memref_squeeze %dma_wait3A_102 : memref<1x128xi32, #tpu.memory_space<vmem>> -> memref<128xi32, #tpu.memory_space<vmem>>
        %dma_wait3A_104 = arith.constant 0 : i32
        %dma_wait3A_105 = arith.constant 0 : i32
        %dma_wait3A_106 = tpu.memref_slice %arg9[%dma_wait3A_104, %dma_wait3A_105] : memref<10240x128xf32, #tpu.memory_space<vmem_shared>> -> memref<10240x128xf32, #tpu.memory_space<vmem_shared>>
        tpu.wait_indirect_dma semaphore(%run_scoped3A : memref<!tpu.dma_semaphore, #tpu.memory_space<semaphore_mem>>) src(%arg8 : memref<128x128xf32, #tpu.memory_space<vmem>>) dst(%dma_wait3A_106 : memref<10240x128xf32, #tpu.memory_space<vmem_shared>>)
        tpu.yield
      }) : () -> ()
      %scan3A_94 = arith.constant 0 : i32
      scf.yield %scan3A_94 : i32
    }
    %scan3A_30 = arith.constant 80 : i32
    %barrier3A_31 = arith.constant 0 : index
    tpu.barrier barrier_id(%barrier3A_31)
    %scan3A_32 = arith.constant 0 : i32
    %scan3A_33 = arith.constant 0 : i32
    %scan3A_34 = arith.constant 5 : i32
    %scan3A_35 = arith.addi %scan3A_33, %scan3A_34 : i32
    %scan3A_36 = arith.constant 1 : i32
    %scan3A_37 = scf.for %scan3A_82 = %scan3A_33 to %scan3A_35 step %scan3A_36 iter_args(%scan3A_83 = %scan3A_32) -> (i32)  : i32 {
      %mul3A_84 = arith.constant 640 : i32
      %mul3A_85 = arith.muli %arg1, %mul3A_84 : i32
      %mul3A_86 = arith.constant 128 : i32
      %mul3A_87 = arith.muli %scan3A_82, %mul3A_86 : i32
      %add3A_88 = arith.addi %mul3A_85, %mul3A_87 : i32
      "tpu.region"() ({
        %run_scoped3A = tpu.sem_alloc : memref<!tpu.dma_semaphore, #tpu.memory_space<semaphore_mem>>
        %dma_start3A = arith.constant 0 : i32
        %dma_start3A_93 = tpu.memref_slice %arg9[%add3A_88, %dma_start3A] : memref<10240x128xf32, #tpu.memory_space<vmem_shared>> -> memref<128x128xf32, #tpu.memory_space<vmem_shared>>
        %dma_start3A_94 = arith.constant 0 : i32
        %dma_start3A_95 = tpu.memref_slice %arg9[%add3A_88, %dma_start3A_94] : memref<10240x128xf32, #tpu.memory_space<vmem_shared>> -> memref<128x128xf32, #tpu.memory_space<vmem_shared>>
        tpu.enqueue_dma source(%dma_start3A_95 : memref<128x128xf32, #tpu.memory_space<vmem_shared>>) target(%arg8 : memref<128x128xf32, #tpu.memory_space<vmem>>) target_semaphore(%run_scoped3A : memref<!tpu.dma_semaphore, #tpu.memory_space<semaphore_mem>>)
        %dma_wait3A = arith.constant 0 : i32
        %dma_wait3A_96 = tpu.memref_slice %arg9[%add3A_88, %dma_wait3A] : memref<10240x128xf32, #tpu.memory_space<vmem_shared>> -> memref<128x128xf32, #tpu.memory_space<vmem_shared>>
        %dma_wait3A_97 = arith.constant 0 : i32
        %dma_wait3A_98 = tpu.memref_slice %arg9[%add3A_88, %dma_wait3A_97] : memref<10240x128xf32, #tpu.memory_space<vmem_shared>> -> memref<128x128xf32, #tpu.memory_space<vmem_shared>>
        tpu.wait_dma2 semaphore(%run_scoped3A : memref<!tpu.dma_semaphore, #tpu.memory_space<semaphore_mem>>) src(%dma_wait3A_98 : memref<128x128xf32, #tpu.memory_space<vmem_shared>>) dst(%arg8 : memref<128x128xf32, #tpu.memory_space<vmem>>)
        tpu.yield
      }) : () -> ()
      %mul3A_89 = arith.constant 10240 : i32
      %mul3A_90 = arith.muli %add3A_1, %mul3A_89 : i32
      %add3A_91 = arith.addi %mul3A_90, %add3A_88 : i32
      "tpu.region"() ({
        %run_scoped3A = tpu.sem_alloc : memref<!tpu.dma_semaphore, #tpu.memory_space<semaphore_mem>>
        %dma_start3A = arith.constant 0 : i32
        %dma_start3A_93 = tpu.memref_slice %arg5[%add3A_91, %dma_start3A] : memref<40960x128xf32, #tpu.memory_space<hbm>> -> memref<128x128xf32, #tpu.memory_space<hbm>>
        %dma_start3A_94 = arith.constant 0 : i32
        %dma_start3A_95 = tpu.memref_slice %arg5[%add3A_91, %dma_start3A_94] : memref<40960x128xf32, #tpu.memory_space<hbm>> -> memref<128x128xf32, #tpu.memory_space<hbm>>
        tpu.enqueue_dma source(%arg8 : memref<128x128xf32, #tpu.memory_space<vmem>>) target(%dma_start3A_95 : memref<128x128xf32, #tpu.memory_space<hbm>>) target_semaphore(%run_scoped3A : memref<!tpu.dma_semaphore, #tpu.memory_space<semaphore_mem>>)
        %dma_wait3A = arith.constant 0 : i32
        %dma_wait3A_96 = tpu.memref_slice %arg5[%add3A_91, %dma_wait3A] : memref<40960x128xf32, #tpu.memory_space<hbm>> -> memref<128x128xf32, #tpu.memory_space<hbm>>
        %dma_wait3A_97 = arith.constant 0 : i32
        %dma_wait3A_98 = tpu.memref_slice %arg5[%add3A_91, %dma_wait3A_97] : memref<40960x128xf32, #tpu.memory_space<hbm>> -> memref<128x128xf32, #tpu.memory_space<hbm>>
        tpu.wait_dma2 semaphore(%run_scoped3A : memref<!tpu.dma_semaphore, #tpu.memory_space<semaphore_mem>>) src(%arg8 : memref<128x128xf32, #tpu.memory_space<vmem>>) dst(%dma_wait3A_98 : memref<128x128xf32, #tpu.memory_space<hbm>>)
        tpu.yield
      }) : () -> ()
      %scan3A_92 = arith.constant 0 : i32
      scf.yield %scan3A_92 : i32
    }
    %scan3A_38 = arith.constant 5 : i32
    %mul3A_39 = arith.constant 2 : i32
    %mul3A_40 = arith.muli %arg0, %mul3A_39 : i32
    %add3A_41 = arith.constant 1 : i32
    %add3A_42 = arith.addi %mul3A_40, %add3A_41 : i32
    %mul3A_43 = arith.constant 10240 : i32
    %mul3A_44 = arith.muli %add3A_42, %mul3A_43 : i32
    "tpu.region"() ({
      %run_scoped3A = tpu.sem_alloc : memref<!tpu.dma_semaphore, #tpu.memory_space<semaphore_mem>>
      %dma_start3A = arith.constant 0 : i32
      %dma_start3A_82 = arith.constant 0 : i32
      %dma_start3A_83 = tpu.memref_slice %arg2[%arg1, %dma_start3A, %dma_start3A_82] : memref<16x80x128xi32, #tpu.memory_space<hbm>> -> memref<1x80x128xi32, #tpu.memory_space<hbm>>
      %dma_start3A_84 = tpu.memref_squeeze %dma_start3A_83 : memref<1x80x128xi32, #tpu.memory_space<hbm>> -> memref<80x128xi32, #tpu.memory_space<hbm>>
      %dma_start3A_85 = arith.constant 0 : i32
      %dma_start3A_86 = arith.constant 0 : i32
      %dma_start3A_87 = tpu.memref_slice %arg2[%arg1, %dma_start3A_85, %dma_start3A_86] : memref<16x80x128xi32, #tpu.memory_space<hbm>> -> memref<1x80x128xi32, #tpu.memory_space<hbm>>
      %dma_start3A_88 = tpu.memref_squeeze %dma_start3A_87 : memref<1x80x128xi32, #tpu.memory_space<hbm>> -> memref<80x128xi32, #tpu.memory_space<hbm>>
      tpu.enqueue_dma source(%dma_start3A_88 : memref<80x128xi32, #tpu.memory_space<hbm>>) target(%arg6 : memref<80x128xi32, #tpu.memory_space<vmem>>) target_semaphore(%run_scoped3A : memref<!tpu.dma_semaphore, #tpu.memory_space<semaphore_mem>>)
      %dma_wait3A = arith.constant 0 : i32
      %dma_wait3A_89 = arith.constant 0 : i32
      %dma_wait3A_90 = tpu.memref_slice %arg2[%arg1, %dma_wait3A, %dma_wait3A_89] : memref<16x80x128xi32, #tpu.memory_space<hbm>> -> memref<1x80x128xi32, #tpu.memory_space<hbm>>
      %dma_wait3A_91 = tpu.memref_squeeze %dma_wait3A_90 : memref<1x80x128xi32, #tpu.memory_space<hbm>> -> memref<80x128xi32, #tpu.memory_space<hbm>>
      %dma_wait3A_92 = arith.constant 0 : i32
      %dma_wait3A_93 = arith.constant 0 : i32
      %dma_wait3A_94 = tpu.memref_slice %arg2[%arg1, %dma_wait3A_92, %dma_wait3A_93] : memref<16x80x128xi32, #tpu.memory_space<hbm>> -> memref<1x80x128xi32, #tpu.memory_space<hbm>>
      %dma_wait3A_95 = tpu.memref_squeeze %dma_wait3A_94 : memref<1x80x128xi32, #tpu.memory_space<hbm>> -> memref<80x128xi32, #tpu.memory_space<hbm>>
      tpu.wait_dma2 semaphore(%run_scoped3A : memref<!tpu.dma_semaphore, #tpu.memory_space<semaphore_mem>>) src(%dma_wait3A_95 : memref<80x128xi32, #tpu.memory_space<hbm>>) dst(%arg6 : memref<80x128xi32, #tpu.memory_space<vmem>>)
      tpu.yield
    }) : () -> ()
    %scan3A_45 = arith.constant 0 : i32
    %scan3A_46 = arith.constant 0 : i32
    %scan3A_47 = arith.constant 80 : i32
    %scan3A_48 = arith.addi %scan3A_46, %scan3A_47 : i32
    %scan3A_49 = arith.constant 1 : i32
    %scan3A_50 = scf.for %scan3A_82 = %scan3A_46 to %scan3A_48 step %scan3A_49 iter_args(%scan3A_83 = %scan3A_45) -> (i32)  : i32 {
      %get3A = arith.index_cast %scan3A_82 : i32 to index
      %get3A_84 = arith.constant 0 : index
      %get3A_85 = tpu.vector_load %arg6[%get3A, %get3A_84] {strides = array<i32>} : memref<80x128xi32, #tpu.memory_space<vmem>>, vector<1x16xi32>,
      %get3A_86 = vector.shape_cast %get3A_85 : vector<1x16xi32> to vector<16xi32>
      %add3A_87 = vector.broadcast %mul3A_44 : i32 to vector<16xi32>
      %add3A_88 = arith.addi %get3A_86, %add3A_87 : vector<16xi32>
      %swap3A = arith.index_cast %scan3A_82 : i32 to index
      %swap3A_89 = arith.constant 0 : index
      %swap3A_90 = tpu.vector_load %arg6[%swap3A, %swap3A_89] {strides = array<i32>} : memref<80x128xi32, #tpu.memory_space<vmem>>, vector<1x16xi32>,
      %swap3A_91 = vector.shape_cast %swap3A_90 : vector<1x16xi32> to vector<16xi32>
      %swap3A_92 = vector.shape_cast %add3A_88 : vector<16xi32> to vector<1x16xi32>
      tpu.vector_store %arg6[%swap3A, %swap3A_89], %swap3A_92 {strides = array<i32>} : memref<80x128xi32, #tpu.memory_space<vmem>>, vector<1x16xi32>,
      %get3A_93 = arith.index_cast %scan3A_82 : i32 to index
      %get3A_94 = arith.constant 16 : index
      %get3A_95 = tpu.vector_load %arg6[%get3A_93, %get3A_94] {strides = array<i32>} : memref<80x128xi32, #tpu.memory_space<vmem>>, vector<1x16xi32>,
      %get3A_96 = vector.shape_cast %get3A_95 : vector<1x16xi32> to vector<16xi32>
      %add3A_97 = vector.broadcast %mul3A_44 : i32 to vector<16xi32>
      %add3A_98 = arith.addi %get3A_96, %add3A_97 : vector<16xi32>
      %swap3A_99 = arith.index_cast %scan3A_82 : i32 to index
      %swap3A_100 = arith.constant 16 : index
      %swap3A_101 = tpu.vector_load %arg6[%swap3A_99, %swap3A_100] {strides = array<i32>} : memref<80x128xi32, #tpu.memory_space<vmem>>, vector<1x16xi32>,
      %swap3A_102 = vector.shape_cast %swap3A_101 : vector<1x16xi32> to vector<16xi32>
      %swap3A_103 = vector.shape_cast %add3A_98 : vector<16xi32> to vector<1x16xi32>
      tpu.vector_store %arg6[%swap3A_99, %swap3A_100], %swap3A_103 {strides = array<i32>} : memref<80x128xi32, #tpu.memory_space<vmem>>, vector<1x16xi32>,
      %get3A_104 = arith.index_cast %scan3A_82 : i32 to index
      %get3A_105 = arith.constant 32 : index
      %get3A_106 = tpu.vector_load %arg6[%get3A_104, %get3A_105] {strides = array<i32>} : memref<80x128xi32, #tpu.memory_space<vmem>>, vector<1x16xi32>,
      %get3A_107 = vector.shape_cast %get3A_106 : vector<1x16xi32> to vector<16xi32>
      %add3A_108 = vector.broadcast %mul3A_44 : i32 to vector<16xi32>
      %add3A_109 = arith.addi %get3A_107, %add3A_108 : vector<16xi32>
      %swap3A_110 = arith.index_cast %scan3A_82 : i32 to index
      %swap3A_111 = arith.constant 32 : index
      %swap3A_112 = tpu.vector_load %arg6[%swap3A_110, %swap3A_111] {strides = array<i32>} : memref<80x128xi32, #tpu.memory_space<vmem>>, vector<1x16xi32>,
      %swap3A_113 = vector.shape_cast %swap3A_112 : vector<1x16xi32> to vector<16xi32>
      %swap3A_114 = vector.shape_cast %add3A_109 : vector<16xi32> to vector<1x16xi32>
      tpu.vector_store %arg6[%swap3A_110, %swap3A_111], %swap3A_114 {strides = array<i32>} : memref<80x128xi32, #tpu.memory_space<vmem>>, vector<1x16xi32>,
      %get3A_115 = arith.index_cast %scan3A_82 : i32 to index
      %get3A_116 = arith.constant 48 : index
      %get3A_117 = tpu.vector_load %arg6[%get3A_115, %get3A_116] {strides = array<i32>} : memref<80x128xi32, #tpu.memory_space<vmem>>, vector<1x16xi32>,
      %get3A_118 = vector.shape_cast %get3A_117 : vector<1x16xi32> to vector<16xi32>
      %add3A_119 = vector.broadcast %mul3A_44 : i32 to vector<16xi32>
      %add3A_120 = arith.addi %get3A_118, %add3A_119 : vector<16xi32>
      %swap3A_121 = arith.index_cast %scan3A_82 : i32 to index
      %swap3A_122 = arith.constant 48 : index
      %swap3A_123 = tpu.vector_load %arg6[%swap3A_121, %swap3A_122] {strides = array<i32>} : memref<80x128xi32, #tpu.memory_space<vmem>>, vector<1x16xi32>,
      %swap3A_124 = vector.shape_cast %swap3A_123 : vector<1x16xi32> to vector<16xi32>
      %swap3A_125 = vector.shape_cast %add3A_120 : vector<16xi32> to vector<1x16xi32>
      tpu.vector_store %arg6[%swap3A_121, %swap3A_122], %swap3A_125 {strides = array<i32>} : memref<80x128xi32, #tpu.memory_space<vmem>>, vector<1x16xi32>,
      %get3A_126 = arith.index_cast %scan3A_82 : i32 to index
      %get3A_127 = arith.constant 64 : index
      %get3A_128 = tpu.vector_load %arg6[%get3A_126, %get3A_127] {strides = array<i32>} : memref<80x128xi32, #tpu.memory_space<vmem>>, vector<1x16xi32>,
      %get3A_129 = vector.shape_cast %get3A_128 : vector<1x16xi32> to vector<16xi32>
      %add3A_130 = vector.broadcast %mul3A_44 : i32 to vector<16xi32>
      %add3A_131 = arith.addi %get3A_129, %add3A_130 : vector<16xi32>
      %swap3A_132 = arith.index_cast %scan3A_82 : i32 to index
      %swap3A_133 = arith.constant 64 : index
      %swap3A_134 = tpu.vector_load %arg6[%swap3A_132, %swap3A_133] {strides = array<i32>} : memref<80x128xi32, #tpu.memory_space<vmem>>, vector<1x16xi32>,
      %swap3A_135 = vector.shape_cast %swap3A_134 : vector<1x16xi32> to vector<16xi32>
      %swap3A_136 = vector.shape_cast %add3A_131 : vector<16xi32> to vector<1x16xi32>
      tpu.vector_store %arg6[%swap3A_132, %swap3A_133], %swap3A_136 {strides = array<i32>} : memref<80x128xi32, #tpu.memory_space<vmem>>, vector<1x16xi32>,
      %get3A_137 = arith.index_cast %scan3A_82 : i32 to index
      %get3A_138 = arith.constant 80 : index
      %get3A_139 = tpu.vector_load %arg6[%get3A_137, %get3A_138] {strides = array<i32>} : memref<80x128xi32, #tpu.memory_space<vmem>>, vector<1x16xi32>,
      %get3A_140 = vector.shape_cast %get3A_139 : vector<1x16xi32> to vector<16xi32>
      %add3A_141 = vector.broadcast %mul3A_44 : i32 to vector<16xi32>
      %add3A_142 = arith.addi %get3A_140, %add3A_141 : vector<16xi32>
      %swap3A_143 = arith.index_cast %scan3A_82 : i32 to index
      %swap3A_144 = arith.constant 80 : index
      %swap3A_145 = tpu.vector_load %arg6[%swap3A_143, %swap3A_144] {strides = array<i32>} : memref<80x128xi32, #tpu.memory_space<vmem>>, vector<1x16xi32>,
      %swap3A_146 = vector.shape_cast %swap3A_145 : vector<1x16xi32> to vector<16xi32>
      %swap3A_147 = vector.shape_cast %add3A_142 : vector<16xi32> to vector<1x16xi32>
      tpu.vector_store %arg6[%swap3A_143, %swap3A_144], %swap3A_147 {strides = array<i32>} : memref<80x128xi32, #tpu.memory_space<vmem>>, vector<1x16xi32>,
      %get3A_148 = arith.index_cast %scan3A_82 : i32 to index
      %get3A_149 = arith.constant 96 : index
      %get3A_150 = tpu.vector_load %arg6[%get3A_148, %get3A_149] {strides = array<i32>} : memref<80x128xi32, #tpu.memory_space<vmem>>, vector<1x16xi32>,
      %get3A_151 = vector.shape_cast %get3A_150 : vector<1x16xi32> to vector<16xi32>
      %add3A_152 = vector.broadcast %mul3A_44 : i32 to vector<16xi32>
      %add3A_153 = arith.addi %get3A_151, %add3A_152 : vector<16xi32>
      %swap3A_154 = arith.index_cast %scan3A_82 : i32 to index
      %swap3A_155 = arith.constant 96 : index
      %swap3A_156 = tpu.vector_load %arg6[%swap3A_154, %swap3A_155] {strides = array<i32>} : memref<80x128xi32, #tpu.memory_space<vmem>>, vector<1x16xi32>,
      %swap3A_157 = vector.shape_cast %swap3A_156 : vector<1x16xi32> to vector<16xi32>
      %swap3A_158 = vector.shape_cast %add3A_153 : vector<16xi32> to vector<1x16xi32>
      tpu.vector_store %arg6[%swap3A_154, %swap3A_155], %swap3A_158 {strides = array<i32>} : memref<80x128xi32, #tpu.memory_space<vmem>>, vector<1x16xi32>,
      %get3A_159 = arith.index_cast %scan3A_82 : i32 to index
      %get3A_160 = arith.constant 112 : index
      %get3A_161 = tpu.vector_load %arg6[%get3A_159, %get3A_160] {strides = array<i32>} : memref<80x128xi32, #tpu.memory_space<vmem>>, vector<1x16xi32>,
      %get3A_162 = vector.shape_cast %get3A_161 : vector<1x16xi32> to vector<16xi32>
      %add3A_163 = vector.broadcast %mul3A_44 : i32 to vector<16xi32>
      %add3A_164 = arith.addi %get3A_162, %add3A_163 : vector<16xi32>
      %swap3A_165 = arith.index_cast %scan3A_82 : i32 to index
      %swap3A_166 = arith.constant 112 : index
      %swap3A_167 = tpu.vector_load %arg6[%swap3A_165, %swap3A_166] {strides = array<i32>} : memref<80x128xi32, #tpu.memory_space<vmem>>, vector<1x16xi32>,
      %swap3A_168 = vector.shape_cast %swap3A_167 : vector<1x16xi32> to vector<16xi32>
      %swap3A_169 = vector.shape_cast %add3A_164 : vector<16xi32> to vector<1x16xi32>
      tpu.vector_store %arg6[%swap3A_165, %swap3A_166], %swap3A_169 {strides = array<i32>} : memref<80x128xi32, #tpu.memory_space<vmem>>, vector<1x16xi32>,
      %scan3A_170 = arith.constant 0 : i32
      scf.yield %scan3A_170 : i32
    }
    %scan3A_51 = arith.constant 80 : i32
    %scan3A_52 = arith.constant 0 : i32
    %scan3A_53 = arith.constant 0 : i32
    %scan3A_54 = arith.constant 128 : i32
    %scan3A_55 = arith.addi %scan3A_53, %scan3A_54 : i32
    %scan3A_56 = arith.constant 1 : i32
    %scan3A_57 = scf.for %scan3A_82 = %scan3A_53 to %scan3A_55 step %scan3A_56 iter_args(%scan3A_83 = %scan3A_52) -> (i32)  : i32 {
      %broadcast_in_dim3A = arith.constant 0.000000e+00 : f32
      %broadcast_in_dim3A_84 = vector.broadcast %broadcast_in_dim3A : f32 to vector<16xf32>
      %swap3A = arith.index_cast %scan3A_82 : i32 to index
      %swap3A_85 = arith.constant 0 : index
      %swap3A_86 = tpu.vector_load %arg8[%swap3A, %swap3A_85] {strides = array<i32>} : memref<128x128xf32, #tpu.memory_space<vmem>>, vector<1x16xf32>,
      %swap3A_87 = vector.shape_cast %swap3A_86 : vector<1x16xf32> to vector<16xf32>
      %swap3A_88 = vector.shape_cast %broadcast_in_dim3A_84 : vector<16xf32> to vector<1x16xf32>
      tpu.vector_store %arg8[%swap3A, %swap3A_85], %swap3A_88 {strides = array<i32>} : memref<128x128xf32, #tpu.memory_space<vmem>>, vector<1x16xf32>,
      %broadcast_in_dim3A_89 = arith.constant 0.000000e+00 : f32
      %broadcast_in_dim3A_90 = vector.broadcast %broadcast_in_dim3A_89 : f32 to vector<16xf32>
      %swap3A_91 = arith.index_cast %scan3A_82 : i32 to index
      %swap3A_92 = arith.constant 16 : index
      %swap3A_93 = tpu.vector_load %arg8[%swap3A_91, %swap3A_92] {strides = array<i32>} : memref<128x128xf32, #tpu.memory_space<vmem>>, vector<1x16xf32>,
      %swap3A_94 = vector.shape_cast %swap3A_93 : vector<1x16xf32> to vector<16xf32>
      %swap3A_95 = vector.shape_cast %broadcast_in_dim3A_90 : vector<16xf32> to vector<1x16xf32>
      tpu.vector_store %arg8[%swap3A_91, %swap3A_92], %swap3A_95 {strides = array<i32>} : memref<128x128xf32, #tpu.memory_space<vmem>>, vector<1x16xf32>,
      %broadcast_in_dim3A_96 = arith.constant 0.000000e+00 : f32
      %broadcast_in_dim3A_97 = vector.broadcast %broadcast_in_dim3A_96 : f32 to vector<16xf32>
      %swap3A_98 = arith.index_cast %scan3A_82 : i32 to index
      %swap3A_99 = arith.constant 32 : index
      %swap3A_100 = tpu.vector_load %arg8[%swap3A_98, %swap3A_99] {strides = array<i32>} : memref<128x128xf32, #tpu.memory_space<vmem>>, vector<1x16xf32>,
      %swap3A_101 = vector.shape_cast %swap3A_100 : vector<1x16xf32> to vector<16xf32>
      %swap3A_102 = vector.shape_cast %broadcast_in_dim3A_97 : vector<16xf32> to vector<1x16xf32>
      tpu.vector_store %arg8[%swap3A_98, %swap3A_99], %swap3A_102 {strides = array<i32>} : memref<128x128xf32, #tpu.memory_space<vmem>>, vector<1x16xf32>,
      %broadcast_in_dim3A_103 = arith.constant 0.000000e+00 : f32
      %broadcast_in_dim3A_104 = vector.broadcast %broadcast_in_dim3A_103 : f32 to vector<16xf32>
      %swap3A_105 = arith.index_cast %scan3A_82 : i32 to index
      %swap3A_106 = arith.constant 48 : index
      %swap3A_107 = tpu.vector_load %arg8[%swap3A_105, %swap3A_106] {strides = array<i32>} : memref<128x128xf32, #tpu.memory_space<vmem>>, vector<1x16xf32>,
      %swap3A_108 = vector.shape_cast %swap3A_107 : vector<1x16xf32> to vector<16xf32>
      %swap3A_109 = vector.shape_cast %broadcast_in_dim3A_104 : vector<16xf32> to vector<1x16xf32>
      tpu.vector_store %arg8[%swap3A_105, %swap3A_106], %swap3A_109 {strides = array<i32>} : memref<128x128xf32, #tpu.memory_space<vmem>>, vector<1x16xf32>,
      %broadcast_in_dim3A_110 = arith.constant 0.000000e+00 : f32
      %broadcast_in_dim3A_111 = vector.broadcast %broadcast_in_dim3A_110 : f32 to vector<16xf32>
      %swap3A_112 = arith.index_cast %scan3A_82 : i32 to index
      %swap3A_113 = arith.constant 64 : index
      %swap3A_114 = tpu.vector_load %arg8[%swap3A_112, %swap3A_113] {strides = array<i32>} : memref<128x128xf32, #tpu.memory_space<vmem>>, vector<1x16xf32>,
      %swap3A_115 = vector.shape_cast %swap3A_114 : vector<1x16xf32> to vector<16xf32>
      %swap3A_116 = vector.shape_cast %broadcast_in_dim3A_111 : vector<16xf32> to vector<1x16xf32>
      tpu.vector_store %arg8[%swap3A_112, %swap3A_113], %swap3A_116 {strides = array<i32>} : memref<128x128xf32, #tpu.memory_space<vmem>>, vector<1x16xf32>,
      %broadcast_in_dim3A_117 = arith.constant 0.000000e+00 : f32
      %broadcast_in_dim3A_118 = vector.broadcast %broadcast_in_dim3A_117 : f32 to vector<16xf32>
      %swap3A_119 = arith.index_cast %scan3A_82 : i32 to index
      %swap3A_120 = arith.constant 80 : index
      %swap3A_121 = tpu.vector_load %arg8[%swap3A_119, %swap3A_120] {strides = array<i32>} : memref<128x128xf32, #tpu.memory_space<vmem>>, vector<1x16xf32>,
      %swap3A_122 = vector.shape_cast %swap3A_121 : vector<1x16xf32> to vector<16xf32>
      %swap3A_123 = vector.shape_cast %broadcast_in_dim3A_118 : vector<16xf32> to vector<1x16xf32>
      tpu.vector_store %arg8[%swap3A_119, %swap3A_120], %swap3A_123 {strides = array<i32>} : memref<128x128xf32, #tpu.memory_space<vmem>>, vector<1x16xf32>,
      %broadcast_in_dim3A_124 = arith.constant 0.000000e+00 : f32
      %broadcast_in_dim3A_125 = vector.broadcast %broadcast_in_dim3A_124 : f32 to vector<16xf32>
      %swap3A_126 = arith.index_cast %scan3A_82 : i32 to index
      %swap3A_127 = arith.constant 96 : index
      %swap3A_128 = tpu.vector_load %arg8[%swap3A_126, %swap3A_127] {strides = array<i32>} : memref<128x128xf32, #tpu.memory_space<vmem>>, vector<1x16xf32>,
      %swap3A_129 = vector.shape_cast %swap3A_128 : vector<1x16xf32> to vector<16xf32>
      %swap3A_130 = vector.shape_cast %broadcast_in_dim3A_125 : vector<16xf32> to vector<1x16xf32>
      tpu.vector_store %arg8[%swap3A_126, %swap3A_127], %swap3A_130 {strides = array<i32>} : memref<128x128xf32, #tpu.memory_space<vmem>>, vector<1x16xf32>,
      %broadcast_in_dim3A_131 = arith.constant 0.000000e+00 : f32
      %broadcast_in_dim3A_132 = vector.broadcast %broadcast_in_dim3A_131 : f32 to vector<16xf32>
      %swap3A_133 = arith.index_cast %scan3A_82 : i32 to index
      %swap3A_134 = arith.constant 112 : index
      %swap3A_135 = tpu.vector_load %arg8[%swap3A_133, %swap3A_134] {strides = array<i32>} : memref<128x128xf32, #tpu.memory_space<vmem>>, vector<1x16xf32>,
      %swap3A_136 = vector.shape_cast %swap3A_135 : vector<1x16xf32> to vector<16xf32>
      %swap3A_137 = vector.shape_cast %broadcast_in_dim3A_132 : vector<16xf32> to vector<1x16xf32>
      tpu.vector_store %arg8[%swap3A_133, %swap3A_134], %swap3A_137 {strides = array<i32>} : memref<128x128xf32, #tpu.memory_space<vmem>>, vector<1x16xf32>,
      %scan3A_138 = arith.constant 0 : i32
      scf.yield %scan3A_138 : i32
    }
    %scan3A_58 = arith.constant 128 : i32
    %scan3A_59 = arith.constant 0 : i32
    %scan3A_60 = arith.constant 0 : i32
    %scan3A_61 = arith.constant 5 : i32
    %scan3A_62 = arith.addi %scan3A_60, %scan3A_61 : i32
    %scan3A_63 = arith.constant 1 : i32
    %scan3A_64 = scf.for %scan3A_82 = %scan3A_60 to %scan3A_62 step %scan3A_63 iter_args(%scan3A_83 = %scan3A_59) -> (i32)  : i32 {
      %mul3A_84 = arith.constant 640 : i32
      %mul3A_85 = arith.muli %arg1, %mul3A_84 : i32
      %mul3A_86 = arith.constant 128 : i32
      %mul3A_87 = arith.muli %scan3A_82, %mul3A_86 : i32
      %add3A_88 = arith.addi %mul3A_85, %mul3A_87 : i32
      "tpu.region"() ({
        %run_scoped3A = tpu.sem_alloc : memref<!tpu.dma_semaphore, #tpu.memory_space<semaphore_mem>>
        %dma_start3A = arith.constant 0 : i32
        %dma_start3A_90 = tpu.memref_slice %arg9[%add3A_88, %dma_start3A] : memref<10240x128xf32, #tpu.memory_space<vmem_shared>> -> memref<128x128xf32, #tpu.memory_space<vmem_shared>>
        %dma_start3A_91 = arith.constant 0 : i32
        %dma_start3A_92 = tpu.memref_slice %arg9[%add3A_88, %dma_start3A_91] : memref<10240x128xf32, #tpu.memory_space<vmem_shared>> -> memref<128x128xf32, #tpu.memory_space<vmem_shared>>
        tpu.enqueue_dma source(%arg8 : memref<128x128xf32, #tpu.memory_space<vmem>>) target(%dma_start3A_92 : memref<128x128xf32, #tpu.memory_space<vmem_shared>>) target_semaphore(%run_scoped3A : memref<!tpu.dma_semaphore, #tpu.memory_space<semaphore_mem>>)
        %dma_wait3A = arith.constant 0 : i32
        %dma_wait3A_93 = tpu.memref_slice %arg9[%add3A_88, %dma_wait3A] : memref<10240x128xf32, #tpu.memory_space<vmem_shared>> -> memref<128x128xf32, #tpu.memory_space<vmem_shared>>
        %dma_wait3A_94 = arith.constant 0 : i32
        %dma_wait3A_95 = tpu.memref_slice %arg9[%add3A_88, %dma_wait3A_94] : memref<10240x128xf32, #tpu.memory_space<vmem_shared>> -> memref<128x128xf32, #tpu.memory_space<vmem_shared>>
        tpu.wait_dma2 semaphore(%run_scoped3A : memref<!tpu.dma_semaphore, #tpu.memory_space<semaphore_mem>>) src(%arg8 : memref<128x128xf32, #tpu.memory_space<vmem>>) dst(%dma_wait3A_95 : memref<128x128xf32, #tpu.memory_space<vmem_shared>>)
        tpu.yield
      }) : () -> ()
      %scan3A_89 = arith.constant 0 : i32
      scf.yield %scan3A_89 : i32
    }
    %scan3A_65 = arith.constant 5 : i32
    %barrier3A_66 = arith.constant 0 : index
    tpu.barrier barrier_id(%barrier3A_66)
    %scan3A_67 = arith.constant 0 : i32
    %scan3A_68 = arith.constant 0 : i32
    %scan3A_69 = arith.constant 80 : i32
    %scan3A_70 = arith.addi %scan3A_68, %scan3A_69 : i32
    %scan3A_71 = arith.constant 1 : i32
    %scan3A_72 = scf.for %scan3A_82 = %scan3A_68 to %scan3A_70 step %scan3A_71 iter_args(%scan3A_83 = %scan3A_67) -> (i32)  : i32 {
      %dma_start3A = arith.constant 0 : i32
      %dma_start3A_84 = tpu.memref_slice %arg6[%scan3A_82, %dma_start3A] : memref<80x128xi32, #tpu.memory_space<vmem>> -> memref<1x128xi32, #tpu.memory_space<vmem>>
      %dma_start3A_85 = tpu.memref_squeeze %dma_start3A_84 : memref<1x128xi32, #tpu.memory_space<vmem>> -> memref<128xi32, #tpu.memory_space<vmem>>
      %dma_start3A_86 = arith.constant 0 : i32
      %dma_start3A_87 = arith.constant 0 : i32
      %dma_start3A_88 = tpu.memref_slice %arg4[%dma_start3A_86, %dma_start3A_87] : memref<40960x128xf32, #tpu.memory_space<hbm>> -> memref<40960x128xf32, #tpu.memory_space<hbm>>
      tpu.enqueue_indirect_dma source(%dma_start3A_88 : memref<40960x128xf32, #tpu.memory_space<hbm>>) target(%arg8 : memref<128x128xf32, #tpu.memory_space<vmem>>) offsets(%dma_start3A_85 : memref<128xi32, #tpu.memory_space<vmem>>) semaphore(%arg10 : memref<!tpu.dma_semaphore, #tpu.memory_space<semaphore_mem>>)
      %dma_wait3A = arith.constant 0 : i32
      %dma_wait3A_89 = tpu.memref_slice %arg6[%scan3A_82, %dma_wait3A] : memref<80x128xi32, #tpu.memory_space<vmem>> -> memref<1x128xi32, #tpu.memory_space<vmem>>
      %dma_wait3A_90 = tpu.memref_squeeze %dma_wait3A_89 : memref<1x128xi32, #tpu.memory_space<vmem>> -> memref<128xi32, #tpu.memory_space<vmem>>
      %dma_wait3A_91 = arith.constant 0 : i32
      %dma_wait3A_92 = arith.constant 0 : i32
      %dma_wait3A_93 = tpu.memref_slice %arg4[%dma_wait3A_91, %dma_wait3A_92] : memref<40960x128xf32, #tpu.memory_space<hbm>> -> memref<40960x128xf32, #tpu.memory_space<hbm>>
      tpu.wait_indirect_dma semaphore(%arg10 : memref<!tpu.dma_semaphore, #tpu.memory_space<semaphore_mem>>) src(%dma_wait3A_93 : memref<40960x128xf32, #tpu.memory_space<hbm>>) dst(%arg8 : memref<128x128xf32, #tpu.memory_space<vmem>>)
      "tpu.region"() ({
        %run_scoped3A = tpu.sem_alloc : memref<!tpu.dma_semaphore, #tpu.memory_space<semaphore_mem>>
        %dma_start3A_95 = arith.constant 0 : i32
        %dma_start3A_96 = tpu.memref_slice %arg7[%scan3A_82, %dma_start3A_95] : memref<80x128xi32, #tpu.memory_space<vmem>> -> memref<1x128xi32, #tpu.memory_space<vmem>>
        %dma_start3A_97 = tpu.memref_squeeze %dma_start3A_96 : memref<1x128xi32, #tpu.memory_space<vmem>> -> memref<128xi32, #tpu.memory_space<vmem>>
        %dma_start3A_98 = arith.constant 0 : i32
        %dma_start3A_99 = arith.constant 0 : i32
        %dma_start3A_100 = tpu.memref_slice %arg9[%dma_start3A_98, %dma_start3A_99] : memref<10240x128xf32, #tpu.memory_space<vmem_shared>> -> memref<10240x128xf32, #tpu.memory_space<vmem_shared>>
        tpu.enqueue_indirect_dma source(%arg8 : memref<128x128xf32, #tpu.memory_space<vmem>>) target(%dma_start3A_100 : memref<10240x128xf32, #tpu.memory_space<vmem_shared>>) offsets(%dma_start3A_97 : memref<128xi32, #tpu.memory_space<vmem>>) semaphore(%run_scoped3A : memref<!tpu.dma_semaphore, #tpu.memory_space<semaphore_mem>>) {add = true}
        %dma_wait3A_101 = arith.constant 0 : i32
        %dma_wait3A_102 = tpu.memref_slice %arg7[%scan3A_82, %dma_wait3A_101] : memref<80x128xi32, #tpu.memory_space<vmem>> -> memref<1x128xi32, #tpu.memory_space<vmem>>
        %dma_wait3A_103 = tpu.memref_squeeze %dma_wait3A_102 : memref<1x128xi32, #tpu.memory_space<vmem>> -> memref<128xi32, #tpu.memory_space<vmem>>
        %dma_wait3A_104 = arith.constant 0 : i32
        %dma_wait3A_105 = arith.constant 0 : i32
        %dma_wait3A_106 = tpu.memref_slice %arg9[%dma_wait3A_104, %dma_wait3A_105] : memref<10240x128xf32, #tpu.memory_space<vmem_shared>> -> memref<10240x128xf32, #tpu.memory_space<vmem_shared>>
        tpu.wait_indirect_dma semaphore(%run_scoped3A : memref<!tpu.dma_semaphore, #tpu.memory_space<semaphore_mem>>) src(%arg8 : memref<128x128xf32, #tpu.memory_space<vmem>>) dst(%dma_wait3A_106 : memref<10240x128xf32, #tpu.memory_space<vmem_shared>>)
        tpu.yield
      }) : () -> ()
      %scan3A_94 = arith.constant 0 : i32
      scf.yield %scan3A_94 : i32
    }
    %scan3A_73 = arith.constant 80 : i32
    %barrier3A_74 = arith.constant 0 : index
    tpu.barrier barrier_id(%barrier3A_74)
    %scan3A_75 = arith.constant 0 : i32
    %scan3A_76 = arith.constant 0 : i32
    %scan3A_77 = arith.constant 5 : i32
    %scan3A_78 = arith.addi %scan3A_76, %scan3A_77 : i32
    %scan3A_79 = arith.constant 1 : i32
    %scan3A_80 = scf.for %scan3A_82 = %scan3A_76 to %scan3A_78 step %scan3A_79 iter_args(%scan3A_83 = %scan3A_75) -> (i32)  : i32 {
      %mul3A_84 = arith.constant 640 : i32
      %mul3A_85 = arith.muli %arg1, %mul3A_84 : i32
      %mul3A_86 = arith.constant 128 : i32
      %mul3A_87 = arith.muli %scan3A_82, %mul3A_86 : i32
      %add3A_88 = arith.addi %mul3A_85, %mul3A_87 : i32
      "tpu.region"() ({
        %run_scoped3A = tpu.sem_alloc : memref<!tpu.dma_semaphore, #tpu.memory_space<semaphore_mem>>
        %dma_start3A = arith.constant 0 : i32
        %dma_start3A_93 = tpu.memref_slice %arg9[%add3A_88, %dma_start3A] : memref<10240x128xf32, #tpu.memory_space<vmem_shared>> -> memref<128x128xf32, #tpu.memory_space<vmem_shared>>
        %dma_start3A_94 = arith.constant 0 : i32
        %dma_start3A_95 = tpu.memref_slice %arg9[%add3A_88, %dma_start3A_94] : memref<10240x128xf32, #tpu.memory_space<vmem_shared>> -> memref<128x128xf32, #tpu.memory_space<vmem_shared>>
        tpu.enqueue_dma source(%dma_start3A_95 : memref<128x128xf32, #tpu.memory_space<vmem_shared>>) target(%arg8 : memref<128x128xf32, #tpu.memory_space<vmem>>) target_semaphore(%run_scoped3A : memref<!tpu.dma_semaphore, #tpu.memory_space<semaphore_mem>>)
        %dma_wait3A = arith.constant 0 : i32
        %dma_wait3A_96 = tpu.memref_slice %arg9[%add3A_88, %dma_wait3A] : memref<10240x128xf32, #tpu.memory_space<vmem_shared>> -> memref<128x128xf32, #tpu.memory_space<vmem_shared>>
        %dma_wait3A_97 = arith.constant 0 : i32
        %dma_wait3A_98 = tpu.memref_slice %arg9[%add3A_88, %dma_wait3A_97] : memref<10240x128xf32, #tpu.memory_space<vmem_shared>> -> memref<128x128xf32, #tpu.memory_space<vmem_shared>>
        tpu.wait_dma2 semaphore(%run_scoped3A : memref<!tpu.dma_semaphore, #tpu.memory_space<semaphore_mem>>) src(%dma_wait3A_98 : memref<128x128xf32, #tpu.memory_space<vmem_shared>>) dst(%arg8 : memref<128x128xf32, #tpu.memory_space<vmem>>)
        tpu.yield
      }) : () -> ()
      %mul3A_89 = arith.constant 10240 : i32
      %mul3A_90 = arith.muli %add3A_42, %mul3A_89 : i32
      %add3A_91 = arith.addi %mul3A_90, %add3A_88 : i32
      "tpu.region"() ({
        %run_scoped3A = tpu.sem_alloc : memref<!tpu.dma_semaphore, #tpu.memory_space<semaphore_mem>>
        %dma_start3A = arith.constant 0 : i32
        %dma_start3A_93 = tpu.memref_slice %arg5[%add3A_91, %dma_start3A] : memref<40960x128xf32, #tpu.memory_space<hbm>> -> memref<128x128xf32, #tpu.memory_space<hbm>>
        %dma_start3A_94 = arith.constant 0 : i32
        %dma_start3A_95 = tpu.memref_slice %arg5[%add3A_91, %dma_start3A_94] : memref<40960x128xf32, #tpu.memory_space<hbm>> -> memref<128x128xf32, #tpu.memory_space<hbm>>
        tpu.enqueue_dma source(%arg8 : memref<128x128xf32, #tpu.memory_space<vmem>>) target(%dma_start3A_95 : memref<128x128xf32, #tpu.memory_space<hbm>>) target_semaphore(%run_scoped3A : memref<!tpu.dma_semaphore, #tpu.memory_space<semaphore_mem>>)
        %dma_wait3A = arith.constant 0 : i32
        %dma_wait3A_96 = tpu.memref_slice %arg5[%add3A_91, %dma_wait3A] : memref<40960x128xf32, #tpu.memory_space<hbm>> -> memref<128x128xf32, #tpu.memory_space<hbm>>
        %dma_wait3A_97 = arith.constant 0 : i32
        %dma_wait3A_98 = tpu.memref_slice %arg5[%add3A_91, %dma_wait3A_97] : memref<40960x128xf32, #tpu.memory_space<hbm>> -> memref<128x128xf32, #tpu.memory_space<hbm>>
        tpu.wait_dma2 semaphore(%run_scoped3A : memref<!tpu.dma_semaphore, #tpu.memory_space<semaphore_mem>>) src(%arg8 : memref<128x128xf32, #tpu.memory_space<vmem>>) dst(%dma_wait3A_98 : memref<128x128xf32, #tpu.memory_space<hbm>>)
        tpu.yield
      }) : () -> ()
      %scan3A_92 = arith.constant 0 : i32
      scf.yield %scan3A_92 : i32
    }
    %scan3A_81 = arith.constant 5 : i32
    return
  }
}

#map = affine_map<(d0, d1) -> (0, 0, 0)>
#map1 = affine_map<(d0, d1) -> (0, 0)>
module attributes {stable_mosaic.version = 14 : i64} {
  func.func @seg(%arg0: i32, %arg1: i32, %arg2: memref<16x80x128xi32, #tpu.memory_space<hbm>>, %arg3: memref<16x80x128xi32, #tpu.memory_space<hbm>>, %arg4: memref<20480x128xf32, #tpu.memory_space<hbm>>, %arg5: memref<20480x128xf32, #tpu.memory_space<hbm>>, %arg6: memref<80x128xi32, #tpu.memory_space<vmem>>, %arg7: memref<80x128xi32, #tpu.memory_space<vmem>>, %arg8: memref<128x128xf32, #tpu.memory_space<vmem>>, %arg9: memref<10240x128xf32, #tpu.memory_space<vmem_shared>>, %arg10: memref<!tpu.dma_semaphore, #tpu.memory_space<semaphore_mem>>) attributes {dimension_semantics = [#tpu.dimension_semantics<core_parallel>, #tpu.dimension_semantics<subcore_parallel>], iteration_bounds = array<i64: 2, 16>, scalar_prefetch = 0 : i64, scratch_operands = 5 : i64, tpu.core_type = #tpu.core_type<sc_vector_subcore>, window_params = [{transform_indices = #map}, {transform_indices = #map}, {transform_indices = #map1}, {transform_indices = #map1}]} {
    "tpu.region"() ({
      %run_scoped3A = tpu.sem_alloc : memref<!tpu.dma_semaphore, #tpu.memory_space<semaphore_mem>>
      %dma_start3A = arith.constant 0 : i32
      %dma_start3A_39 = arith.constant 0 : i32
      %dma_start3A_40 = tpu.memref_slice %arg3[%arg1, %dma_start3A, %dma_start3A_39] : memref<16x80x128xi32, #tpu.memory_space<hbm>> -> memref<1x80x128xi32, #tpu.memory_space<hbm>>
      %dma_start3A_41 = tpu.memref_squeeze %dma_start3A_40 : memref<1x80x128xi32, #tpu.memory_space<hbm>> -> memref<80x128xi32, #tpu.memory_space<hbm>>
      %dma_start3A_42 = arith.constant 0 : i32
      %dma_start3A_43 = arith.constant 0 : i32
      %dma_start3A_44 = tpu.memref_slice %arg3[%arg1, %dma_start3A_42, %dma_start3A_43] : memref<16x80x128xi32, #tpu.memory_space<hbm>> -> memref<1x80x128xi32, #tpu.memory_space<hbm>>
      %dma_start3A_45 = tpu.memref_squeeze %dma_start3A_44 : memref<1x80x128xi32, #tpu.memory_space<hbm>> -> memref<80x128xi32, #tpu.memory_space<hbm>>
      tpu.enqueue_dma source(%dma_start3A_45 : memref<80x128xi32, #tpu.memory_space<hbm>>) target(%arg7 : memref<80x128xi32, #tpu.memory_space<vmem>>) target_semaphore(%run_scoped3A : memref<!tpu.dma_semaphore, #tpu.memory_space<semaphore_mem>>)
      %dma_wait3A = arith.constant 0 : i32
      %dma_wait3A_46 = arith.constant 0 : i32
      %dma_wait3A_47 = tpu.memref_slice %arg3[%arg1, %dma_wait3A, %dma_wait3A_46] : memref<16x80x128xi32, #tpu.memory_space<hbm>> -> memref<1x80x128xi32, #tpu.memory_space<hbm>>
      %dma_wait3A_48 = tpu.memref_squeeze %dma_wait3A_47 : memref<1x80x128xi32, #tpu.memory_space<hbm>> -> memref<80x128xi32, #tpu.memory_space<hbm>>
      %dma_wait3A_49 = arith.constant 0 : i32
      %dma_wait3A_50 = arith.constant 0 : i32
      %dma_wait3A_51 = tpu.memref_slice %arg3[%arg1, %dma_wait3A_49, %dma_wait3A_50] : memref<16x80x128xi32, #tpu.memory_space<hbm>> -> memref<1x80x128xi32, #tpu.memory_space<hbm>>
      %dma_wait3A_52 = tpu.memref_squeeze %dma_wait3A_51 : memref<1x80x128xi32, #tpu.memory_space<hbm>> -> memref<80x128xi32, #tpu.memory_space<hbm>>
      tpu.wait_dma2 semaphore(%run_scoped3A : memref<!tpu.dma_semaphore, #tpu.memory_space<semaphore_mem>>) src(%dma_wait3A_52 : memref<80x128xi32, #tpu.memory_space<hbm>>) dst(%arg7 : memref<80x128xi32, #tpu.memory_space<vmem>>)
      tpu.yield
    }) : () -> ()
    %mul3A = arith.constant 1 : i32
    %mul3A_0 = arith.muli %arg0, %mul3A : i32
    %add3A = arith.constant 0 : i32
    %add3A_1 = arith.addi %mul3A_0, %add3A : i32
    %mul3A_2 = arith.constant 10240 : i32
    %mul3A_3 = arith.muli %add3A_1, %mul3A_2 : i32
    "tpu.region"() ({
      %run_scoped3A = tpu.sem_alloc : memref<!tpu.dma_semaphore, #tpu.memory_space<semaphore_mem>>
      %dma_start3A = arith.constant 0 : i32
      %dma_start3A_39 = arith.constant 0 : i32
      %dma_start3A_40 = tpu.memref_slice %arg2[%arg1, %dma_start3A, %dma_start3A_39] : memref<16x80x128xi32, #tpu.memory_space<hbm>> -> memref<1x80x128xi32, #tpu.memory_space<hbm>>
      %dma_start3A_41 = tpu.memref_squeeze %dma_start3A_40 : memref<1x80x128xi32, #tpu.memory_space<hbm>> -> memref<80x128xi32, #tpu.memory_space<hbm>>
      %dma_start3A_42 = arith.constant 0 : i32
      %dma_start3A_43 = arith.constant 0 : i32
      %dma_start3A_44 = tpu.memref_slice %arg2[%arg1, %dma_start3A_42, %dma_start3A_43] : memref<16x80x128xi32, #tpu.memory_space<hbm>> -> memref<1x80x128xi32, #tpu.memory_space<hbm>>
      %dma_start3A_45 = tpu.memref_squeeze %dma_start3A_44 : memref<1x80x128xi32, #tpu.memory_space<hbm>> -> memref<80x128xi32, #tpu.memory_space<hbm>>
      tpu.enqueue_dma source(%dma_start3A_45 : memref<80x128xi32, #tpu.memory_space<hbm>>) target(%arg6 : memref<80x128xi32, #tpu.memory_space<vmem>>) target_semaphore(%run_scoped3A : memref<!tpu.dma_semaphore, #tpu.memory_space<semaphore_mem>>)
      %dma_wait3A = arith.constant 0 : i32
      %dma_wait3A_46 = arith.constant 0 : i32
      %dma_wait3A_47 = tpu.memref_slice %arg2[%arg1, %dma_wait3A, %dma_wait3A_46] : memref<16x80x128xi32, #tpu.memory_space<hbm>> -> memref<1x80x128xi32, #tpu.memory_space<hbm>>
      %dma_wait3A_48 = tpu.memref_squeeze %dma_wait3A_47 : memref<1x80x128xi32, #tpu.memory_space<hbm>> -> memref<80x128xi32, #tpu.memory_space<hbm>>
      %dma_wait3A_49 = arith.constant 0 : i32
      %dma_wait3A_50 = arith.constant 0 : i32
      %dma_wait3A_51 = tpu.memref_slice %arg2[%arg1, %dma_wait3A_49, %dma_wait3A_50] : memref<16x80x128xi32, #tpu.memory_space<hbm>> -> memref<1x80x128xi32, #tpu.memory_space<hbm>>
      %dma_wait3A_52 = tpu.memref_squeeze %dma_wait3A_51 : memref<1x80x128xi32, #tpu.memory_space<hbm>> -> memref<80x128xi32, #tpu.memory_space<hbm>>
      tpu.wait_dma2 semaphore(%run_scoped3A : memref<!tpu.dma_semaphore, #tpu.memory_space<semaphore_mem>>) src(%dma_wait3A_52 : memref<80x128xi32, #tpu.memory_space<hbm>>) dst(%arg6 : memref<80x128xi32, #tpu.memory_space<vmem>>)
      tpu.yield
    }) : () -> ()
    %scan3A = arith.constant 0 : i32
    %scan3A_4 = arith.constant 0 : i32
    %scan3A_5 = arith.constant 80 : i32
    %scan3A_6 = arith.addi %scan3A_4, %scan3A_5 : i32
    %scan3A_7 = arith.constant 1 : i32
    %scan3A_8 = scf.for %scan3A_39 = %scan3A_4 to %scan3A_6 step %scan3A_7 iter_args(%scan3A_40 = %scan3A) -> (i32)  : i32 {
      %get3A = arith.index_cast %scan3A_39 : i32 to index
      %get3A_41 = arith.constant 0 : index
      %get3A_42 = tpu.vector_load %arg6[%get3A, %get3A_41] {strides = array<i32>} : memref<80x128xi32, #tpu.memory_space<vmem>>, vector<1x16xi32>,
      %get3A_43 = vector.shape_cast %get3A_42 : vector<1x16xi32> to vector<16xi32>
      %add3A_44 = vector.broadcast %mul3A_3 : i32 to vector<16xi32>
      %add3A_45 = arith.addi %get3A_43, %add3A_44 : vector<16xi32>
      %swap3A = arith.index_cast %scan3A_39 : i32 to index
      %swap3A_46 = arith.constant 0 : index
      %swap3A_47 = tpu.vector_load %arg6[%swap3A, %swap3A_46] {strides = array<i32>} : memref<80x128xi32, #tpu.memory_space<vmem>>, vector<1x16xi32>,
      %swap3A_48 = vector.shape_cast %swap3A_47 : vector<1x16xi32> to vector<16xi32>
      %swap3A_49 = vector.shape_cast %add3A_45 : vector<16xi32> to vector<1x16xi32>
      tpu.vector_store %arg6[%swap3A, %swap3A_46], %swap3A_49 {strides = array<i32>} : memref<80x128xi32, #tpu.memory_space<vmem>>, vector<1x16xi32>,
      %get3A_50 = arith.index_cast %scan3A_39 : i32 to index
      %get3A_51 = arith.constant 16 : index
      %get3A_52 = tpu.vector_load %arg6[%get3A_50, %get3A_51] {strides = array<i32>} : memref<80x128xi32, #tpu.memory_space<vmem>>, vector<1x16xi32>,
      %get3A_53 = vector.shape_cast %get3A_52 : vector<1x16xi32> to vector<16xi32>
      %add3A_54 = vector.broadcast %mul3A_3 : i32 to vector<16xi32>
      %add3A_55 = arith.addi %get3A_53, %add3A_54 : vector<16xi32>
      %swap3A_56 = arith.index_cast %scan3A_39 : i32 to index
      %swap3A_57 = arith.constant 16 : index
      %swap3A_58 = tpu.vector_load %arg6[%swap3A_56, %swap3A_57] {strides = array<i32>} : memref<80x128xi32, #tpu.memory_space<vmem>>, vector<1x16xi32>,
      %swap3A_59 = vector.shape_cast %swap3A_58 : vector<1x16xi32> to vector<16xi32>
      %swap3A_60 = vector.shape_cast %add3A_55 : vector<16xi32> to vector<1x16xi32>
      tpu.vector_store %arg6[%swap3A_56, %swap3A_57], %swap3A_60 {strides = array<i32>} : memref<80x128xi32, #tpu.memory_space<vmem>>, vector<1x16xi32>,
      %get3A_61 = arith.index_cast %scan3A_39 : i32 to index
      %get3A_62 = arith.constant 32 : index
      %get3A_63 = tpu.vector_load %arg6[%get3A_61, %get3A_62] {strides = array<i32>} : memref<80x128xi32, #tpu.memory_space<vmem>>, vector<1x16xi32>,
      %get3A_64 = vector.shape_cast %get3A_63 : vector<1x16xi32> to vector<16xi32>
      %add3A_65 = vector.broadcast %mul3A_3 : i32 to vector<16xi32>
      %add3A_66 = arith.addi %get3A_64, %add3A_65 : vector<16xi32>
      %swap3A_67 = arith.index_cast %scan3A_39 : i32 to index
      %swap3A_68 = arith.constant 32 : index
      %swap3A_69 = tpu.vector_load %arg6[%swap3A_67, %swap3A_68] {strides = array<i32>} : memref<80x128xi32, #tpu.memory_space<vmem>>, vector<1x16xi32>,
      %swap3A_70 = vector.shape_cast %swap3A_69 : vector<1x16xi32> to vector<16xi32>
      %swap3A_71 = vector.shape_cast %add3A_66 : vector<16xi32> to vector<1x16xi32>
      tpu.vector_store %arg6[%swap3A_67, %swap3A_68], %swap3A_71 {strides = array<i32>} : memref<80x128xi32, #tpu.memory_space<vmem>>, vector<1x16xi32>,
      %get3A_72 = arith.index_cast %scan3A_39 : i32 to index
      %get3A_73 = arith.constant 48 : index
      %get3A_74 = tpu.vector_load %arg6[%get3A_72, %get3A_73] {strides = array<i32>} : memref<80x128xi32, #tpu.memory_space<vmem>>, vector<1x16xi32>,
      %get3A_75 = vector.shape_cast %get3A_74 : vector<1x16xi32> to vector<16xi32>
      %add3A_76 = vector.broadcast %mul3A_3 : i32 to vector<16xi32>
      %add3A_77 = arith.addi %get3A_75, %add3A_76 : vector<16xi32>
      %swap3A_78 = arith.index_cast %scan3A_39 : i32 to index
      %swap3A_79 = arith.constant 48 : index
      %swap3A_80 = tpu.vector_load %arg6[%swap3A_78, %swap3A_79] {strides = array<i32>} : memref<80x128xi32, #tpu.memory_space<vmem>>, vector<1x16xi32>,
      %swap3A_81 = vector.shape_cast %swap3A_80 : vector<1x16xi32> to vector<16xi32>
      %swap3A_82 = vector.shape_cast %add3A_77 : vector<16xi32> to vector<1x16xi32>
      tpu.vector_store %arg6[%swap3A_78, %swap3A_79], %swap3A_82 {strides = array<i32>} : memref<80x128xi32, #tpu.memory_space<vmem>>, vector<1x16xi32>,
      %get3A_83 = arith.index_cast %scan3A_39 : i32 to index
      %get3A_84 = arith.constant 64 : index
      %get3A_85 = tpu.vector_load %arg6[%get3A_83, %get3A_84] {strides = array<i32>} : memref<80x128xi32, #tpu.memory_space<vmem>>, vector<1x16xi32>,
      %get3A_86 = vector.shape_cast %get3A_85 : vector<1x16xi32> to vector<16xi32>
      %add3A_87 = vector.broadcast %mul3A_3 : i32 to vector<16xi32>
      %add3A_88 = arith.addi %get3A_86, %add3A_87 : vector<16xi32>
      %swap3A_89 = arith.index_cast %scan3A_39 : i32 to index
      %swap3A_90 = arith.constant 64 : index
      %swap3A_91 = tpu.vector_load %arg6[%swap3A_89, %swap3A_90] {strides = array<i32>} : memref<80x128xi32, #tpu.memory_space<vmem>>, vector<1x16xi32>,
      %swap3A_92 = vector.shape_cast %swap3A_91 : vector<1x16xi32> to vector<16xi32>
      %swap3A_93 = vector.shape_cast %add3A_88 : vector<16xi32> to vector<1x16xi32>
      tpu.vector_store %arg6[%swap3A_89, %swap3A_90], %swap3A_93 {strides = array<i32>} : memref<80x128xi32, #tpu.memory_space<vmem>>, vector<1x16xi32>,
      %get3A_94 = arith.index_cast %scan3A_39 : i32 to index
      %get3A_95 = arith.constant 80 : index
      %get3A_96 = tpu.vector_load %arg6[%get3A_94, %get3A_95] {strides = array<i32>} : memref<80x128xi32, #tpu.memory_space<vmem>>, vector<1x16xi32>,
      %get3A_97 = vector.shape_cast %get3A_96 : vector<1x16xi32> to vector<16xi32>
      %add3A_98 = vector.broadcast %mul3A_3 : i32 to vector<16xi32>
      %add3A_99 = arith.addi %get3A_97, %add3A_98 : vector<16xi32>
      %swap3A_100 = arith.index_cast %scan3A_39 : i32 to index
      %swap3A_101 = arith.constant 80 : index
      %swap3A_102 = tpu.vector_load %arg6[%swap3A_100, %swap3A_101] {strides = array<i32>} : memref<80x128xi32, #tpu.memory_space<vmem>>, vector<1x16xi32>,
      %swap3A_103 = vector.shape_cast %swap3A_102 : vector<1x16xi32> to vector<16xi32>
      %swap3A_104 = vector.shape_cast %add3A_99 : vector<16xi32> to vector<1x16xi32>
      tpu.vector_store %arg6[%swap3A_100, %swap3A_101], %swap3A_104 {strides = array<i32>} : memref<80x128xi32, #tpu.memory_space<vmem>>, vector<1x16xi32>,
      %get3A_105 = arith.index_cast %scan3A_39 : i32 to index
      %get3A_106 = arith.constant 96 : index
      %get3A_107 = tpu.vector_load %arg6[%get3A_105, %get3A_106] {strides = array<i32>} : memref<80x128xi32, #tpu.memory_space<vmem>>, vector<1x16xi32>,
      %get3A_108 = vector.shape_cast %get3A_107 : vector<1x16xi32> to vector<16xi32>
      %add3A_109 = vector.broadcast %mul3A_3 : i32 to vector<16xi32>
      %add3A_110 = arith.addi %get3A_108, %add3A_109 : vector<16xi32>
      %swap3A_111 = arith.index_cast %scan3A_39 : i32 to index
      %swap3A_112 = arith.constant 96 : index
      %swap3A_113 = tpu.vector_load %arg6[%swap3A_111, %swap3A_112] {strides = array<i32>} : memref<80x128xi32, #tpu.memory_space<vmem>>, vector<1x16xi32>,
      %swap3A_114 = vector.shape_cast %swap3A_113 : vector<1x16xi32> to vector<16xi32>
      %swap3A_115 = vector.shape_cast %add3A_110 : vector<16xi32> to vector<1x16xi32>
      tpu.vector_store %arg6[%swap3A_111, %swap3A_112], %swap3A_115 {strides = array<i32>} : memref<80x128xi32, #tpu.memory_space<vmem>>, vector<1x16xi32>,
      %get3A_116 = arith.index_cast %scan3A_39 : i32 to index
      %get3A_117 = arith.constant 112 : index
      %get3A_118 = tpu.vector_load %arg6[%get3A_116, %get3A_117] {strides = array<i32>} : memref<80x128xi32, #tpu.memory_space<vmem>>, vector<1x16xi32>,
      %get3A_119 = vector.shape_cast %get3A_118 : vector<1x16xi32> to vector<16xi32>
      %add3A_120 = vector.broadcast %mul3A_3 : i32 to vector<16xi32>
      %add3A_121 = arith.addi %get3A_119, %add3A_120 : vector<16xi32>
      %swap3A_122 = arith.index_cast %scan3A_39 : i32 to index
      %swap3A_123 = arith.constant 112 : index
      %swap3A_124 = tpu.vector_load %arg6[%swap3A_122, %swap3A_123] {strides = array<i32>} : memref<80x128xi32, #tpu.memory_space<vmem>>, vector<1x16xi32>,
      %swap3A_125 = vector.shape_cast %swap3A_124 : vector<1x16xi32> to vector<16xi32>
      %swap3A_126 = vector.shape_cast %add3A_121 : vector<16xi32> to vector<1x16xi32>
      tpu.vector_store %arg6[%swap3A_122, %swap3A_123], %swap3A_126 {strides = array<i32>} : memref<80x128xi32, #tpu.memory_space<vmem>>, vector<1x16xi32>,
      %scan3A_127 = arith.constant 0 : i32
      scf.yield %scan3A_127 : i32
    }
    %scan3A_9 = arith.constant 80 : i32
    %scan3A_10 = arith.constant 0 : i32
    %scan3A_11 = arith.constant 0 : i32
    %scan3A_12 = arith.constant 128 : i32
    %scan3A_13 = arith.addi %scan3A_11, %scan3A_12 : i32
    %scan3A_14 = arith.constant 1 : i32
    %scan3A_15 = scf.for %scan3A_39 = %scan3A_11 to %scan3A_13 step %scan3A_14 iter_args(%scan3A_40 = %scan3A_10) -> (i32)  : i32 {
      %broadcast_in_dim3A = arith.constant 0.000000e+00 : f32
      %broadcast_in_dim3A_41 = vector.broadcast %broadcast_in_dim3A : f32 to vector<16xf32>
      %swap3A = arith.index_cast %scan3A_39 : i32 to index
      %swap3A_42 = arith.constant 0 : index
      %swap3A_43 = tpu.vector_load %arg8[%swap3A, %swap3A_42] {strides = array<i32>} : memref<128x128xf32, #tpu.memory_space<vmem>>, vector<1x16xf32>,
      %swap3A_44 = vector.shape_cast %swap3A_43 : vector<1x16xf32> to vector<16xf32>
      %swap3A_45 = vector.shape_cast %broadcast_in_dim3A_41 : vector<16xf32> to vector<1x16xf32>
      tpu.vector_store %arg8[%swap3A, %swap3A_42], %swap3A_45 {strides = array<i32>} : memref<128x128xf32, #tpu.memory_space<vmem>>, vector<1x16xf32>,
      %broadcast_in_dim3A_46 = arith.constant 0.000000e+00 : f32
      %broadcast_in_dim3A_47 = vector.broadcast %broadcast_in_dim3A_46 : f32 to vector<16xf32>
      %swap3A_48 = arith.index_cast %scan3A_39 : i32 to index
      %swap3A_49 = arith.constant 16 : index
      %swap3A_50 = tpu.vector_load %arg8[%swap3A_48, %swap3A_49] {strides = array<i32>} : memref<128x128xf32, #tpu.memory_space<vmem>>, vector<1x16xf32>,
      %swap3A_51 = vector.shape_cast %swap3A_50 : vector<1x16xf32> to vector<16xf32>
      %swap3A_52 = vector.shape_cast %broadcast_in_dim3A_47 : vector<16xf32> to vector<1x16xf32>
      tpu.vector_store %arg8[%swap3A_48, %swap3A_49], %swap3A_52 {strides = array<i32>} : memref<128x128xf32, #tpu.memory_space<vmem>>, vector<1x16xf32>,
      %broadcast_in_dim3A_53 = arith.constant 0.000000e+00 : f32
      %broadcast_in_dim3A_54 = vector.broadcast %broadcast_in_dim3A_53 : f32 to vector<16xf32>
      %swap3A_55 = arith.index_cast %scan3A_39 : i32 to index
      %swap3A_56 = arith.constant 32 : index
      %swap3A_57 = tpu.vector_load %arg8[%swap3A_55, %swap3A_56] {strides = array<i32>} : memref<128x128xf32, #tpu.memory_space<vmem>>, vector<1x16xf32>,
      %swap3A_58 = vector.shape_cast %swap3A_57 : vector<1x16xf32> to vector<16xf32>
      %swap3A_59 = vector.shape_cast %broadcast_in_dim3A_54 : vector<16xf32> to vector<1x16xf32>
      tpu.vector_store %arg8[%swap3A_55, %swap3A_56], %swap3A_59 {strides = array<i32>} : memref<128x128xf32, #tpu.memory_space<vmem>>, vector<1x16xf32>,
      %broadcast_in_dim3A_60 = arith.constant 0.000000e+00 : f32
      %broadcast_in_dim3A_61 = vector.broadcast %broadcast_in_dim3A_60 : f32 to vector<16xf32>
      %swap3A_62 = arith.index_cast %scan3A_39 : i32 to index
      %swap3A_63 = arith.constant 48 : index
      %swap3A_64 = tpu.vector_load %arg8[%swap3A_62, %swap3A_63] {strides = array<i32>} : memref<128x128xf32, #tpu.memory_space<vmem>>, vector<1x16xf32>,
      %swap3A_65 = vector.shape_cast %swap3A_64 : vector<1x16xf32> to vector<16xf32>
      %swap3A_66 = vector.shape_cast %broadcast_in_dim3A_61 : vector<16xf32> to vector<1x16xf32>
      tpu.vector_store %arg8[%swap3A_62, %swap3A_63], %swap3A_66 {strides = array<i32>} : memref<128x128xf32, #tpu.memory_space<vmem>>, vector<1x16xf32>,
      %broadcast_in_dim3A_67 = arith.constant 0.000000e+00 : f32
      %broadcast_in_dim3A_68 = vector.broadcast %broadcast_in_dim3A_67 : f32 to vector<16xf32>
      %swap3A_69 = arith.index_cast %scan3A_39 : i32 to index
      %swap3A_70 = arith.constant 64 : index
      %swap3A_71 = tpu.vector_load %arg8[%swap3A_69, %swap3A_70] {strides = array<i32>} : memref<128x128xf32, #tpu.memory_space<vmem>>, vector<1x16xf32>,
      %swap3A_72 = vector.shape_cast %swap3A_71 : vector<1x16xf32> to vector<16xf32>
      %swap3A_73 = vector.shape_cast %broadcast_in_dim3A_68 : vector<16xf32> to vector<1x16xf32>
      tpu.vector_store %arg8[%swap3A_69, %swap3A_70], %swap3A_73 {strides = array<i32>} : memref<128x128xf32, #tpu.memory_space<vmem>>, vector<1x16xf32>,
      %broadcast_in_dim3A_74 = arith.constant 0.000000e+00 : f32
      %broadcast_in_dim3A_75 = vector.broadcast %broadcast_in_dim3A_74 : f32 to vector<16xf32>
      %swap3A_76 = arith.index_cast %scan3A_39 : i32 to index
      %swap3A_77 = arith.constant 80 : index
      %swap3A_78 = tpu.vector_load %arg8[%swap3A_76, %swap3A_77] {strides = array<i32>} : memref<128x128xf32, #tpu.memory_space<vmem>>, vector<1x16xf32>,
      %swap3A_79 = vector.shape_cast %swap3A_78 : vector<1x16xf32> to vector<16xf32>
      %swap3A_80 = vector.shape_cast %broadcast_in_dim3A_75 : vector<16xf32> to vector<1x16xf32>
      tpu.vector_store %arg8[%swap3A_76, %swap3A_77], %swap3A_80 {strides = array<i32>} : memref<128x128xf32, #tpu.memory_space<vmem>>, vector<1x16xf32>,
      %broadcast_in_dim3A_81 = arith.constant 0.000000e+00 : f32
      %broadcast_in_dim3A_82 = vector.broadcast %broadcast_in_dim3A_81 : f32 to vector<16xf32>
      %swap3A_83 = arith.index_cast %scan3A_39 : i32 to index
      %swap3A_84 = arith.constant 96 : index
      %swap3A_85 = tpu.vector_load %arg8[%swap3A_83, %swap3A_84] {strides = array<i32>} : memref<128x128xf32, #tpu.memory_space<vmem>>, vector<1x16xf32>,
      %swap3A_86 = vector.shape_cast %swap3A_85 : vector<1x16xf32> to vector<16xf32>
      %swap3A_87 = vector.shape_cast %broadcast_in_dim3A_82 : vector<16xf32> to vector<1x16xf32>
      tpu.vector_store %arg8[%swap3A_83, %swap3A_84], %swap3A_87 {strides = array<i32>} : memref<128x128xf32, #tpu.memory_space<vmem>>, vector<1x16xf32>,
      %broadcast_in_dim3A_88 = arith.constant 0.000000e+00 : f32
      %broadcast_in_dim3A_89 = vector.broadcast %broadcast_in_dim3A_88 : f32 to vector<16xf32>
      %swap3A_90 = arith.index_cast %scan3A_39 : i32 to index
      %swap3A_91 = arith.constant 112 : index
      %swap3A_92 = tpu.vector_load %arg8[%swap3A_90, %swap3A_91] {strides = array<i32>} : memref<128x128xf32, #tpu.memory_space<vmem>>, vector<1x16xf32>,
      %swap3A_93 = vector.shape_cast %swap3A_92 : vector<1x16xf32> to vector<16xf32>
      %swap3A_94 = vector.shape_cast %broadcast_in_dim3A_89 : vector<16xf32> to vector<1x16xf32>
      tpu.vector_store %arg8[%swap3A_90, %swap3A_91], %swap3A_94 {strides = array<i32>} : memref<128x128xf32, #tpu.memory_space<vmem>>, vector<1x16xf32>,
      %scan3A_95 = arith.constant 0 : i32
      scf.yield %scan3A_95 : i32
    }
    %scan3A_16 = arith.constant 128 : i32
    %scan3A_17 = arith.constant 0 : i32
    %scan3A_18 = arith.constant 0 : i32
    %scan3A_19 = arith.constant 5 : i32
    %scan3A_20 = arith.addi %scan3A_18, %scan3A_19 : i32
    %scan3A_21 = arith.constant 1 : i32
    %scan3A_22 = scf.for %scan3A_39 = %scan3A_18 to %scan3A_20 step %scan3A_21 iter_args(%scan3A_40 = %scan3A_17) -> (i32)  : i32 {
      %mul3A_41 = arith.constant 640 : i32
      %mul3A_42 = arith.muli %arg1, %mul3A_41 : i32
      %mul3A_43 = arith.constant 128 : i32
      %mul3A_44 = arith.muli %scan3A_39, %mul3A_43 : i32
      %add3A_45 = arith.addi %mul3A_42, %mul3A_44 : i32
      "tpu.region"() ({
        %run_scoped3A = tpu.sem_alloc : memref<!tpu.dma_semaphore, #tpu.memory_space<semaphore_mem>>
        %dma_start3A = arith.constant 0 : i32
        %dma_start3A_47 = tpu.memref_slice %arg9[%add3A_45, %dma_start3A] : memref<10240x128xf32, #tpu.memory_space<vmem_shared>> -> memref<128x128xf32, #tpu.memory_space<vmem_shared>>
        %dma_start3A_48 = arith.constant 0 : i32
        %dma_start3A_49 = tpu.memref_slice %arg9[%add3A_45, %dma_start3A_48] : memref<10240x128xf32, #tpu.memory_space<vmem_shared>> -> memref<128x128xf32, #tpu.memory_space<vmem_shared>>
        tpu.enqueue_dma source(%arg8 : memref<128x128xf32, #tpu.memory_space<vmem>>) target(%dma_start3A_49 : memref<128x128xf32, #tpu.memory_space<vmem_shared>>) target_semaphore(%run_scoped3A : memref<!tpu.dma_semaphore, #tpu.memory_space<semaphore_mem>>)
        %dma_wait3A = arith.constant 0 : i32
        %dma_wait3A_50 = tpu.memref_slice %arg9[%add3A_45, %dma_wait3A] : memref<10240x128xf32, #tpu.memory_space<vmem_shared>> -> memref<128x128xf32, #tpu.memory_space<vmem_shared>>
        %dma_wait3A_51 = arith.constant 0 : i32
        %dma_wait3A_52 = tpu.memref_slice %arg9[%add3A_45, %dma_wait3A_51] : memref<10240x128xf32, #tpu.memory_space<vmem_shared>> -> memref<128x128xf32, #tpu.memory_space<vmem_shared>>
        tpu.wait_dma2 semaphore(%run_scoped3A : memref<!tpu.dma_semaphore, #tpu.memory_space<semaphore_mem>>) src(%arg8 : memref<128x128xf32, #tpu.memory_space<vmem>>) dst(%dma_wait3A_52 : memref<128x128xf32, #tpu.memory_space<vmem_shared>>)
        tpu.yield
      }) : () -> ()
      %scan3A_46 = arith.constant 0 : i32
      scf.yield %scan3A_46 : i32
    }
    %scan3A_23 = arith.constant 5 : i32
    %barrier3A = arith.constant 0 : index
    tpu.barrier barrier_id(%barrier3A)
    %scan3A_24 = arith.constant 0 : i32
    %scan3A_25 = arith.constant 0 : i32
    %scan3A_26 = arith.constant 80 : i32
    %scan3A_27 = arith.addi %scan3A_25, %scan3A_26 : i32
    %scan3A_28 = arith.constant 1 : i32
    %scan3A_29 = scf.for %scan3A_39 = %scan3A_25 to %scan3A_27 step %scan3A_28 iter_args(%scan3A_40 = %scan3A_24) -> (i32)  : i32 {
      %dma_start3A = arith.constant 0 : i32
      %dma_start3A_41 = tpu.memref_slice %arg6[%scan3A_39, %dma_start3A] : memref<80x128xi32, #tpu.memory_space<vmem>> -> memref<1x128xi32, #tpu.memory_space<vmem>>
      %dma_start3A_42 = tpu.memref_squeeze %dma_start3A_41 : memref<1x128xi32, #tpu.memory_space<vmem>> -> memref<128xi32, #tpu.memory_space<vmem>>
      %dma_start3A_43 = arith.constant 0 : i32
      %dma_start3A_44 = arith.constant 0 : i32
      %dma_start3A_45 = tpu.memref_slice %arg4[%dma_start3A_43, %dma_start3A_44] : memref<20480x128xf32, #tpu.memory_space<hbm>> -> memref<20480x128xf32, #tpu.memory_space<hbm>>
      tpu.enqueue_indirect_dma source(%dma_start3A_45 : memref<20480x128xf32, #tpu.memory_space<hbm>>) target(%arg8 : memref<128x128xf32, #tpu.memory_space<vmem>>) offsets(%dma_start3A_42 : memref<128xi32, #tpu.memory_space<vmem>>) semaphore(%arg10 : memref<!tpu.dma_semaphore, #tpu.memory_space<semaphore_mem>>)
      %dma_wait3A = arith.constant 0 : i32
      %dma_wait3A_46 = tpu.memref_slice %arg6[%scan3A_39, %dma_wait3A] : memref<80x128xi32, #tpu.memory_space<vmem>> -> memref<1x128xi32, #tpu.memory_space<vmem>>
      %dma_wait3A_47 = tpu.memref_squeeze %dma_wait3A_46 : memref<1x128xi32, #tpu.memory_space<vmem>> -> memref<128xi32, #tpu.memory_space<vmem>>
      %dma_wait3A_48 = arith.constant 0 : i32
      %dma_wait3A_49 = arith.constant 0 : i32
      %dma_wait3A_50 = tpu.memref_slice %arg4[%dma_wait3A_48, %dma_wait3A_49] : memref<20480x128xf32, #tpu.memory_space<hbm>> -> memref<20480x128xf32, #tpu.memory_space<hbm>>
      tpu.wait_indirect_dma semaphore(%arg10 : memref<!tpu.dma_semaphore, #tpu.memory_space<semaphore_mem>>) src(%dma_wait3A_50 : memref<20480x128xf32, #tpu.memory_space<hbm>>) dst(%arg8 : memref<128x128xf32, #tpu.memory_space<vmem>>)
      "tpu.region"() ({
        %run_scoped3A = tpu.sem_alloc : memref<!tpu.dma_semaphore, #tpu.memory_space<semaphore_mem>>
        %dma_start3A_52 = arith.constant 0 : i32
        %dma_start3A_53 = tpu.memref_slice %arg7[%scan3A_39, %dma_start3A_52] : memref<80x128xi32, #tpu.memory_space<vmem>> -> memref<1x128xi32, #tpu.memory_space<vmem>>
        %dma_start3A_54 = tpu.memref_squeeze %dma_start3A_53 : memref<1x128xi32, #tpu.memory_space<vmem>> -> memref<128xi32, #tpu.memory_space<vmem>>
        %dma_start3A_55 = arith.constant 0 : i32
        %dma_start3A_56 = arith.constant 0 : i32
        %dma_start3A_57 = tpu.memref_slice %arg9[%dma_start3A_55, %dma_start3A_56] : memref<10240x128xf32, #tpu.memory_space<vmem_shared>> -> memref<10240x128xf32, #tpu.memory_space<vmem_shared>>
        tpu.enqueue_indirect_dma source(%arg8 : memref<128x128xf32, #tpu.memory_space<vmem>>) target(%dma_start3A_57 : memref<10240x128xf32, #tpu.memory_space<vmem_shared>>) offsets(%dma_start3A_54 : memref<128xi32, #tpu.memory_space<vmem>>) semaphore(%run_scoped3A : memref<!tpu.dma_semaphore, #tpu.memory_space<semaphore_mem>>) {add = true}
        %dma_wait3A_58 = arith.constant 0 : i32
        %dma_wait3A_59 = tpu.memref_slice %arg7[%scan3A_39, %dma_wait3A_58] : memref<80x128xi32, #tpu.memory_space<vmem>> -> memref<1x128xi32, #tpu.memory_space<vmem>>
        %dma_wait3A_60 = tpu.memref_squeeze %dma_wait3A_59 : memref<1x128xi32, #tpu.memory_space<vmem>> -> memref<128xi32, #tpu.memory_space<vmem>>
        %dma_wait3A_61 = arith.constant 0 : i32
        %dma_wait3A_62 = arith.constant 0 : i32
        %dma_wait3A_63 = tpu.memref_slice %arg9[%dma_wait3A_61, %dma_wait3A_62] : memref<10240x128xf32, #tpu.memory_space<vmem_shared>> -> memref<10240x128xf32, #tpu.memory_space<vmem_shared>>
        tpu.wait_indirect_dma semaphore(%run_scoped3A : memref<!tpu.dma_semaphore, #tpu.memory_space<semaphore_mem>>) src(%arg8 : memref<128x128xf32, #tpu.memory_space<vmem>>) dst(%dma_wait3A_63 : memref<10240x128xf32, #tpu.memory_space<vmem_shared>>)
        tpu.yield
      }) : () -> ()
      %scan3A_51 = arith.constant 0 : i32
      scf.yield %scan3A_51 : i32
    }
    %scan3A_30 = arith.constant 80 : i32
    %barrier3A_31 = arith.constant 0 : index
    tpu.barrier barrier_id(%barrier3A_31)
    %scan3A_32 = arith.constant 0 : i32
    %scan3A_33 = arith.constant 0 : i32
    %scan3A_34 = arith.constant 5 : i32
    %scan3A_35 = arith.addi %scan3A_33, %scan3A_34 : i32
    %scan3A_36 = arith.constant 1 : i32
    %scan3A_37 = scf.for %scan3A_39 = %scan3A_33 to %scan3A_35 step %scan3A_36 iter_args(%scan3A_40 = %scan3A_32) -> (i32)  : i32 {
      %mul3A_41 = arith.constant 640 : i32
      %mul3A_42 = arith.muli %arg1, %mul3A_41 : i32
      %mul3A_43 = arith.constant 128 : i32
      %mul3A_44 = arith.muli %scan3A_39, %mul3A_43 : i32
      %add3A_45 = arith.addi %mul3A_42, %mul3A_44 : i32
      "tpu.region"() ({
        %run_scoped3A = tpu.sem_alloc : memref<!tpu.dma_semaphore, #tpu.memory_space<semaphore_mem>>
        %dma_start3A = arith.constant 0 : i32
        %dma_start3A_50 = tpu.memref_slice %arg9[%add3A_45, %dma_start3A] : memref<10240x128xf32, #tpu.memory_space<vmem_shared>> -> memref<128x128xf32, #tpu.memory_space<vmem_shared>>
        %dma_start3A_51 = arith.constant 0 : i32
        %dma_start3A_52 = tpu.memref_slice %arg9[%add3A_45, %dma_start3A_51] : memref<10240x128xf32, #tpu.memory_space<vmem_shared>> -> memref<128x128xf32, #tpu.memory_space<vmem_shared>>
        tpu.enqueue_dma source(%dma_start3A_52 : memref<128x128xf32, #tpu.memory_space<vmem_shared>>) target(%arg8 : memref<128x128xf32, #tpu.memory_space<vmem>>) target_semaphore(%run_scoped3A : memref<!tpu.dma_semaphore, #tpu.memory_space<semaphore_mem>>)
        %dma_wait3A = arith.constant 0 : i32
        %dma_wait3A_53 = tpu.memref_slice %arg9[%add3A_45, %dma_wait3A] : memref<10240x128xf32, #tpu.memory_space<vmem_shared>> -> memref<128x128xf32, #tpu.memory_space<vmem_shared>>
        %dma_wait3A_54 = arith.constant 0 : i32
        %dma_wait3A_55 = tpu.memref_slice %arg9[%add3A_45, %dma_wait3A_54] : memref<10240x128xf32, #tpu.memory_space<vmem_shared>> -> memref<128x128xf32, #tpu.memory_space<vmem_shared>>
        tpu.wait_dma2 semaphore(%run_scoped3A : memref<!tpu.dma_semaphore, #tpu.memory_space<semaphore_mem>>) src(%dma_wait3A_55 : memref<128x128xf32, #tpu.memory_space<vmem_shared>>) dst(%arg8 : memref<128x128xf32, #tpu.memory_space<vmem>>)
        tpu.yield
      }) : () -> ()
      %mul3A_46 = arith.constant 10240 : i32
      %mul3A_47 = arith.muli %add3A_1, %mul3A_46 : i32
      %add3A_48 = arith.addi %mul3A_47, %add3A_45 : i32
      "tpu.region"() ({
        %run_scoped3A = tpu.sem_alloc : memref<!tpu.dma_semaphore, #tpu.memory_space<semaphore_mem>>
        %dma_start3A = arith.constant 0 : i32
        %dma_start3A_50 = tpu.memref_slice %arg5[%add3A_48, %dma_start3A] : memref<20480x128xf32, #tpu.memory_space<hbm>> -> memref<128x128xf32, #tpu.memory_space<hbm>>
        %dma_start3A_51 = arith.constant 0 : i32
        %dma_start3A_52 = tpu.memref_slice %arg5[%add3A_48, %dma_start3A_51] : memref<20480x128xf32, #tpu.memory_space<hbm>> -> memref<128x128xf32, #tpu.memory_space<hbm>>
        tpu.enqueue_dma source(%arg8 : memref<128x128xf32, #tpu.memory_space<vmem>>) target(%dma_start3A_52 : memref<128x128xf32, #tpu.memory_space<hbm>>) target_semaphore(%run_scoped3A : memref<!tpu.dma_semaphore, #tpu.memory_space<semaphore_mem>>)
        %dma_wait3A = arith.constant 0 : i32
        %dma_wait3A_53 = tpu.memref_slice %arg5[%add3A_48, %dma_wait3A] : memref<20480x128xf32, #tpu.memory_space<hbm>> -> memref<128x128xf32, #tpu.memory_space<hbm>>
        %dma_wait3A_54 = arith.constant 0 : i32
        %dma_wait3A_55 = tpu.memref_slice %arg5[%add3A_48, %dma_wait3A_54] : memref<20480x128xf32, #tpu.memory_space<hbm>> -> memref<128x128xf32, #tpu.memory_space<hbm>>
        tpu.wait_dma2 semaphore(%run_scoped3A : memref<!tpu.dma_semaphore, #tpu.memory_space<semaphore_mem>>) src(%arg8 : memref<128x128xf32, #tpu.memory_space<vmem>>) dst(%dma_wait3A_55 : memref<128x128xf32, #tpu.memory_space<hbm>>)
        tpu.yield
      }) : () -> ()
      %scan3A_49 = arith.constant 0 : i32
      scf.yield %scan3A_49 : i32
    }
    %scan3A_38 = arith.constant 5 : i32
    return
  }
}

#map = affine_map<(d0, d1) -> (0)>
module attributes {stable_mosaic.version = 14 : i64} {
  func.func @_deg_reduce(%arg0: i32, %arg1: i32, %arg2: memref<327680xf32, #tpu.memory_space<hbm>>, %arg3: memref<20480xf32, #tpu.memory_space<hbm>>, %arg4: memref<16x640xf32, #tpu.memory_space<vmem>>, %arg5: memref<640xf32, #tpu.memory_space<vmem>>) attributes {dimension_semantics = [#tpu.dimension_semantics<core_parallel>, #tpu.dimension_semantics<subcore_parallel>], iteration_bounds = array<i64: 2, 16>, scalar_prefetch = 0 : i64, scratch_operands = 2 : i64, tpu.core_type = #tpu.core_type<sc_vector_subcore>, window_params = [{transform_indices = #map}, {transform_indices = #map}]} {
    %mul3A = arith.constant 640 : i32
    %mul3A_0 = arith.muli %arg1, %mul3A : i32
    %mul3A_1 = arith.constant 16 : i32
    %mul3A_2 = arith.muli %arg0, %mul3A_1 : i32
    %add3A = arith.constant 0 : i32
    %add3A_3 = arith.addi %mul3A_2, %add3A : i32
    %mul3A_4 = arith.constant 10240 : i32
    %mul3A_5 = arith.muli %add3A_3, %mul3A_4 : i32
    %add3A_6 = arith.addi %mul3A_5, %mul3A_0 : i32
    %run_scoped3A = arith.constant 0 : i32
    "tpu.region"() ({
      %run_scoped3A_136 = tpu.sem_alloc : memref<!tpu.dma_semaphore, #tpu.memory_space<semaphore_mem>>
      %dma_start3A = arith.constant 0 : i32
      %dma_start3A_137 = tpu.memref_slice %arg4[%run_scoped3A, %dma_start3A] : memref<16x640xf32, #tpu.memory_space<vmem>> -> memref<1x640xf32, #tpu.memory_space<vmem>>
      %dma_start3A_138 = tpu.memref_squeeze %dma_start3A_137 : memref<1x640xf32, #tpu.memory_space<vmem>> -> memref<640xf32, #tpu.memory_space<vmem>>
      %dma_start3A_139 = tpu.memref_slice %arg2[%add3A_6] : memref<327680xf32, #tpu.memory_space<hbm>> -> memref<640xf32, #tpu.memory_space<hbm>>
      %dma_start3A_140 = arith.constant 0 : i32
      %dma_start3A_141 = tpu.memref_slice %arg4[%run_scoped3A, %dma_start3A_140] : memref<16x640xf32, #tpu.memory_space<vmem>> -> memref<1x640xf32, #tpu.memory_space<vmem>>
      %dma_start3A_142 = tpu.memref_squeeze %dma_start3A_141 : memref<1x640xf32, #tpu.memory_space<vmem>> -> memref<640xf32, #tpu.memory_space<vmem>>
      %dma_start3A_143 = tpu.memref_slice %arg2[%add3A_6] : memref<327680xf32, #tpu.memory_space<hbm>> -> memref<640xf32, #tpu.memory_space<hbm>>
      tpu.enqueue_dma source(%dma_start3A_143 : memref<640xf32, #tpu.memory_space<hbm>>) target(%dma_start3A_142 : memref<640xf32, #tpu.memory_space<vmem>>) target_semaphore(%run_scoped3A_136 : memref<!tpu.dma_semaphore, #tpu.memory_space<semaphore_mem>>)
      %dma_wait3A = arith.constant 0 : i32
      %dma_wait3A_144 = tpu.memref_slice %arg4[%run_scoped3A, %dma_wait3A] : memref<16x640xf32, #tpu.memory_space<vmem>> -> memref<1x640xf32, #tpu.memory_space<vmem>>
      %dma_wait3A_145 = tpu.memref_squeeze %dma_wait3A_144 : memref<1x640xf32, #tpu.memory_space<vmem>> -> memref<640xf32, #tpu.memory_space<vmem>>
      %dma_wait3A_146 = tpu.memref_slice %arg2[%add3A_6] : memref<327680xf32, #tpu.memory_space<hbm>> -> memref<640xf32, #tpu.memory_space<hbm>>
      %dma_wait3A_147 = arith.constant 0 : i32
      %dma_wait3A_148 = tpu.memref_slice %arg4[%run_scoped3A, %dma_wait3A_147] : memref<16x640xf32, #tpu.memory_space<vmem>> -> memref<1x640xf32, #tpu.memory_space<vmem>>
      %dma_wait3A_149 = tpu.memref_squeeze %dma_wait3A_148 : memref<1x640xf32, #tpu.memory_space<vmem>> -> memref<640xf32, #tpu.memory_space<vmem>>
      %dma_wait3A_150 = tpu.memref_slice %arg2[%add3A_6] : memref<327680xf32, #tpu.memory_space<hbm>> -> memref<640xf32, #tpu.memory_space<hbm>>
      tpu.wait_dma2 semaphore(%run_scoped3A_136 : memref<!tpu.dma_semaphore, #tpu.memory_space<semaphore_mem>>) src(%dma_wait3A_150 : memref<640xf32, #tpu.memory_space<hbm>>) dst(%dma_wait3A_149 : memref<640xf32, #tpu.memory_space<vmem>>)
      tpu.yield
    }) : () -> ()
    %mul3A_7 = arith.constant 16 : i32
    %mul3A_8 = arith.muli %arg0, %mul3A_7 : i32
    %add3A_9 = arith.constant 1 : i32
    %add3A_10 = arith.addi %mul3A_8, %add3A_9 : i32
    %mul3A_11 = arith.constant 10240 : i32
    %mul3A_12 = arith.muli %add3A_10, %mul3A_11 : i32
    %add3A_13 = arith.addi %mul3A_12, %mul3A_0 : i32
    %run_scoped3A_14 = arith.constant 1 : i32
    "tpu.region"() ({
      %run_scoped3A_136 = tpu.sem_alloc : memref<!tpu.dma_semaphore, #tpu.memory_space<semaphore_mem>>
      %dma_start3A = arith.constant 0 : i32
      %dma_start3A_137 = tpu.memref_slice %arg4[%run_scoped3A_14, %dma_start3A] : memref<16x640xf32, #tpu.memory_space<vmem>> -> memref<1x640xf32, #tpu.memory_space<vmem>>
      %dma_start3A_138 = tpu.memref_squeeze %dma_start3A_137 : memref<1x640xf32, #tpu.memory_space<vmem>> -> memref<640xf32, #tpu.memory_space<vmem>>
      %dma_start3A_139 = tpu.memref_slice %arg2[%add3A_13] : memref<327680xf32, #tpu.memory_space<hbm>> -> memref<640xf32, #tpu.memory_space<hbm>>
      %dma_start3A_140 = arith.constant 0 : i32
      %dma_start3A_141 = tpu.memref_slice %arg4[%run_scoped3A_14, %dma_start3A_140] : memref<16x640xf32, #tpu.memory_space<vmem>> -> memref<1x640xf32, #tpu.memory_space<vmem>>
      %dma_start3A_142 = tpu.memref_squeeze %dma_start3A_141 : memref<1x640xf32, #tpu.memory_space<vmem>> -> memref<640xf32, #tpu.memory_space<vmem>>
      %dma_start3A_143 = tpu.memref_slice %arg2[%add3A_13] : memref<327680xf32, #tpu.memory_space<hbm>> -> memref<640xf32, #tpu.memory_space<hbm>>
      tpu.enqueue_dma source(%dma_start3A_143 : memref<640xf32, #tpu.memory_space<hbm>>) target(%dma_start3A_142 : memref<640xf32, #tpu.memory_space<vmem>>) target_semaphore(%run_scoped3A_136 : memref<!tpu.dma_semaphore, #tpu.memory_space<semaphore_mem>>)
      %dma_wait3A = arith.constant 0 : i32
      %dma_wait3A_144 = tpu.memref_slice %arg4[%run_scoped3A_14, %dma_wait3A] : memref<16x640xf32, #tpu.memory_space<vmem>> -> memref<1x640xf32, #tpu.memory_space<vmem>>
      %dma_wait3A_145 = tpu.memref_squeeze %dma_wait3A_144 : memref<1x640xf32, #tpu.memory_space<vmem>> -> memref<640xf32, #tpu.memory_space<vmem>>
      %dma_wait3A_146 = tpu.memref_slice %arg2[%add3A_13] : memref<327680xf32, #tpu.memory_space<hbm>> -> memref<640xf32, #tpu.memory_space<hbm>>
      %dma_wait3A_147 = arith.constant 0 : i32
      %dma_wait3A_148 = tpu.memref_slice %arg4[%run_scoped3A_14, %dma_wait3A_147] : memref<16x640xf32, #tpu.memory_space<vmem>> -> memref<1x640xf32, #tpu.memory_space<vmem>>
      %dma_wait3A_149 = tpu.memref_squeeze %dma_wait3A_148 : memref<1x640xf32, #tpu.memory_space<vmem>> -> memref<640xf32, #tpu.memory_space<vmem>>
      %dma_wait3A_150 = tpu.memref_slice %arg2[%add3A_13] : memref<327680xf32, #tpu.memory_space<hbm>> -> memref<640xf32, #tpu.memory_space<hbm>>
      tpu.wait_dma2 semaphore(%run_scoped3A_136 : memref<!tpu.dma_semaphore, #tpu.memory_space<semaphore_mem>>) src(%dma_wait3A_150 : memref<640xf32, #tpu.memory_space<hbm>>) dst(%dma_wait3A_149 : memref<640xf32, #tpu.memory_space<vmem>>)
      tpu.yield
    }) : () -> ()
    %mul3A_15 = arith.constant 16 : i32
    %mul3A_16 = arith.muli %arg0, %mul3A_15 : i32
    %add3A_17 = arith.constant 2 : i32
    %add3A_18 = arith.addi %mul3A_16, %add3A_17 : i32
    %mul3A_19 = arith.constant 10240 : i32
    %mul3A_20 = arith.muli %add3A_18, %mul3A_19 : i32
    %add3A_21 = arith.addi %mul3A_20, %mul3A_0 : i32
    %run_scoped3A_22 = arith.constant 2 : i32
    "tpu.region"() ({
      %run_scoped3A_136 = tpu.sem_alloc : memref<!tpu.dma_semaphore, #tpu.memory_space<semaphore_mem>>
      %dma_start3A = arith.constant 0 : i32
      %dma_start3A_137 = tpu.memref_slice %arg4[%run_scoped3A_22, %dma_start3A] : memref<16x640xf32, #tpu.memory_space<vmem>> -> memref<1x640xf32, #tpu.memory_space<vmem>>
      %dma_start3A_138 = tpu.memref_squeeze %dma_start3A_137 : memref<1x640xf32, #tpu.memory_space<vmem>> -> memref<640xf32, #tpu.memory_space<vmem>>
      %dma_start3A_139 = tpu.memref_slice %arg2[%add3A_21] : memref<327680xf32, #tpu.memory_space<hbm>> -> memref<640xf32, #tpu.memory_space<hbm>>
      %dma_start3A_140 = arith.constant 0 : i32
      %dma_start3A_141 = tpu.memref_slice %arg4[%run_scoped3A_22, %dma_start3A_140] : memref<16x640xf32, #tpu.memory_space<vmem>> -> memref<1x640xf32, #tpu.memory_space<vmem>>
      %dma_start3A_142 = tpu.memref_squeeze %dma_start3A_141 : memref<1x640xf32, #tpu.memory_space<vmem>> -> memref<640xf32, #tpu.memory_space<vmem>>
      %dma_start3A_143 = tpu.memref_slice %arg2[%add3A_21] : memref<327680xf32, #tpu.memory_space<hbm>> -> memref<640xf32, #tpu.memory_space<hbm>>
      tpu.enqueue_dma source(%dma_start3A_143 : memref<640xf32, #tpu.memory_space<hbm>>) target(%dma_start3A_142 : memref<640xf32, #tpu.memory_space<vmem>>) target_semaphore(%run_scoped3A_136 : memref<!tpu.dma_semaphore, #tpu.memory_space<semaphore_mem>>)
      %dma_wait3A = arith.constant 0 : i32
      %dma_wait3A_144 = tpu.memref_slice %arg4[%run_scoped3A_22, %dma_wait3A] : memref<16x640xf32, #tpu.memory_space<vmem>> -> memref<1x640xf32, #tpu.memory_space<vmem>>
      %dma_wait3A_145 = tpu.memref_squeeze %dma_wait3A_144 : memref<1x640xf32, #tpu.memory_space<vmem>> -> memref<640xf32, #tpu.memory_space<vmem>>
      %dma_wait3A_146 = tpu.memref_slice %arg2[%add3A_21] : memref<327680xf32, #tpu.memory_space<hbm>> -> memref<640xf32, #tpu.memory_space<hbm>>
      %dma_wait3A_147 = arith.constant 0 : i32
      %dma_wait3A_148 = tpu.memref_slice %arg4[%run_scoped3A_22, %dma_wait3A_147] : memref<16x640xf32, #tpu.memory_space<vmem>> -> memref<1x640xf32, #tpu.memory_space<vmem>>
      %dma_wait3A_149 = tpu.memref_squeeze %dma_wait3A_148 : memref<1x640xf32, #tpu.memory_space<vmem>> -> memref<640xf32, #tpu.memory_space<vmem>>
      %dma_wait3A_150 = tpu.memref_slice %arg2[%add3A_21] : memref<327680xf32, #tpu.memory_space<hbm>> -> memref<640xf32, #tpu.memory_space<hbm>>
      tpu.wait_dma2 semaphore(%run_scoped3A_136 : memref<!tpu.dma_semaphore, #tpu.memory_space<semaphore_mem>>) src(%dma_wait3A_150 : memref<640xf32, #tpu.memory_space<hbm>>) dst(%dma_wait3A_149 : memref<640xf32, #tpu.memory_space<vmem>>)
      tpu.yield
    }) : () -> ()
    %mul3A_23 = arith.constant 16 : i32
    %mul3A_24 = arith.muli %arg0, %mul3A_23 : i32
    %add3A_25 = arith.constant 3 : i32
    %add3A_26 = arith.addi %mul3A_24, %add3A_25 : i32
    %mul3A_27 = arith.constant 10240 : i32
    %mul3A_28 = arith.muli %add3A_26, %mul3A_27 : i32
    %add3A_29 = arith.addi %mul3A_28, %mul3A_0 : i32
    %run_scoped3A_30 = arith.constant 3 : i32
    "tpu.region"() ({
      %run_scoped3A_136 = tpu.sem_alloc : memref<!tpu.dma_semaphore, #tpu.memory_space<semaphore_mem>>
      %dma_start3A = arith.constant 0 : i32
      %dma_start3A_137 = tpu.memref_slice %arg4[%run_scoped3A_30, %dma_start3A] : memref<16x640xf32, #tpu.memory_space<vmem>> -> memref<1x640xf32, #tpu.memory_space<vmem>>
      %dma_start3A_138 = tpu.memref_squeeze %dma_start3A_137 : memref<1x640xf32, #tpu.memory_space<vmem>> -> memref<640xf32, #tpu.memory_space<vmem>>
      %dma_start3A_139 = tpu.memref_slice %arg2[%add3A_29] : memref<327680xf32, #tpu.memory_space<hbm>> -> memref<640xf32, #tpu.memory_space<hbm>>
      %dma_start3A_140 = arith.constant 0 : i32
      %dma_start3A_141 = tpu.memref_slice %arg4[%run_scoped3A_30, %dma_start3A_140] : memref<16x640xf32, #tpu.memory_space<vmem>> -> memref<1x640xf32, #tpu.memory_space<vmem>>
      %dma_start3A_142 = tpu.memref_squeeze %dma_start3A_141 : memref<1x640xf32, #tpu.memory_space<vmem>> -> memref<640xf32, #tpu.memory_space<vmem>>
      %dma_start3A_143 = tpu.memref_slice %arg2[%add3A_29] : memref<327680xf32, #tpu.memory_space<hbm>> -> memref<640xf32, #tpu.memory_space<hbm>>
      tpu.enqueue_dma source(%dma_start3A_143 : memref<640xf32, #tpu.memory_space<hbm>>) target(%dma_start3A_142 : memref<640xf32, #tpu.memory_space<vmem>>) target_semaphore(%run_scoped3A_136 : memref<!tpu.dma_semaphore, #tpu.memory_space<semaphore_mem>>)
      %dma_wait3A = arith.constant 0 : i32
      %dma_wait3A_144 = tpu.memref_slice %arg4[%run_scoped3A_30, %dma_wait3A] : memref<16x640xf32, #tpu.memory_space<vmem>> -> memref<1x640xf32, #tpu.memory_space<vmem>>
      %dma_wait3A_145 = tpu.memref_squeeze %dma_wait3A_144 : memref<1x640xf32, #tpu.memory_space<vmem>> -> memref<640xf32, #tpu.memory_space<vmem>>
      %dma_wait3A_146 = tpu.memref_slice %arg2[%add3A_29] : memref<327680xf32, #tpu.memory_space<hbm>> -> memref<640xf32, #tpu.memory_space<hbm>>
      %dma_wait3A_147 = arith.constant 0 : i32
      %dma_wait3A_148 = tpu.memref_slice %arg4[%run_scoped3A_30, %dma_wait3A_147] : memref<16x640xf32, #tpu.memory_space<vmem>> -> memref<1x640xf32, #tpu.memory_space<vmem>>
      %dma_wait3A_149 = tpu.memref_squeeze %dma_wait3A_148 : memref<1x640xf32, #tpu.memory_space<vmem>> -> memref<640xf32, #tpu.memory_space<vmem>>
      %dma_wait3A_150 = tpu.memref_slice %arg2[%add3A_29] : memref<327680xf32, #tpu.memory_space<hbm>> -> memref<640xf32, #tpu.memory_space<hbm>>
      tpu.wait_dma2 semaphore(%run_scoped3A_136 : memref<!tpu.dma_semaphore, #tpu.memory_space<semaphore_mem>>) src(%dma_wait3A_150 : memref<640xf32, #tpu.memory_space<hbm>>) dst(%dma_wait3A_149 : memref<640xf32, #tpu.memory_space<vmem>>)
      tpu.yield
    }) : () -> ()
    %mul3A_31 = arith.constant 16 : i32
    %mul3A_32 = arith.muli %arg0, %mul3A_31 : i32
    %add3A_33 = arith.constant 4 : i32
    %add3A_34 = arith.addi %mul3A_32, %add3A_33 : i32
    %mul3A_35 = arith.constant 10240 : i32
    %mul3A_36 = arith.muli %add3A_34, %mul3A_35 : i32
    %add3A_37 = arith.addi %mul3A_36, %mul3A_0 : i32
    %run_scoped3A_38 = arith.constant 4 : i32
    "tpu.region"() ({
      %run_scoped3A_136 = tpu.sem_alloc : memref<!tpu.dma_semaphore, #tpu.memory_space<semaphore_mem>>
      %dma_start3A = arith.constant 0 : i32
      %dma_start3A_137 = tpu.memref_slice %arg4[%run_scoped3A_38, %dma_start3A] : memref<16x640xf32, #tpu.memory_space<vmem>> -> memref<1x640xf32, #tpu.memory_space<vmem>>
      %dma_start3A_138 = tpu.memref_squeeze %dma_start3A_137 : memref<1x640xf32, #tpu.memory_space<vmem>> -> memref<640xf32, #tpu.memory_space<vmem>>
      %dma_start3A_139 = tpu.memref_slice %arg2[%add3A_37] : memref<327680xf32, #tpu.memory_space<hbm>> -> memref<640xf32, #tpu.memory_space<hbm>>
      %dma_start3A_140 = arith.constant 0 : i32
      %dma_start3A_141 = tpu.memref_slice %arg4[%run_scoped3A_38, %dma_start3A_140] : memref<16x640xf32, #tpu.memory_space<vmem>> -> memref<1x640xf32, #tpu.memory_space<vmem>>
      %dma_start3A_142 = tpu.memref_squeeze %dma_start3A_141 : memref<1x640xf32, #tpu.memory_space<vmem>> -> memref<640xf32, #tpu.memory_space<vmem>>
      %dma_start3A_143 = tpu.memref_slice %arg2[%add3A_37] : memref<327680xf32, #tpu.memory_space<hbm>> -> memref<640xf32, #tpu.memory_space<hbm>>
      tpu.enqueue_dma source(%dma_start3A_143 : memref<640xf32, #tpu.memory_space<hbm>>) target(%dma_start3A_142 : memref<640xf32, #tpu.memory_space<vmem>>) target_semaphore(%run_scoped3A_136 : memref<!tpu.dma_semaphore, #tpu.memory_space<semaphore_mem>>)
      %dma_wait3A = arith.constant 0 : i32
      %dma_wait3A_144 = tpu.memref_slice %arg4[%run_scoped3A_38, %dma_wait3A] : memref<16x640xf32, #tpu.memory_space<vmem>> -> memref<1x640xf32, #tpu.memory_space<vmem>>
      %dma_wait3A_145 = tpu.memref_squeeze %dma_wait3A_144 : memref<1x640xf32, #tpu.memory_space<vmem>> -> memref<640xf32, #tpu.memory_space<vmem>>
      %dma_wait3A_146 = tpu.memref_slice %arg2[%add3A_37] : memref<327680xf32, #tpu.memory_space<hbm>> -> memref<640xf32, #tpu.memory_space<hbm>>
      %dma_wait3A_147 = arith.constant 0 : i32
      %dma_wait3A_148 = tpu.memref_slice %arg4[%run_scoped3A_38, %dma_wait3A_147] : memref<16x640xf32, #tpu.memory_space<vmem>> -> memref<1x640xf32, #tpu.memory_space<vmem>>
      %dma_wait3A_149 = tpu.memref_squeeze %dma_wait3A_148 : memref<1x640xf32, #tpu.memory_space<vmem>> -> memref<640xf32, #tpu.memory_space<vmem>>
      %dma_wait3A_150 = tpu.memref_slice %arg2[%add3A_37] : memref<327680xf32, #tpu.memory_space<hbm>> -> memref<640xf32, #tpu.memory_space<hbm>>
      tpu.wait_dma2 semaphore(%run_scoped3A_136 : memref<!tpu.dma_semaphore, #tpu.memory_space<semaphore_mem>>) src(%dma_wait3A_150 : memref<640xf32, #tpu.memory_space<hbm>>) dst(%dma_wait3A_149 : memref<640xf32, #tpu.memory_space<vmem>>)
      tpu.yield
    }) : () -> ()
    %mul3A_39 = arith.constant 16 : i32
    %mul3A_40 = arith.muli %arg0, %mul3A_39 : i32
    %add3A_41 = arith.constant 5 : i32
    %add3A_42 = arith.addi %mul3A_40, %add3A_41 : i32
    %mul3A_43 = arith.constant 10240 : i32
    %mul3A_44 = arith.muli %add3A_42, %mul3A_43 : i32
    %add3A_45 = arith.addi %mul3A_44, %mul3A_0 : i32
    %run_scoped3A_46 = arith.constant 5 : i32
    "tpu.region"() ({
      %run_scoped3A_136 = tpu.sem_alloc : memref<!tpu.dma_semaphore, #tpu.memory_space<semaphore_mem>>
      %dma_start3A = arith.constant 0 : i32
      %dma_start3A_137 = tpu.memref_slice %arg4[%run_scoped3A_46, %dma_start3A] : memref<16x640xf32, #tpu.memory_space<vmem>> -> memref<1x640xf32, #tpu.memory_space<vmem>>
      %dma_start3A_138 = tpu.memref_squeeze %dma_start3A_137 : memref<1x640xf32, #tpu.memory_space<vmem>> -> memref<640xf32, #tpu.memory_space<vmem>>
      %dma_start3A_139 = tpu.memref_slice %arg2[%add3A_45] : memref<327680xf32, #tpu.memory_space<hbm>> -> memref<640xf32, #tpu.memory_space<hbm>>
      %dma_start3A_140 = arith.constant 0 : i32
      %dma_start3A_141 = tpu.memref_slice %arg4[%run_scoped3A_46, %dma_start3A_140] : memref<16x640xf32, #tpu.memory_space<vmem>> -> memref<1x640xf32, #tpu.memory_space<vmem>>
      %dma_start3A_142 = tpu.memref_squeeze %dma_start3A_141 : memref<1x640xf32, #tpu.memory_space<vmem>> -> memref<640xf32, #tpu.memory_space<vmem>>
      %dma_start3A_143 = tpu.memref_slice %arg2[%add3A_45] : memref<327680xf32, #tpu.memory_space<hbm>> -> memref<640xf32, #tpu.memory_space<hbm>>
      tpu.enqueue_dma source(%dma_start3A_143 : memref<640xf32, #tpu.memory_space<hbm>>) target(%dma_start3A_142 : memref<640xf32, #tpu.memory_space<vmem>>) target_semaphore(%run_scoped3A_136 : memref<!tpu.dma_semaphore, #tpu.memory_space<semaphore_mem>>)
      %dma_wait3A = arith.constant 0 : i32
      %dma_wait3A_144 = tpu.memref_slice %arg4[%run_scoped3A_46, %dma_wait3A] : memref<16x640xf32, #tpu.memory_space<vmem>> -> memref<1x640xf32, #tpu.memory_space<vmem>>
      %dma_wait3A_145 = tpu.memref_squeeze %dma_wait3A_144 : memref<1x640xf32, #tpu.memory_space<vmem>> -> memref<640xf32, #tpu.memory_space<vmem>>
      %dma_wait3A_146 = tpu.memref_slice %arg2[%add3A_45] : memref<327680xf32, #tpu.memory_space<hbm>> -> memref<640xf32, #tpu.memory_space<hbm>>
      %dma_wait3A_147 = arith.constant 0 : i32
      %dma_wait3A_148 = tpu.memref_slice %arg4[%run_scoped3A_46, %dma_wait3A_147] : memref<16x640xf32, #tpu.memory_space<vmem>> -> memref<1x640xf32, #tpu.memory_space<vmem>>
      %dma_wait3A_149 = tpu.memref_squeeze %dma_wait3A_148 : memref<1x640xf32, #tpu.memory_space<vmem>> -> memref<640xf32, #tpu.memory_space<vmem>>
      %dma_wait3A_150 = tpu.memref_slice %arg2[%add3A_45] : memref<327680xf32, #tpu.memory_space<hbm>> -> memref<640xf32, #tpu.memory_space<hbm>>
      tpu.wait_dma2 semaphore(%run_scoped3A_136 : memref<!tpu.dma_semaphore, #tpu.memory_space<semaphore_mem>>) src(%dma_wait3A_150 : memref<640xf32, #tpu.memory_space<hbm>>) dst(%dma_wait3A_149 : memref<640xf32, #tpu.memory_space<vmem>>)
      tpu.yield
    }) : () -> ()
    %mul3A_47 = arith.constant 16 : i32
    %mul3A_48 = arith.muli %arg0, %mul3A_47 : i32
    %add3A_49 = arith.constant 6 : i32
    %add3A_50 = arith.addi %mul3A_48, %add3A_49 : i32
    %mul3A_51 = arith.constant 10240 : i32
    %mul3A_52 = arith.muli %add3A_50, %mul3A_51 : i32
    %add3A_53 = arith.addi %mul3A_52, %mul3A_0 : i32
    %run_scoped3A_54 = arith.constant 6 : i32
    "tpu.region"() ({
      %run_scoped3A_136 = tpu.sem_alloc : memref<!tpu.dma_semaphore, #tpu.memory_space<semaphore_mem>>
      %dma_start3A = arith.constant 0 : i32
      %dma_start3A_137 = tpu.memref_slice %arg4[%run_scoped3A_54, %dma_start3A] : memref<16x640xf32, #tpu.memory_space<vmem>> -> memref<1x640xf32, #tpu.memory_space<vmem>>
      %dma_start3A_138 = tpu.memref_squeeze %dma_start3A_137 : memref<1x640xf32, #tpu.memory_space<vmem>> -> memref<640xf32, #tpu.memory_space<vmem>>
      %dma_start3A_139 = tpu.memref_slice %arg2[%add3A_53] : memref<327680xf32, #tpu.memory_space<hbm>> -> memref<640xf32, #tpu.memory_space<hbm>>
      %dma_start3A_140 = arith.constant 0 : i32
      %dma_start3A_141 = tpu.memref_slice %arg4[%run_scoped3A_54, %dma_start3A_140] : memref<16x640xf32, #tpu.memory_space<vmem>> -> memref<1x640xf32, #tpu.memory_space<vmem>>
      %dma_start3A_142 = tpu.memref_squeeze %dma_start3A_141 : memref<1x640xf32, #tpu.memory_space<vmem>> -> memref<640xf32, #tpu.memory_space<vmem>>
      %dma_start3A_143 = tpu.memref_slice %arg2[%add3A_53] : memref<327680xf32, #tpu.memory_space<hbm>> -> memref<640xf32, #tpu.memory_space<hbm>>
      tpu.enqueue_dma source(%dma_start3A_143 : memref<640xf32, #tpu.memory_space<hbm>>) target(%dma_start3A_142 : memref<640xf32, #tpu.memory_space<vmem>>) target_semaphore(%run_scoped3A_136 : memref<!tpu.dma_semaphore, #tpu.memory_space<semaphore_mem>>)
      %dma_wait3A = arith.constant 0 : i32
      %dma_wait3A_144 = tpu.memref_slice %arg4[%run_scoped3A_54, %dma_wait3A] : memref<16x640xf32, #tpu.memory_space<vmem>> -> memref<1x640xf32, #tpu.memory_space<vmem>>
      %dma_wait3A_145 = tpu.memref_squeeze %dma_wait3A_144 : memref<1x640xf32, #tpu.memory_space<vmem>> -> memref<640xf32, #tpu.memory_space<vmem>>
      %dma_wait3A_146 = tpu.memref_slice %arg2[%add3A_53] : memref<327680xf32, #tpu.memory_space<hbm>> -> memref<640xf32, #tpu.memory_space<hbm>>
      %dma_wait3A_147 = arith.constant 0 : i32
      %dma_wait3A_148 = tpu.memref_slice %arg4[%run_scoped3A_54, %dma_wait3A_147] : memref<16x640xf32, #tpu.memory_space<vmem>> -> memref<1x640xf32, #tpu.memory_space<vmem>>
      %dma_wait3A_149 = tpu.memref_squeeze %dma_wait3A_148 : memref<1x640xf32, #tpu.memory_space<vmem>> -> memref<640xf32, #tpu.memory_space<vmem>>
      %dma_wait3A_150 = tpu.memref_slice %arg2[%add3A_53] : memref<327680xf32, #tpu.memory_space<hbm>> -> memref<640xf32, #tpu.memory_space<hbm>>
      tpu.wait_dma2 semaphore(%run_scoped3A_136 : memref<!tpu.dma_semaphore, #tpu.memory_space<semaphore_mem>>) src(%dma_wait3A_150 : memref<640xf32, #tpu.memory_space<hbm>>) dst(%dma_wait3A_149 : memref<640xf32, #tpu.memory_space<vmem>>)
      tpu.yield
    }) : () -> ()
    %mul3A_55 = arith.constant 16 : i32
    %mul3A_56 = arith.muli %arg0, %mul3A_55 : i32
    %add3A_57 = arith.constant 7 : i32
    %add3A_58 = arith.addi %mul3A_56, %add3A_57 : i32
    %mul3A_59 = arith.constant 10240 : i32
    %mul3A_60 = arith.muli %add3A_58, %mul3A_59 : i32
    %add3A_61 = arith.addi %mul3A_60, %mul3A_0 : i32
    %run_scoped3A_62 = arith.constant 7 : i32
    "tpu.region"() ({
      %run_scoped3A_136 = tpu.sem_alloc : memref<!tpu.dma_semaphore, #tpu.memory_space<semaphore_mem>>
      %dma_start3A = arith.constant 0 : i32
      %dma_start3A_137 = tpu.memref_slice %arg4[%run_scoped3A_62, %dma_start3A] : memref<16x640xf32, #tpu.memory_space<vmem>> -> memref<1x640xf32, #tpu.memory_space<vmem>>
      %dma_start3A_138 = tpu.memref_squeeze %dma_start3A_137 : memref<1x640xf32, #tpu.memory_space<vmem>> -> memref<640xf32, #tpu.memory_space<vmem>>
      %dma_start3A_139 = tpu.memref_slice %arg2[%add3A_61] : memref<327680xf32, #tpu.memory_space<hbm>> -> memref<640xf32, #tpu.memory_space<hbm>>
      %dma_start3A_140 = arith.constant 0 : i32
      %dma_start3A_141 = tpu.memref_slice %arg4[%run_scoped3A_62, %dma_start3A_140] : memref<16x640xf32, #tpu.memory_space<vmem>> -> memref<1x640xf32, #tpu.memory_space<vmem>>
      %dma_start3A_142 = tpu.memref_squeeze %dma_start3A_141 : memref<1x640xf32, #tpu.memory_space<vmem>> -> memref<640xf32, #tpu.memory_space<vmem>>
      %dma_start3A_143 = tpu.memref_slice %arg2[%add3A_61] : memref<327680xf32, #tpu.memory_space<hbm>> -> memref<640xf32, #tpu.memory_space<hbm>>
      tpu.enqueue_dma source(%dma_start3A_143 : memref<640xf32, #tpu.memory_space<hbm>>) target(%dma_start3A_142 : memref<640xf32, #tpu.memory_space<vmem>>) target_semaphore(%run_scoped3A_136 : memref<!tpu.dma_semaphore, #tpu.memory_space<semaphore_mem>>)
      %dma_wait3A = arith.constant 0 : i32
      %dma_wait3A_144 = tpu.memref_slice %arg4[%run_scoped3A_62, %dma_wait3A] : memref<16x640xf32, #tpu.memory_space<vmem>> -> memref<1x640xf32, #tpu.memory_space<vmem>>
      %dma_wait3A_145 = tpu.memref_squeeze %dma_wait3A_144 : memref<1x640xf32, #tpu.memory_space<vmem>> -> memref<640xf32, #tpu.memory_space<vmem>>
      %dma_wait3A_146 = tpu.memref_slice %arg2[%add3A_61] : memref<327680xf32, #tpu.memory_space<hbm>> -> memref<640xf32, #tpu.memory_space<hbm>>
      %dma_wait3A_147 = arith.constant 0 : i32
      %dma_wait3A_148 = tpu.memref_slice %arg4[%run_scoped3A_62, %dma_wait3A_147] : memref<16x640xf32, #tpu.memory_space<vmem>> -> memref<1x640xf32, #tpu.memory_space<vmem>>
      %dma_wait3A_149 = tpu.memref_squeeze %dma_wait3A_148 : memref<1x640xf32, #tpu.memory_space<vmem>> -> memref<640xf32, #tpu.memory_space<vmem>>
      %dma_wait3A_150 = tpu.memref_slice %arg2[%add3A_61] : memref<327680xf32, #tpu.memory_space<hbm>> -> memref<640xf32, #tpu.memory_space<hbm>>
      tpu.wait_dma2 semaphore(%run_scoped3A_136 : memref<!tpu.dma_semaphore, #tpu.memory_space<semaphore_mem>>) src(%dma_wait3A_150 : memref<640xf32, #tpu.memory_space<hbm>>) dst(%dma_wait3A_149 : memref<640xf32, #tpu.memory_space<vmem>>)
      tpu.yield
    }) : () -> ()
    %mul3A_63 = arith.constant 16 : i32
    %mul3A_64 = arith.muli %arg0, %mul3A_63 : i32
    %add3A_65 = arith.constant 8 : i32
    %add3A_66 = arith.addi %mul3A_64, %add3A_65 : i32
    %mul3A_67 = arith.constant 10240 : i32
    %mul3A_68 = arith.muli %add3A_66, %mul3A_67 : i32
    %add3A_69 = arith.addi %mul3A_68, %mul3A_0 : i32
    %run_scoped3A_70 = arith.constant 8 : i32
    "tpu.region"() ({
      %run_scoped3A_136 = tpu.sem_alloc : memref<!tpu.dma_semaphore, #tpu.memory_space<semaphore_mem>>
      %dma_start3A = arith.constant 0 : i32
      %dma_start3A_137 = tpu.memref_slice %arg4[%run_scoped3A_70, %dma_start3A] : memref<16x640xf32, #tpu.memory_space<vmem>> -> memref<1x640xf32, #tpu.memory_space<vmem>>
      %dma_start3A_138 = tpu.memref_squeeze %dma_start3A_137 : memref<1x640xf32, #tpu.memory_space<vmem>> -> memref<640xf32, #tpu.memory_space<vmem>>
      %dma_start3A_139 = tpu.memref_slice %arg2[%add3A_69] : memref<327680xf32, #tpu.memory_space<hbm>> -> memref<640xf32, #tpu.memory_space<hbm>>
      %dma_start3A_140 = arith.constant 0 : i32
      %dma_start3A_141 = tpu.memref_slice %arg4[%run_scoped3A_70, %dma_start3A_140] : memref<16x640xf32, #tpu.memory_space<vmem>> -> memref<1x640xf32, #tpu.memory_space<vmem>>
      %dma_start3A_142 = tpu.memref_squeeze %dma_start3A_141 : memref<1x640xf32, #tpu.memory_space<vmem>> -> memref<640xf32, #tpu.memory_space<vmem>>
      %dma_start3A_143 = tpu.memref_slice %arg2[%add3A_69] : memref<327680xf32, #tpu.memory_space<hbm>> -> memref<640xf32, #tpu.memory_space<hbm>>
      tpu.enqueue_dma source(%dma_start3A_143 : memref<640xf32, #tpu.memory_space<hbm>>) target(%dma_start3A_142 : memref<640xf32, #tpu.memory_space<vmem>>) target_semaphore(%run_scoped3A_136 : memref<!tpu.dma_semaphore, #tpu.memory_space<semaphore_mem>>)
      %dma_wait3A = arith.constant 0 : i32
      %dma_wait3A_144 = tpu.memref_slice %arg4[%run_scoped3A_70, %dma_wait3A] : memref<16x640xf32, #tpu.memory_space<vmem>> -> memref<1x640xf32, #tpu.memory_space<vmem>>
      %dma_wait3A_145 = tpu.memref_squeeze %dma_wait3A_144 : memref<1x640xf32, #tpu.memory_space<vmem>> -> memref<640xf32, #tpu.memory_space<vmem>>
      %dma_wait3A_146 = tpu.memref_slice %arg2[%add3A_69] : memref<327680xf32, #tpu.memory_space<hbm>> -> memref<640xf32, #tpu.memory_space<hbm>>
      %dma_wait3A_147 = arith.constant 0 : i32
      %dma_wait3A_148 = tpu.memref_slice %arg4[%run_scoped3A_70, %dma_wait3A_147] : memref<16x640xf32, #tpu.memory_space<vmem>> -> memref<1x640xf32, #tpu.memory_space<vmem>>
      %dma_wait3A_149 = tpu.memref_squeeze %dma_wait3A_148 : memref<1x640xf32, #tpu.memory_space<vmem>> -> memref<640xf32, #tpu.memory_space<vmem>>
      %dma_wait3A_150 = tpu.memref_slice %arg2[%add3A_69] : memref<327680xf32, #tpu.memory_space<hbm>> -> memref<640xf32, #tpu.memory_space<hbm>>
      tpu.wait_dma2 semaphore(%run_scoped3A_136 : memref<!tpu.dma_semaphore, #tpu.memory_space<semaphore_mem>>) src(%dma_wait3A_150 : memref<640xf32, #tpu.memory_space<hbm>>) dst(%dma_wait3A_149 : memref<640xf32, #tpu.memory_space<vmem>>)
      tpu.yield
    }) : () -> ()
    %mul3A_71 = arith.constant 16 : i32
    %mul3A_72 = arith.muli %arg0, %mul3A_71 : i32
    %add3A_73 = arith.constant 9 : i32
    %add3A_74 = arith.addi %mul3A_72, %add3A_73 : i32
    %mul3A_75 = arith.constant 10240 : i32
    %mul3A_76 = arith.muli %add3A_74, %mul3A_75 : i32
    %add3A_77 = arith.addi %mul3A_76, %mul3A_0 : i32
    %run_scoped3A_78 = arith.constant 9 : i32
    "tpu.region"() ({
      %run_scoped3A_136 = tpu.sem_alloc : memref<!tpu.dma_semaphore, #tpu.memory_space<semaphore_mem>>
      %dma_start3A = arith.constant 0 : i32
      %dma_start3A_137 = tpu.memref_slice %arg4[%run_scoped3A_78, %dma_start3A] : memref<16x640xf32, #tpu.memory_space<vmem>> -> memref<1x640xf32, #tpu.memory_space<vmem>>
      %dma_start3A_138 = tpu.memref_squeeze %dma_start3A_137 : memref<1x640xf32, #tpu.memory_space<vmem>> -> memref<640xf32, #tpu.memory_space<vmem>>
      %dma_start3A_139 = tpu.memref_slice %arg2[%add3A_77] : memref<327680xf32, #tpu.memory_space<hbm>> -> memref<640xf32, #tpu.memory_space<hbm>>
      %dma_start3A_140 = arith.constant 0 : i32
      %dma_start3A_141 = tpu.memref_slice %arg4[%run_scoped3A_78, %dma_start3A_140] : memref<16x640xf32, #tpu.memory_space<vmem>> -> memref<1x640xf32, #tpu.memory_space<vmem>>
      %dma_start3A_142 = tpu.memref_squeeze %dma_start3A_141 : memref<1x640xf32, #tpu.memory_space<vmem>> -> memref<640xf32, #tpu.memory_space<vmem>>
      %dma_start3A_143 = tpu.memref_slice %arg2[%add3A_77] : memref<327680xf32, #tpu.memory_space<hbm>> -> memref<640xf32, #tpu.memory_space<hbm>>
      tpu.enqueue_dma source(%dma_start3A_143 : memref<640xf32, #tpu.memory_space<hbm>>) target(%dma_start3A_142 : memref<640xf32, #tpu.memory_space<vmem>>) target_semaphore(%run_scoped3A_136 : memref<!tpu.dma_semaphore, #tpu.memory_space<semaphore_mem>>)
      %dma_wait3A = arith.constant 0 : i32
      %dma_wait3A_144 = tpu.memref_slice %arg4[%run_scoped3A_78, %dma_wait3A] : memref<16x640xf32, #tpu.memory_space<vmem>> -> memref<1x640xf32, #tpu.memory_space<vmem>>
      %dma_wait3A_145 = tpu.memref_squeeze %dma_wait3A_144 : memref<1x640xf32, #tpu.memory_space<vmem>> -> memref<640xf32, #tpu.memory_space<vmem>>
      %dma_wait3A_146 = tpu.memref_slice %arg2[%add3A_77] : memref<327680xf32, #tpu.memory_space<hbm>> -> memref<640xf32, #tpu.memory_space<hbm>>
      %dma_wait3A_147 = arith.constant 0 : i32
      %dma_wait3A_148 = tpu.memref_slice %arg4[%run_scoped3A_78, %dma_wait3A_147] : memref<16x640xf32, #tpu.memory_space<vmem>> -> memref<1x640xf32, #tpu.memory_space<vmem>>
      %dma_wait3A_149 = tpu.memref_squeeze %dma_wait3A_148 : memref<1x640xf32, #tpu.memory_space<vmem>> -> memref<640xf32, #tpu.memory_space<vmem>>
      %dma_wait3A_150 = tpu.memref_slice %arg2[%add3A_77] : memref<327680xf32, #tpu.memory_space<hbm>> -> memref<640xf32, #tpu.memory_space<hbm>>
      tpu.wait_dma2 semaphore(%run_scoped3A_136 : memref<!tpu.dma_semaphore, #tpu.memory_space<semaphore_mem>>) src(%dma_wait3A_150 : memref<640xf32, #tpu.memory_space<hbm>>) dst(%dma_wait3A_149 : memref<640xf32, #tpu.memory_space<vmem>>)
      tpu.yield
    }) : () -> ()
    %mul3A_79 = arith.constant 16 : i32
    %mul3A_80 = arith.muli %arg0, %mul3A_79 : i32
    %add3A_81 = arith.constant 10 : i32
    %add3A_82 = arith.addi %mul3A_80, %add3A_81 : i32
    %mul3A_83 = arith.constant 10240 : i32
    %mul3A_84 = arith.muli %add3A_82, %mul3A_83 : i32
    %add3A_85 = arith.addi %mul3A_84, %mul3A_0 : i32
    %run_scoped3A_86 = arith.constant 10 : i32
    "tpu.region"() ({
      %run_scoped3A_136 = tpu.sem_alloc : memref<!tpu.dma_semaphore, #tpu.memory_space<semaphore_mem>>
      %dma_start3A = arith.constant 0 : i32
      %dma_start3A_137 = tpu.memref_slice %arg4[%run_scoped3A_86, %dma_start3A] : memref<16x640xf32, #tpu.memory_space<vmem>> -> memref<1x640xf32, #tpu.memory_space<vmem>>
      %dma_start3A_138 = tpu.memref_squeeze %dma_start3A_137 : memref<1x640xf32, #tpu.memory_space<vmem>> -> memref<640xf32, #tpu.memory_space<vmem>>
      %dma_start3A_139 = tpu.memref_slice %arg2[%add3A_85] : memref<327680xf32, #tpu.memory_space<hbm>> -> memref<640xf32, #tpu.memory_space<hbm>>
      %dma_start3A_140 = arith.constant 0 : i32
      %dma_start3A_141 = tpu.memref_slice %arg4[%run_scoped3A_86, %dma_start3A_140] : memref<16x640xf32, #tpu.memory_space<vmem>> -> memref<1x640xf32, #tpu.memory_space<vmem>>
      %dma_start3A_142 = tpu.memref_squeeze %dma_start3A_141 : memref<1x640xf32, #tpu.memory_space<vmem>> -> memref<640xf32, #tpu.memory_space<vmem>>
      %dma_start3A_143 = tpu.memref_slice %arg2[%add3A_85] : memref<327680xf32, #tpu.memory_space<hbm>> -> memref<640xf32, #tpu.memory_space<hbm>>
      tpu.enqueue_dma source(%dma_start3A_143 : memref<640xf32, #tpu.memory_space<hbm>>) target(%dma_start3A_142 : memref<640xf32, #tpu.memory_space<vmem>>) target_semaphore(%run_scoped3A_136 : memref<!tpu.dma_semaphore, #tpu.memory_space<semaphore_mem>>)
      %dma_wait3A = arith.constant 0 : i32
      %dma_wait3A_144 = tpu.memref_slice %arg4[%run_scoped3A_86, %dma_wait3A] : memref<16x640xf32, #tpu.memory_space<vmem>> -> memref<1x640xf32, #tpu.memory_space<vmem>>
      %dma_wait3A_145 = tpu.memref_squeeze %dma_wait3A_144 : memref<1x640xf32, #tpu.memory_space<vmem>> -> memref<640xf32, #tpu.memory_space<vmem>>
      %dma_wait3A_146 = tpu.memref_slice %arg2[%add3A_85] : memref<327680xf32, #tpu.memory_space<hbm>> -> memref<640xf32, #tpu.memory_space<hbm>>
      %dma_wait3A_147 = arith.constant 0 : i32
      %dma_wait3A_148 = tpu.memref_slice %arg4[%run_scoped3A_86, %dma_wait3A_147] : memref<16x640xf32, #tpu.memory_space<vmem>> -> memref<1x640xf32, #tpu.memory_space<vmem>>
      %dma_wait3A_149 = tpu.memref_squeeze %dma_wait3A_148 : memref<1x640xf32, #tpu.memory_space<vmem>> -> memref<640xf32, #tpu.memory_space<vmem>>
      %dma_wait3A_150 = tpu.memref_slice %arg2[%add3A_85] : memref<327680xf32, #tpu.memory_space<hbm>> -> memref<640xf32, #tpu.memory_space<hbm>>
      tpu.wait_dma2 semaphore(%run_scoped3A_136 : memref<!tpu.dma_semaphore, #tpu.memory_space<semaphore_mem>>) src(%dma_wait3A_150 : memref<640xf32, #tpu.memory_space<hbm>>) dst(%dma_wait3A_149 : memref<640xf32, #tpu.memory_space<vmem>>)
      tpu.yield
    }) : () -> ()
    %mul3A_87 = arith.constant 16 : i32
    %mul3A_88 = arith.muli %arg0, %mul3A_87 : i32
    %add3A_89 = arith.constant 11 : i32
    %add3A_90 = arith.addi %mul3A_88, %add3A_89 : i32
    %mul3A_91 = arith.constant 10240 : i32
    %mul3A_92 = arith.muli %add3A_90, %mul3A_91 : i32
    %add3A_93 = arith.addi %mul3A_92, %mul3A_0 : i32
    %run_scoped3A_94 = arith.constant 11 : i32
    "tpu.region"() ({
      %run_scoped3A_136 = tpu.sem_alloc : memref<!tpu.dma_semaphore, #tpu.memory_space<semaphore_mem>>
      %dma_start3A = arith.constant 0 : i32
      %dma_start3A_137 = tpu.memref_slice %arg4[%run_scoped3A_94, %dma_start3A] : memref<16x640xf32, #tpu.memory_space<vmem>> -> memref<1x640xf32, #tpu.memory_space<vmem>>
      %dma_start3A_138 = tpu.memref_squeeze %dma_start3A_137 : memref<1x640xf32, #tpu.memory_space<vmem>> -> memref<640xf32, #tpu.memory_space<vmem>>
      %dma_start3A_139 = tpu.memref_slice %arg2[%add3A_93] : memref<327680xf32, #tpu.memory_space<hbm>> -> memref<640xf32, #tpu.memory_space<hbm>>
      %dma_start3A_140 = arith.constant 0 : i32
      %dma_start3A_141 = tpu.memref_slice %arg4[%run_scoped3A_94, %dma_start3A_140] : memref<16x640xf32, #tpu.memory_space<vmem>> -> memref<1x640xf32, #tpu.memory_space<vmem>>
      %dma_start3A_142 = tpu.memref_squeeze %dma_start3A_141 : memref<1x640xf32, #tpu.memory_space<vmem>> -> memref<640xf32, #tpu.memory_space<vmem>>
      %dma_start3A_143 = tpu.memref_slice %arg2[%add3A_93] : memref<327680xf32, #tpu.memory_space<hbm>> -> memref<640xf32, #tpu.memory_space<hbm>>
      tpu.enqueue_dma source(%dma_start3A_143 : memref<640xf32, #tpu.memory_space<hbm>>) target(%dma_start3A_142 : memref<640xf32, #tpu.memory_space<vmem>>) target_semaphore(%run_scoped3A_136 : memref<!tpu.dma_semaphore, #tpu.memory_space<semaphore_mem>>)
      %dma_wait3A = arith.constant 0 : i32
      %dma_wait3A_144 = tpu.memref_slice %arg4[%run_scoped3A_94, %dma_wait3A] : memref<16x640xf32, #tpu.memory_space<vmem>> -> memref<1x640xf32, #tpu.memory_space<vmem>>
      %dma_wait3A_145 = tpu.memref_squeeze %dma_wait3A_144 : memref<1x640xf32, #tpu.memory_space<vmem>> -> memref<640xf32, #tpu.memory_space<vmem>>
      %dma_wait3A_146 = tpu.memref_slice %arg2[%add3A_93] : memref<327680xf32, #tpu.memory_space<hbm>> -> memref<640xf32, #tpu.memory_space<hbm>>
      %dma_wait3A_147 = arith.constant 0 : i32
      %dma_wait3A_148 = tpu.memref_slice %arg4[%run_scoped3A_94, %dma_wait3A_147] : memref<16x640xf32, #tpu.memory_space<vmem>> -> memref<1x640xf32, #tpu.memory_space<vmem>>
      %dma_wait3A_149 = tpu.memref_squeeze %dma_wait3A_148 : memref<1x640xf32, #tpu.memory_space<vmem>> -> memref<640xf32, #tpu.memory_space<vmem>>
      %dma_wait3A_150 = tpu.memref_slice %arg2[%add3A_93] : memref<327680xf32, #tpu.memory_space<hbm>> -> memref<640xf32, #tpu.memory_space<hbm>>
      tpu.wait_dma2 semaphore(%run_scoped3A_136 : memref<!tpu.dma_semaphore, #tpu.memory_space<semaphore_mem>>) src(%dma_wait3A_150 : memref<640xf32, #tpu.memory_space<hbm>>) dst(%dma_wait3A_149 : memref<640xf32, #tpu.memory_space<vmem>>)
      tpu.yield
    }) : () -> ()
    %mul3A_95 = arith.constant 16 : i32
    %mul3A_96 = arith.muli %arg0, %mul3A_95 : i32
    %add3A_97 = arith.constant 12 : i32
    %add3A_98 = arith.addi %mul3A_96, %add3A_97 : i32
    %mul3A_99 = arith.constant 10240 : i32
    %mul3A_100 = arith.muli %add3A_98, %mul3A_99 : i32
    %add3A_101 = arith.addi %mul3A_100, %mul3A_0 : i32
    %run_scoped3A_102 = arith.constant 12 : i32
    "tpu.region"() ({
      %run_scoped3A_136 = tpu.sem_alloc : memref<!tpu.dma_semaphore, #tpu.memory_space<semaphore_mem>>
      %dma_start3A = arith.constant 0 : i32
      %dma_start3A_137 = tpu.memref_slice %arg4[%run_scoped3A_102, %dma_start3A] : memref<16x640xf32, #tpu.memory_space<vmem>> -> memref<1x640xf32, #tpu.memory_space<vmem>>
      %dma_start3A_138 = tpu.memref_squeeze %dma_start3A_137 : memref<1x640xf32, #tpu.memory_space<vmem>> -> memref<640xf32, #tpu.memory_space<vmem>>
      %dma_start3A_139 = tpu.memref_slice %arg2[%add3A_101] : memref<327680xf32, #tpu.memory_space<hbm>> -> memref<640xf32, #tpu.memory_space<hbm>>
      %dma_start3A_140 = arith.constant 0 : i32
      %dma_start3A_141 = tpu.memref_slice %arg4[%run_scoped3A_102, %dma_start3A_140] : memref<16x640xf32, #tpu.memory_space<vmem>> -> memref<1x640xf32, #tpu.memory_space<vmem>>
      %dma_start3A_142 = tpu.memref_squeeze %dma_start3A_141 : memref<1x640xf32, #tpu.memory_space<vmem>> -> memref<640xf32, #tpu.memory_space<vmem>>
      %dma_start3A_143 = tpu.memref_slice %arg2[%add3A_101] : memref<327680xf32, #tpu.memory_space<hbm>> -> memref<640xf32, #tpu.memory_space<hbm>>
      tpu.enqueue_dma source(%dma_start3A_143 : memref<640xf32, #tpu.memory_space<hbm>>) target(%dma_start3A_142 : memref<640xf32, #tpu.memory_space<vmem>>) target_semaphore(%run_scoped3A_136 : memref<!tpu.dma_semaphore, #tpu.memory_space<semaphore_mem>>)
      %dma_wait3A = arith.constant 0 : i32
      %dma_wait3A_144 = tpu.memref_slice %arg4[%run_scoped3A_102, %dma_wait3A] : memref<16x640xf32, #tpu.memory_space<vmem>> -> memref<1x640xf32, #tpu.memory_space<vmem>>
      %dma_wait3A_145 = tpu.memref_squeeze %dma_wait3A_144 : memref<1x640xf32, #tpu.memory_space<vmem>> -> memref<640xf32, #tpu.memory_space<vmem>>
      %dma_wait3A_146 = tpu.memref_slice %arg2[%add3A_101] : memref<327680xf32, #tpu.memory_space<hbm>> -> memref<640xf32, #tpu.memory_space<hbm>>
      %dma_wait3A_147 = arith.constant 0 : i32
      %dma_wait3A_148 = tpu.memref_slice %arg4[%run_scoped3A_102, %dma_wait3A_147] : memref<16x640xf32, #tpu.memory_space<vmem>> -> memref<1x640xf32, #tpu.memory_space<vmem>>
      %dma_wait3A_149 = tpu.memref_squeeze %dma_wait3A_148 : memref<1x640xf32, #tpu.memory_space<vmem>> -> memref<640xf32, #tpu.memory_space<vmem>>
      %dma_wait3A_150 = tpu.memref_slice %arg2[%add3A_101] : memref<327680xf32, #tpu.memory_space<hbm>> -> memref<640xf32, #tpu.memory_space<hbm>>
      tpu.wait_dma2 semaphore(%run_scoped3A_136 : memref<!tpu.dma_semaphore, #tpu.memory_space<semaphore_mem>>) src(%dma_wait3A_150 : memref<640xf32, #tpu.memory_space<hbm>>) dst(%dma_wait3A_149 : memref<640xf32, #tpu.memory_space<vmem>>)
      tpu.yield
    }) : () -> ()
    %mul3A_103 = arith.constant 16 : i32
    %mul3A_104 = arith.muli %arg0, %mul3A_103 : i32
    %add3A_105 = arith.constant 13 : i32
    %add3A_106 = arith.addi %mul3A_104, %add3A_105 : i32
    %mul3A_107 = arith.constant 10240 : i32
    %mul3A_108 = arith.muli %add3A_106, %mul3A_107 : i32
    %add3A_109 = arith.addi %mul3A_108, %mul3A_0 : i32
    %run_scoped3A_110 = arith.constant 13 : i32
    "tpu.region"() ({
      %run_scoped3A_136 = tpu.sem_alloc : memref<!tpu.dma_semaphore, #tpu.memory_space<semaphore_mem>>
      %dma_start3A = arith.constant 0 : i32
      %dma_start3A_137 = tpu.memref_slice %arg4[%run_scoped3A_110, %dma_start3A] : memref<16x640xf32, #tpu.memory_space<vmem>> -> memref<1x640xf32, #tpu.memory_space<vmem>>
      %dma_start3A_138 = tpu.memref_squeeze %dma_start3A_137 : memref<1x640xf32, #tpu.memory_space<vmem>> -> memref<640xf32, #tpu.memory_space<vmem>>
      %dma_start3A_139 = tpu.memref_slice %arg2[%add3A_109] : memref<327680xf32, #tpu.memory_space<hbm>> -> memref<640xf32, #tpu.memory_space<hbm>>
      %dma_start3A_140 = arith.constant 0 : i32
      %dma_start3A_141 = tpu.memref_slice %arg4[%run_scoped3A_110, %dma_start3A_140] : memref<16x640xf32, #tpu.memory_space<vmem>> -> memref<1x640xf32, #tpu.memory_space<vmem>>
      %dma_start3A_142 = tpu.memref_squeeze %dma_start3A_141 : memref<1x640xf32, #tpu.memory_space<vmem>> -> memref<640xf32, #tpu.memory_space<vmem>>
      %dma_start3A_143 = tpu.memref_slice %arg2[%add3A_109] : memref<327680xf32, #tpu.memory_space<hbm>> -> memref<640xf32, #tpu.memory_space<hbm>>
      tpu.enqueue_dma source(%dma_start3A_143 : memref<640xf32, #tpu.memory_space<hbm>>) target(%dma_start3A_142 : memref<640xf32, #tpu.memory_space<vmem>>) target_semaphore(%run_scoped3A_136 : memref<!tpu.dma_semaphore, #tpu.memory_space<semaphore_mem>>)
      %dma_wait3A = arith.constant 0 : i32
      %dma_wait3A_144 = tpu.memref_slice %arg4[%run_scoped3A_110, %dma_wait3A] : memref<16x640xf32, #tpu.memory_space<vmem>> -> memref<1x640xf32, #tpu.memory_space<vmem>>
      %dma_wait3A_145 = tpu.memref_squeeze %dma_wait3A_144 : memref<1x640xf32, #tpu.memory_space<vmem>> -> memref<640xf32, #tpu.memory_space<vmem>>
      %dma_wait3A_146 = tpu.memref_slice %arg2[%add3A_109] : memref<327680xf32, #tpu.memory_space<hbm>> -> memref<640xf32, #tpu.memory_space<hbm>>
      %dma_wait3A_147 = arith.constant 0 : i32
      %dma_wait3A_148 = tpu.memref_slice %arg4[%run_scoped3A_110, %dma_wait3A_147] : memref<16x640xf32, #tpu.memory_space<vmem>> -> memref<1x640xf32, #tpu.memory_space<vmem>>
      %dma_wait3A_149 = tpu.memref_squeeze %dma_wait3A_148 : memref<1x640xf32, #tpu.memory_space<vmem>> -> memref<640xf32, #tpu.memory_space<vmem>>
      %dma_wait3A_150 = tpu.memref_slice %arg2[%add3A_109] : memref<327680xf32, #tpu.memory_space<hbm>> -> memref<640xf32, #tpu.memory_space<hbm>>
      tpu.wait_dma2 semaphore(%run_scoped3A_136 : memref<!tpu.dma_semaphore, #tpu.memory_space<semaphore_mem>>) src(%dma_wait3A_150 : memref<640xf32, #tpu.memory_space<hbm>>) dst(%dma_wait3A_149 : memref<640xf32, #tpu.memory_space<vmem>>)
      tpu.yield
    }) : () -> ()
    %mul3A_111 = arith.constant 16 : i32
    %mul3A_112 = arith.muli %arg0, %mul3A_111 : i32
    %add3A_113 = arith.constant 14 : i32
    %add3A_114 = arith.addi %mul3A_112, %add3A_113 : i32
    %mul3A_115 = arith.constant 10240 : i32
    %mul3A_116 = arith.muli %add3A_114, %mul3A_115 : i32
    %add3A_117 = arith.addi %mul3A_116, %mul3A_0 : i32
    %run_scoped3A_118 = arith.constant 14 : i32
    "tpu.region"() ({
      %run_scoped3A_136 = tpu.sem_alloc : memref<!tpu.dma_semaphore, #tpu.memory_space<semaphore_mem>>
      %dma_start3A = arith.constant 0 : i32
      %dma_start3A_137 = tpu.memref_slice %arg4[%run_scoped3A_118, %dma_start3A] : memref<16x640xf32, #tpu.memory_space<vmem>> -> memref<1x640xf32, #tpu.memory_space<vmem>>
      %dma_start3A_138 = tpu.memref_squeeze %dma_start3A_137 : memref<1x640xf32, #tpu.memory_space<vmem>> -> memref<640xf32, #tpu.memory_space<vmem>>
      %dma_start3A_139 = tpu.memref_slice %arg2[%add3A_117] : memref<327680xf32, #tpu.memory_space<hbm>> -> memref<640xf32, #tpu.memory_space<hbm>>
      %dma_start3A_140 = arith.constant 0 : i32
      %dma_start3A_141 = tpu.memref_slice %arg4[%run_scoped3A_118, %dma_start3A_140] : memref<16x640xf32, #tpu.memory_space<vmem>> -> memref<1x640xf32, #tpu.memory_space<vmem>>
      %dma_start3A_142 = tpu.memref_squeeze %dma_start3A_141 : memref<1x640xf32, #tpu.memory_space<vmem>> -> memref<640xf32, #tpu.memory_space<vmem>>
      %dma_start3A_143 = tpu.memref_slice %arg2[%add3A_117] : memref<327680xf32, #tpu.memory_space<hbm>> -> memref<640xf32, #tpu.memory_space<hbm>>
      tpu.enqueue_dma source(%dma_start3A_143 : memref<640xf32, #tpu.memory_space<hbm>>) target(%dma_start3A_142 : memref<640xf32, #tpu.memory_space<vmem>>) target_semaphore(%run_scoped3A_136 : memref<!tpu.dma_semaphore, #tpu.memory_space<semaphore_mem>>)
      %dma_wait3A = arith.constant 0 : i32
      %dma_wait3A_144 = tpu.memref_slice %arg4[%run_scoped3A_118, %dma_wait3A] : memref<16x640xf32, #tpu.memory_space<vmem>> -> memref<1x640xf32, #tpu.memory_space<vmem>>
      %dma_wait3A_145 = tpu.memref_squeeze %dma_wait3A_144 : memref<1x640xf32, #tpu.memory_space<vmem>> -> memref<640xf32, #tpu.memory_space<vmem>>
      %dma_wait3A_146 = tpu.memref_slice %arg2[%add3A_117] : memref<327680xf32, #tpu.memory_space<hbm>> -> memref<640xf32, #tpu.memory_space<hbm>>
      %dma_wait3A_147 = arith.constant 0 : i32
      %dma_wait3A_148 = tpu.memref_slice %arg4[%run_scoped3A_118, %dma_wait3A_147] : memref<16x640xf32, #tpu.memory_space<vmem>> -> memref<1x640xf32, #tpu.memory_space<vmem>>
      %dma_wait3A_149 = tpu.memref_squeeze %dma_wait3A_148 : memref<1x640xf32, #tpu.memory_space<vmem>> -> memref<640xf32, #tpu.memory_space<vmem>>
      %dma_wait3A_150 = tpu.memref_slice %arg2[%add3A_117] : memref<327680xf32, #tpu.memory_space<hbm>> -> memref<640xf32, #tpu.memory_space<hbm>>
      tpu.wait_dma2 semaphore(%run_scoped3A_136 : memref<!tpu.dma_semaphore, #tpu.memory_space<semaphore_mem>>) src(%dma_wait3A_150 : memref<640xf32, #tpu.memory_space<hbm>>) dst(%dma_wait3A_149 : memref<640xf32, #tpu.memory_space<vmem>>)
      tpu.yield
    }) : () -> ()
    %mul3A_119 = arith.constant 16 : i32
    %mul3A_120 = arith.muli %arg0, %mul3A_119 : i32
    %add3A_121 = arith.constant 15 : i32
    %add3A_122 = arith.addi %mul3A_120, %add3A_121 : i32
    %mul3A_123 = arith.constant 10240 : i32
    %mul3A_124 = arith.muli %add3A_122, %mul3A_123 : i32
    %add3A_125 = arith.addi %mul3A_124, %mul3A_0 : i32
    %run_scoped3A_126 = arith.constant 15 : i32
    "tpu.region"() ({
      %run_scoped3A_136 = tpu.sem_alloc : memref<!tpu.dma_semaphore, #tpu.memory_space<semaphore_mem>>
      %dma_start3A = arith.constant 0 : i32
      %dma_start3A_137 = tpu.memref_slice %arg4[%run_scoped3A_126, %dma_start3A] : memref<16x640xf32, #tpu.memory_space<vmem>> -> memref<1x640xf32, #tpu.memory_space<vmem>>
      %dma_start3A_138 = tpu.memref_squeeze %dma_start3A_137 : memref<1x640xf32, #tpu.memory_space<vmem>> -> memref<640xf32, #tpu.memory_space<vmem>>
      %dma_start3A_139 = tpu.memref_slice %arg2[%add3A_125] : memref<327680xf32, #tpu.memory_space<hbm>> -> memref<640xf32, #tpu.memory_space<hbm>>
      %dma_start3A_140 = arith.constant 0 : i32
      %dma_start3A_141 = tpu.memref_slice %arg4[%run_scoped3A_126, %dma_start3A_140] : memref<16x640xf32, #tpu.memory_space<vmem>> -> memref<1x640xf32, #tpu.memory_space<vmem>>
      %dma_start3A_142 = tpu.memref_squeeze %dma_start3A_141 : memref<1x640xf32, #tpu.memory_space<vmem>> -> memref<640xf32, #tpu.memory_space<vmem>>
      %dma_start3A_143 = tpu.memref_slice %arg2[%add3A_125] : memref<327680xf32, #tpu.memory_space<hbm>> -> memref<640xf32, #tpu.memory_space<hbm>>
      tpu.enqueue_dma source(%dma_start3A_143 : memref<640xf32, #tpu.memory_space<hbm>>) target(%dma_start3A_142 : memref<640xf32, #tpu.memory_space<vmem>>) target_semaphore(%run_scoped3A_136 : memref<!tpu.dma_semaphore, #tpu.memory_space<semaphore_mem>>)
      %dma_wait3A = arith.constant 0 : i32
      %dma_wait3A_144 = tpu.memref_slice %arg4[%run_scoped3A_126, %dma_wait3A] : memref<16x640xf32, #tpu.memory_space<vmem>> -> memref<1x640xf32, #tpu.memory_space<vmem>>
      %dma_wait3A_145 = tpu.memref_squeeze %dma_wait3A_144 : memref<1x640xf32, #tpu.memory_space<vmem>> -> memref<640xf32, #tpu.memory_space<vmem>>
      %dma_wait3A_146 = tpu.memref_slice %arg2[%add3A_125] : memref<327680xf32, #tpu.memory_space<hbm>> -> memref<640xf32, #tpu.memory_space<hbm>>
      %dma_wait3A_147 = arith.constant 0 : i32
      %dma_wait3A_148 = tpu.memref_slice %arg4[%run_scoped3A_126, %dma_wait3A_147] : memref<16x640xf32, #tpu.memory_space<vmem>> -> memref<1x640xf32, #tpu.memory_space<vmem>>
      %dma_wait3A_149 = tpu.memref_squeeze %dma_wait3A_148 : memref<1x640xf32, #tpu.memory_space<vmem>> -> memref<640xf32, #tpu.memory_space<vmem>>
      %dma_wait3A_150 = tpu.memref_slice %arg2[%add3A_125] : memref<327680xf32, #tpu.memory_space<hbm>> -> memref<640xf32, #tpu.memory_space<hbm>>
      tpu.wait_dma2 semaphore(%run_scoped3A_136 : memref<!tpu.dma_semaphore, #tpu.memory_space<semaphore_mem>>) src(%dma_wait3A_150 : memref<640xf32, #tpu.memory_space<hbm>>) dst(%dma_wait3A_149 : memref<640xf32, #tpu.memory_space<vmem>>)
      tpu.yield
    }) : () -> ()
    %scan3A = arith.constant 0 : i32
    %scan3A_127 = arith.constant 0 : i32
    %scan3A_128 = arith.constant 40 : i32
    %scan3A_129 = arith.addi %scan3A_127, %scan3A_128 : i32
    %scan3A_130 = arith.constant 1 : i32
    %scan3A_131 = scf.for %scan3A_136 = %scan3A_127 to %scan3A_129 step %scan3A_130 iter_args(%scan3A_137 = %scan3A) -> (i32)  : i32 {
      %mul3A_138 = arith.constant 16 : i32
      %mul3A_139 = arith.muli %scan3A_136, %mul3A_138 : i32
      %get3A = arith.constant 0 : i32
      %get3A_140 = arith.index_cast %get3A : i32 to index
      %get3A_141 = arith.index_cast %mul3A_139 : i32 to index
      %get3A_142 = tpu.vector_load %arg4[%get3A_140, %get3A_141] {strides = array<i32>} : memref<16x640xf32, #tpu.memory_space<vmem>>, vector<1x16xf32>,
      %get3A_143 = vector.shape_cast %get3A_142 : vector<1x16xf32> to vector<16xf32>
      %get3A_144 = arith.constant 1 : i32
      %get3A_145 = arith.index_cast %get3A_144 : i32 to index
      %get3A_146 = arith.index_cast %mul3A_139 : i32 to index
      %get3A_147 = tpu.vector_load %arg4[%get3A_145, %get3A_146] {strides = array<i32>} : memref<16x640xf32, #tpu.memory_space<vmem>>, vector<1x16xf32>,
      %get3A_148 = vector.shape_cast %get3A_147 : vector<1x16xf32> to vector<16xf32>
      %add3A_149 = arith.addf %get3A_143, %get3A_148 : vector<16xf32>
      %get3A_150 = arith.constant 2 : i32
      %get3A_151 = arith.index_cast %get3A_150 : i32 to index
      %get3A_152 = arith.index_cast %mul3A_139 : i32 to index
      %get3A_153 = tpu.vector_load %arg4[%get3A_151, %get3A_152] {strides = array<i32>} : memref<16x640xf32, #tpu.memory_space<vmem>>, vector<1x16xf32>,
      %get3A_154 = vector.shape_cast %get3A_153 : vector<1x16xf32> to vector<16xf32>
      %add3A_155 = arith.addf %add3A_149, %get3A_154 : vector<16xf32>
      %get3A_156 = arith.constant 3 : i32
      %get3A_157 = arith.index_cast %get3A_156 : i32 to index
      %get3A_158 = arith.index_cast %mul3A_139 : i32 to index
      %get3A_159 = tpu.vector_load %arg4[%get3A_157, %get3A_158] {strides = array<i32>} : memref<16x640xf32, #tpu.memory_space<vmem>>, vector<1x16xf32>,
      %get3A_160 = vector.shape_cast %get3A_159 : vector<1x16xf32> to vector<16xf32>
      %add3A_161 = arith.addf %add3A_155, %get3A_160 : vector<16xf32>
      %get3A_162 = arith.constant 4 : i32
      %get3A_163 = arith.index_cast %get3A_162 : i32 to index
      %get3A_164 = arith.index_cast %mul3A_139 : i32 to index
      %get3A_165 = tpu.vector_load %arg4[%get3A_163, %get3A_164] {strides = array<i32>} : memref<16x640xf32, #tpu.memory_space<vmem>>, vector<1x16xf32>,
      %get3A_166 = vector.shape_cast %get3A_165 : vector<1x16xf32> to vector<16xf32>
      %add3A_167 = arith.addf %add3A_161, %get3A_166 : vector<16xf32>
      %get3A_168 = arith.constant 5 : i32
      %get3A_169 = arith.index_cast %get3A_168 : i32 to index
      %get3A_170 = arith.index_cast %mul3A_139 : i32 to index
      %get3A_171 = tpu.vector_load %arg4[%get3A_169, %get3A_170] {strides = array<i32>} : memref<16x640xf32, #tpu.memory_space<vmem>>, vector<1x16xf32>,
      %get3A_172 = vector.shape_cast %get3A_171 : vector<1x16xf32> to vector<16xf32>
      %add3A_173 = arith.addf %add3A_167, %get3A_172 : vector<16xf32>
      %get3A_174 = arith.constant 6 : i32
      %get3A_175 = arith.index_cast %get3A_174 : i32 to index
      %get3A_176 = arith.index_cast %mul3A_139 : i32 to index
      %get3A_177 = tpu.vector_load %arg4[%get3A_175, %get3A_176] {strides = array<i32>} : memref<16x640xf32, #tpu.memory_space<vmem>>, vector<1x16xf32>,
      %get3A_178 = vector.shape_cast %get3A_177 : vector<1x16xf32> to vector<16xf32>
      %add3A_179 = arith.addf %add3A_173, %get3A_178 : vector<16xf32>
      %get3A_180 = arith.constant 7 : i32
      %get3A_181 = arith.index_cast %get3A_180 : i32 to index
      %get3A_182 = arith.index_cast %mul3A_139 : i32 to index
      %get3A_183 = tpu.vector_load %arg4[%get3A_181, %get3A_182] {strides = array<i32>} : memref<16x640xf32, #tpu.memory_space<vmem>>, vector<1x16xf32>,
      %get3A_184 = vector.shape_cast %get3A_183 : vector<1x16xf32> to vector<16xf32>
      %add3A_185 = arith.addf %add3A_179, %get3A_184 : vector<16xf32>
      %get3A_186 = arith.constant 8 : i32
      %get3A_187 = arith.index_cast %get3A_186 : i32 to index
      %get3A_188 = arith.index_cast %mul3A_139 : i32 to index
      %get3A_189 = tpu.vector_load %arg4[%get3A_187, %get3A_188] {strides = array<i32>} : memref<16x640xf32, #tpu.memory_space<vmem>>, vector<1x16xf32>,
      %get3A_190 = vector.shape_cast %get3A_189 : vector<1x16xf32> to vector<16xf32>
      %add3A_191 = arith.addf %add3A_185, %get3A_190 : vector<16xf32>
      %get3A_192 = arith.constant 9 : i32
      %get3A_193 = arith.index_cast %get3A_192 : i32 to index
      %get3A_194 = arith.index_cast %mul3A_139 : i32 to index
      %get3A_195 = tpu.vector_load %arg4[%get3A_193, %get3A_194] {strides = array<i32>} : memref<16x640xf32, #tpu.memory_space<vmem>>, vector<1x16xf32>,
      %get3A_196 = vector.shape_cast %get3A_195 : vector<1x16xf32> to vector<16xf32>
      %add3A_197 = arith.addf %add3A_191, %get3A_196 : vector<16xf32>
      %get3A_198 = arith.constant 10 : i32
      %get3A_199 = arith.index_cast %get3A_198 : i32 to index
      %get3A_200 = arith.index_cast %mul3A_139 : i32 to index
      %get3A_201 = tpu.vector_load %arg4[%get3A_199, %get3A_200] {strides = array<i32>} : memref<16x640xf32, #tpu.memory_space<vmem>>, vector<1x16xf32>,
      %get3A_202 = vector.shape_cast %get3A_201 : vector<1x16xf32> to vector<16xf32>
      %add3A_203 = arith.addf %add3A_197, %get3A_202 : vector<16xf32>
      %get3A_204 = arith.constant 11 : i32
      %get3A_205 = arith.index_cast %get3A_204 : i32 to index
      %get3A_206 = arith.index_cast %mul3A_139 : i32 to index
      %get3A_207 = tpu.vector_load %arg4[%get3A_205, %get3A_206] {strides = array<i32>} : memref<16x640xf32, #tpu.memory_space<vmem>>, vector<1x16xf32>,
      %get3A_208 = vector.shape_cast %get3A_207 : vector<1x16xf32> to vector<16xf32>
      %add3A_209 = arith.addf %add3A_203, %get3A_208 : vector<16xf32>
      %get3A_210 = arith.constant 12 : i32
      %get3A_211 = arith.index_cast %get3A_210 : i32 to index
      %get3A_212 = arith.index_cast %mul3A_139 : i32 to index
      %get3A_213 = tpu.vector_load %arg4[%get3A_211, %get3A_212] {strides = array<i32>} : memref<16x640xf32, #tpu.memory_space<vmem>>, vector<1x16xf32>,
      %get3A_214 = vector.shape_cast %get3A_213 : vector<1x16xf32> to vector<16xf32>
      %add3A_215 = arith.addf %add3A_209, %get3A_214 : vector<16xf32>
      %get3A_216 = arith.constant 13 : i32
      %get3A_217 = arith.index_cast %get3A_216 : i32 to index
      %get3A_218 = arith.index_cast %mul3A_139 : i32 to index
      %get3A_219 = tpu.vector_load %arg4[%get3A_217, %get3A_218] {strides = array<i32>} : memref<16x640xf32, #tpu.memory_space<vmem>>, vector<1x16xf32>,
      %get3A_220 = vector.shape_cast %get3A_219 : vector<1x16xf32> to vector<16xf32>
      %add3A_221 = arith.addf %add3A_215, %get3A_220 : vector<16xf32>
      %get3A_222 = arith.constant 14 : i32
      %get3A_223 = arith.index_cast %get3A_222 : i32 to index
      %get3A_224 = arith.index_cast %mul3A_139 : i32 to index
      %get3A_225 = tpu.vector_load %arg4[%get3A_223, %get3A_224] {strides = array<i32>} : memref<16x640xf32, #tpu.memory_space<vmem>>, vector<1x16xf32>,
      %get3A_226 = vector.shape_cast %get3A_225 : vector<1x16xf32> to vector<16xf32>
      %add3A_227 = arith.addf %add3A_221, %get3A_226 : vector<16xf32>
      %get3A_228 = arith.constant 15 : i32
      %get3A_229 = arith.index_cast %get3A_228 : i32 to index
      %get3A_230 = arith.index_cast %mul3A_139 : i32 to index
      %get3A_231 = tpu.vector_load %arg4[%get3A_229, %get3A_230] {strides = array<i32>} : memref<16x640xf32, #tpu.memory_space<vmem>>, vector<1x16xf32>,
      %get3A_232 = vector.shape_cast %get3A_231 : vector<1x16xf32> to vector<16xf32>
      %add3A_233 = arith.addf %add3A_227, %get3A_232 : vector<16xf32>
      %swap3A = arith.index_cast %mul3A_139 : i32 to index
      %swap3A_234 = tpu.vector_load %arg5[%swap3A] {strides = array<i32>} : memref<640xf32, #tpu.memory_space<vmem>>, vector<16xf32>,
      %swap3A_235 = vector.shape_cast %swap3A_234 : vector<16xf32> to vector<16xf32>
      %swap3A_236 = vector.shape_cast %add3A_233 : vector<16xf32> to vector<16xf32>
      tpu.vector_store %arg5[%swap3A], %swap3A_236 {strides = array<i32>} : memref<640xf32, #tpu.memory_space<vmem>>, vector<16xf32>,
      %scan3A_237 = arith.constant 0 : i32
      scf.yield %scan3A_237 : i32
    }
    %scan3A_132 = arith.constant 40 : i32
    %mul3A_133 = arith.constant 10240 : i32
    %mul3A_134 = arith.muli %arg0, %mul3A_133 : i32
    %add3A_135 = arith.addi %mul3A_134, %mul3A_0 : i32
    "tpu.region"() ({
      %run_scoped3A_136 = tpu.sem_alloc : memref<!tpu.dma_semaphore, #tpu.memory_space<semaphore_mem>>
      %dma_start3A = tpu.memref_slice %arg3[%add3A_135] : memref<20480xf32, #tpu.memory_space<hbm>> -> memref<640xf32, #tpu.memory_space<hbm>>
      %dma_start3A_137 = tpu.memref_slice %arg3[%add3A_135] : memref<20480xf32, #tpu.memory_space<hbm>> -> memref<640xf32, #tpu.memory_space<hbm>>
      tpu.enqueue_dma source(%arg5 : memref<640xf32, #tpu.memory_space<vmem>>) target(%dma_start3A_137 : memref<640xf32, #tpu.memory_space<hbm>>) target_semaphore(%run_scoped3A_136 : memref<!tpu.dma_semaphore, #tpu.memory_space<semaphore_mem>>)
      %dma_wait3A = tpu.memref_slice %arg3[%add3A_135] : memref<20480xf32, #tpu.memory_space<hbm>> -> memref<640xf32, #tpu.memory_space<hbm>>
      %dma_wait3A_138 = tpu.memref_slice %arg3[%add3A_135] : memref<20480xf32, #tpu.memory_space<hbm>> -> memref<640xf32, #tpu.memory_space<hbm>>
      tpu.wait_dma2 semaphore(%run_scoped3A_136 : memref<!tpu.dma_semaphore, #tpu.memory_space<semaphore_mem>>) src(%arg5 : memref<640xf32, #tpu.memory_space<vmem>>) dst(%dma_wait3A_138 : memref<640xf32, #tpu.memory_space<hbm>>)
      tpu.yield
    }) : () -> ()
    return
  }
}

module attributes {stable_mosaic.version = 14 : i64} {
  func.func @_prep_body(%arg0: i32, %arg1: memref<1280x2xf32, #tpu.memory_space<vmem>>, %arg2: memref<1280x256xf32, #tpu.memory_space<vmem>>, %arg3: memref<2x1280x128xf32, #tpu.memory_space<vmem>>) attributes {dimension_semantics = [#tpu.dimension_semantics<arbitrary>], iteration_bounds = array<i64: 8>, scalar_prefetch = 0 : i64, scratch_operands = 0 : i64, tpu.core_type = #tpu.core_type<tc>, window_params = [{transform_indices = @transform_0, window_bounds = array<i64: 1280, 2>}, {transform_indices = @transform_1, window_bounds = array<i64: 1280, 256>}, {transform_indices = @transform_2, window_bounds = array<i64: 2, 1280, 128>}]} {
    %get3A = arith.constant 0 : index
    %get3A_0 = arith.constant 0 : index
    %get3A_1 = vector.load %arg1[%get3A, %get3A_0] : memref<1280x2xf32, #tpu.memory_space<vmem>>, vector<1280x1xf32>
    %max3A = arith.constant 1.000000e+00 : f32
    %max3A_2 = vector.broadcast %max3A : f32 to vector<1280x1xf32>
    %max3A_3 = arith.maximumf %get3A_1, %max3A_2 : vector<1280x1xf32>
    %sqrt3A = math.sqrt %max3A_3 : vector<1280x1xf32>
    %div3A = arith.constant 1.000000e+00 : f32
    %div3A_4 = vector.broadcast %div3A : f32 to vector<1280x1xf32>
    %div3A_5 = arith.divf %div3A_4, %sqrt3A : vector<1280x1xf32>
    %get3A_6 = arith.constant 0 : index
    %get3A_7 = arith.constant 0 : index
    %get3A_8 = vector.load %arg2[%get3A_6, %get3A_7] : memref<1280x256xf32, #tpu.memory_space<vmem>>, vector<1280x256xf32>
    %mul3A = vector.broadcast %div3A_5 : vector<1280x1xf32> to vector<1280x256xf32>
    %mul3A_9 = arith.mulf %get3A_8, %mul3A : vector<1280x256xf32>
    %slice3A = vector.extract_strided_slice %mul3A_9 {offsets = [0, 0], sizes = [1280, 128], strides = [1, 1]} : vector<1280x256xf32> to vector<1280x128xf32>
    %swap3A = arith.constant 0 : index
    %swap3A_10 = arith.constant 0 : index
    %swap3A_11 = arith.constant 0 : index
    %swap3A_12 = vector.load %arg3[%swap3A, %swap3A_10, %swap3A_11] : memref<2x1280x128xf32, #tpu.memory_space<vmem>>, vector<1x1280x128xf32>
    %swap3A_13 = vector.shape_cast %swap3A_12 : vector<1x1280x128xf32> to vector<1280x128xf32>
    %swap3A_14 = vector.shape_cast %slice3A : vector<1280x128xf32> to vector<1x1280x128xf32>
    tpu.vector_store %arg3[%swap3A, %swap3A_10, %swap3A_11], %swap3A_14 {strides = array<i32>} : memref<2x1280x128xf32, #tpu.memory_space<vmem>>, vector<1x1280x128xf32>,
    %slice3A_15 = vector.extract_strided_slice %mul3A_9 {offsets = [0, 128], sizes = [1280, 128], strides = [1, 1]} : vector<1280x256xf32> to vector<1280x128xf32>
    %swap3A_16 = arith.constant 1 : index
    %swap3A_17 = arith.constant 0 : index
    %swap3A_18 = arith.constant 0 : index
    %swap3A_19 = vector.load %arg3[%swap3A_16, %swap3A_17, %swap3A_18] : memref<2x1280x128xf32, #tpu.memory_space<vmem>>, vector<1x1280x128xf32>
    %swap3A_20 = vector.shape_cast %swap3A_19 : vector<1x1280x128xf32> to vector<1280x128xf32>
    %swap3A_21 = vector.shape_cast %slice3A_15 : vector<1280x128xf32> to vector<1x1280x128xf32>
    tpu.vector_store %arg3[%swap3A_16, %swap3A_17, %swap3A_18], %swap3A_21 {strides = array<i32>} : memref<2x1280x128xf32, #tpu.memory_space<vmem>>, vector<1x1280x128xf32>,
    return
  }
  func.func @transform_0(%arg0: i32) -> (i32, i32) {
    %c0_i32 = arith.constant 0 : i32
    %c0_i32_0 = arith.constant 0 : i32
    return %arg0, %c0_i32 : i32, i32
  }
  func.func @transform_1(%arg0: i32) -> (i32, i32) {
    %c0_i32 = arith.constant 0 : i32
    %c0_i32_0 = arith.constant 0 : i32
    return %arg0, %c0_i32 : i32, i32
  }
  func.func @transform_2(%arg0: i32) -> (i32, i32, i32) {
    %c0_i32 = arith.constant 0 : i32
    %c0_i32_0 = arith.constant 0 : i32
    %c0_i32_1 = arith.constant 0 : i32
    return %c0_i32, %arg0, %c0_i32_0 : i32, i32, i32
  }
}

module attributes {stable_mosaic.version = 14 : i64} {
  func.func @_layer1_body(%arg0: i32, %arg1: memref<1280x128xf32, #tpu.memory_space<vmem>>, %arg2: memref<1280x128xf32, #tpu.memory_space<vmem>>, %arg3: memref<1280x2xf32, #tpu.memory_space<vmem>>, %arg4: memref<256x512xf32, #tpu.memory_space<vmem>>, %arg5: memref<1x512xf32, #tpu.memory_space<vmem>>, %arg6: memref<4x1280x128xf32, #tpu.memory_space<vmem>>) attributes {dimension_semantics = [#tpu.dimension_semantics<arbitrary>], iteration_bounds = array<i64: 8>, scalar_prefetch = 0 : i64, scratch_operands = 0 : i64, tpu.core_type = #tpu.core_type<tc>, window_params = [{transform_indices = @transform_0, window_bounds = array<i64: 1280, 128>}, {transform_indices = @transform_1, window_bounds = array<i64: 1280, 128>}, {transform_indices = @transform_2, window_bounds = array<i64: 1280, 2>}, {pipeline_mode = #tpu.pipeline_mode<synchronous>, transform_indices = @transform_3, window_bounds = array<i64: 256, 512>}, {pipeline_mode = #tpu.pipeline_mode<synchronous>, transform_indices = @transform_4, window_bounds = array<i64: 1, 512>}, {transform_indices = @transform_5, window_bounds = array<i64: 4, 1280, 128>}]} {
    %get3A = arith.constant 0 : index
    %get3A_0 = arith.constant 0 : index
    %get3A_1 = vector.load %arg3[%get3A, %get3A_0] : memref<1280x2xf32, #tpu.memory_space<vmem>>, vector<1280x1xf32>
    %max3A = arith.constant 1.000000e+00 : f32
    %max3A_2 = vector.broadcast %max3A : f32 to vector<1280x1xf32>
    %max3A_3 = arith.maximumf %get3A_1, %max3A_2 : vector<1280x1xf32>
    %get3A_4 = arith.constant 0 : index
    %get3A_5 = arith.constant 1 : index
    %get3A_6 = vector.load %arg3[%get3A_4, %get3A_5] : memref<1280x2xf32, #tpu.memory_space<vmem>>, vector<1280x1xf32>
    %max3A_7 = arith.constant 1.000000e+00 : f32
    %max3A_8 = vector.broadcast %max3A_7 : f32 to vector<1280x1xf32>
    %max3A_9 = arith.maximumf %get3A_6, %max3A_8 : vector<1280x1xf32>
    %sqrt3A = math.sqrt %max3A_3 : vector<1280x1xf32>
    %div3A = arith.constant 1.000000e+00 : f32
    %div3A_10 = vector.broadcast %div3A : f32 to vector<1280x1xf32>
    %div3A_11 = arith.divf %div3A_10, %sqrt3A : vector<1280x1xf32>
    %sqrt3A_12 = math.sqrt %max3A_9 : vector<1280x1xf32>
    %div3A_13 = arith.constant 1.000000e+00 : f32
    %div3A_14 = vector.broadcast %div3A_13 : f32 to vector<1280x1xf32>
    %div3A_15 = arith.divf %div3A_14, %sqrt3A_12 : vector<1280x1xf32>
    %get3A_16 = arith.constant 0 : index
    %get3A_17 = arith.constant 0 : index
    %get3A_18 = vector.load %arg1[%get3A_16, %get3A_17] : memref<1280x128xf32, #tpu.memory_space<vmem>>, vector<1280x128xf32>
    %get3A_19 = arith.constant 0 : index
    %get3A_20 = arith.constant 0 : index
    %get3A_21 = vector.load %arg4[%get3A_19, %get3A_20] : memref<256x512xf32, #tpu.memory_space<vmem>>, vector<128x512xf32>
    %dot_general3A = arith.constant dense<0.000000e+00> : vector<1280x512xf32>
    %dot_general3A_22 = tpu.matmul %get3A_18, %get3A_21, %dot_general3A {dimension_numbers = #tpu.dot_dimension_numbers<[1], [0], [0], [1], [0, 0, 1, 1], [], []>, transpose_lhs_hint = false} : vector<1280x128xf32>, vector<128x512xf32>, vector<1280x512xf32> -> vector<1280x512xf32>
    %get3A_23 = arith.constant 0 : index
    %get3A_24 = arith.constant 0 : index
    %get3A_25 = vector.load %arg2[%get3A_23, %get3A_24] : memref<1280x128xf32, #tpu.memory_space<vmem>>, vector<1280x128xf32>
    %get3A_26 = arith.constant 128 : index
    %get3A_27 = arith.constant 0 : index
    %get3A_28 = vector.load %arg4[%get3A_26, %get3A_27] : memref<256x512xf32, #tpu.memory_space<vmem>>, vector<128x512xf32>
    %dot_general3A_29 = arith.constant dense<0.000000e+00> : vector<1280x512xf32>
    %dot_general3A_30 = tpu.matmul %get3A_25, %get3A_28, %dot_general3A_29 {dimension_numbers = #tpu.dot_dimension_numbers<[1], [0], [0], [1], [0, 0, 1, 1], [], []>, transpose_lhs_hint = false} : vector<1280x128xf32>, vector<128x512xf32>, vector<1280x512xf32> -> vector<1280x512xf32>
    %add3A = arith.addf %dot_general3A_22, %dot_general3A_30 : vector<1280x512xf32>
    %mul3A = vector.broadcast %div3A_15 : vector<1280x1xf32> to vector<1280x512xf32>
    %mul3A_31 = arith.mulf %add3A, %mul3A : vector<1280x512xf32>
    %get3A_32 = arith.constant 0 : index
    %get3A_33 = arith.constant 0 : index
    %get3A_34 = vector.load %arg5[%get3A_32, %get3A_33] : memref<1x512xf32, #tpu.memory_space<vmem>>, vector<1x512xf32>
    %add3A_35 = vector.broadcast %get3A_34 : vector<1x512xf32> to vector<1280x512xf32>
    %add3A_36 = arith.addf %mul3A_31, %add3A_35 : vector<1280x512xf32>
    %max3A_37 = arith.constant 0.000000e+00 : f32
    %max3A_38 = vector.broadcast %max3A_37 : f32 to vector<1280x512xf32>
    %max3A_39 = arith.maximumf %add3A_36, %max3A_38 : vector<1280x512xf32>
    %mul3A_40 = vector.broadcast %div3A_11 : vector<1280x1xf32> to vector<1280x512xf32>
    %mul3A_41 = arith.mulf %max3A_39, %mul3A_40 : vector<1280x512xf32>
    %slice3A = vector.extract_strided_slice %mul3A_41 {offsets = [0, 0], sizes = [1280, 128], strides = [1, 1]} : vector<1280x512xf32> to vector<1280x128xf32>
    %swap3A = arith.constant 0 : index
    %swap3A_42 = arith.constant 0 : index
    %swap3A_43 = arith.constant 0 : index
    %swap3A_44 = vector.load %arg6[%swap3A, %swap3A_42, %swap3A_43] : memref<4x1280x128xf32, #tpu.memory_space<vmem>>, vector<1x1280x128xf32>
    %swap3A_45 = vector.shape_cast %swap3A_44 : vector<1x1280x128xf32> to vector<1280x128xf32>
    %swap3A_46 = vector.shape_cast %slice3A : vector<1280x128xf32> to vector<1x1280x128xf32>
    tpu.vector_store %arg6[%swap3A, %swap3A_42, %swap3A_43], %swap3A_46 {strides = array<i32>} : memref<4x1280x128xf32, #tpu.memory_space<vmem>>, vector<1x1280x128xf32>,
    %slice3A_47 = vector.extract_strided_slice %mul3A_41 {offsets = [0, 128], sizes = [1280, 128], strides = [1, 1]} : vector<1280x512xf32> to vector<1280x128xf32>
    %swap3A_48 = arith.constant 1 : index
    %swap3A_49 = arith.constant 0 : index
    %swap3A_50 = arith.constant 0 : index
    %swap3A_51 = vector.load %arg6[%swap3A_48, %swap3A_49, %swap3A_50] : memref<4x1280x128xf32, #tpu.memory_space<vmem>>, vector<1x1280x128xf32>
    %swap3A_52 = vector.shape_cast %swap3A_51 : vector<1x1280x128xf32> to vector<1280x128xf32>
    %swap3A_53 = vector.shape_cast %slice3A_47 : vector<1280x128xf32> to vector<1x1280x128xf32>
    tpu.vector_store %arg6[%swap3A_48, %swap3A_49, %swap3A_50], %swap3A_53 {strides = array<i32>} : memref<4x1280x128xf32, #tpu.memory_space<vmem>>, vector<1x1280x128xf32>,
    %slice3A_54 = vector.extract_strided_slice %mul3A_41 {offsets = [0, 256], sizes = [1280, 128], strides = [1, 1]} : vector<1280x512xf32> to vector<1280x128xf32>
    %swap3A_55 = arith.constant 2 : index
    %swap3A_56 = arith.constant 0 : index
    %swap3A_57 = arith.constant 0 : index
    %swap3A_58 = vector.load %arg6[%swap3A_55, %swap3A_56, %swap3A_57] : memref<4x1280x128xf32, #tpu.memory_space<vmem>>, vector<1x1280x128xf32>
    %swap3A_59 = vector.shape_cast %swap3A_58 : vector<1x1280x128xf32> to vector<1280x128xf32>
    %swap3A_60 = vector.shape_cast %slice3A_54 : vector<1280x128xf32> to vector<1x1280x128xf32>
    tpu.vector_store %arg6[%swap3A_55, %swap3A_56, %swap3A_57], %swap3A_60 {strides = array<i32>} : memref<4x1280x128xf32, #tpu.memory_space<vmem>>, vector<1x1280x128xf32>,
    %slice3A_61 = vector.extract_strided_slice %mul3A_41 {offsets = [0, 384], sizes = [1280, 128], strides = [1, 1]} : vector<1280x512xf32> to vector<1280x128xf32>
    %swap3A_62 = arith.constant 3 : index
    %swap3A_63 = arith.constant 0 : index
    %swap3A_64 = arith.constant 0 : index
    %swap3A_65 = vector.load %arg6[%swap3A_62, %swap3A_63, %swap3A_64] : memref<4x1280x128xf32, #tpu.memory_space<vmem>>, vector<1x1280x128xf32>
    %swap3A_66 = vector.shape_cast %swap3A_65 : vector<1x1280x128xf32> to vector<1280x128xf32>
    %swap3A_67 = vector.shape_cast %slice3A_61 : vector<1280x128xf32> to vector<1x1280x128xf32>
    tpu.vector_store %arg6[%swap3A_62, %swap3A_63, %swap3A_64], %swap3A_67 {strides = array<i32>} : memref<4x1280x128xf32, #tpu.memory_space<vmem>>, vector<1x1280x128xf32>,
    return
  }
  func.func @transform_0(%arg0: i32) -> (i32, i32) {
    %c0_i32 = arith.constant 0 : i32
    %c0_i32_0 = arith.constant 0 : i32
    return %arg0, %c0_i32 : i32, i32
  }
  func.func @transform_1(%arg0: i32) -> (i32, i32) {
    %add3A = arith.constant 8 : i32
    %add3A_0 = arith.addi %arg0, %add3A : i32
    %c0_i32 = arith.constant 0 : i32
    %c0_i32_1 = arith.constant 0 : i32
    return %add3A_0, %c0_i32 : i32, i32
  }
  func.func @transform_2(%arg0: i32) -> (i32, i32) {
    %c0_i32 = arith.constant 0 : i32
    %c0_i32_0 = arith.constant 0 : i32
    return %arg0, %c0_i32 : i32, i32
  }
  func.func @transform_3(%arg0: i32) -> (i32, i32) {
    %c0_i32 = arith.constant 0 : i32
    %c0_i32_0 = arith.constant 0 : i32
    %c0_i32_1 = arith.constant 0 : i32
    return %c0_i32, %c0_i32_0 : i32, i32
  }
  func.func @transform_4(%arg0: i32) -> (i32, i32) {
    %c0_i32 = arith.constant 0 : i32
    %c0_i32_0 = arith.constant 0 : i32
    %c0_i32_1 = arith.constant 0 : i32
    return %c0_i32, %c0_i32_0 : i32, i32
  }
  func.func @transform_5(%arg0: i32) -> (i32, i32, i32) {
    %c0_i32 = arith.constant 0 : i32
    %c0_i32_0 = arith.constant 0 : i32
    %c0_i32_1 = arith.constant 0 : i32
    return %c0_i32, %arg0, %c0_i32_0 : i32, i32, i32
  }
}

module attributes {stable_mosaic.version = 14 : i64} {
  func.func @_head_body(%arg0: i32, %arg1: memref<1280x128xf32, #tpu.memory_space<vmem>>, %arg2: memref<1280x128xf32, #tpu.memory_space<vmem>>, %arg3: memref<1280x128xf32, #tpu.memory_space<vmem>>, %arg4: memref<1280x128xf32, #tpu.memory_space<vmem>>, %arg5: memref<1280x2xf32, #tpu.memory_space<vmem>>, %arg6: memref<512x512xf32, #tpu.memory_space<vmem>>, %arg7: memref<1x512xf32, #tpu.memory_space<vmem>>, %arg8: memref<1280x512xf32, #tpu.memory_space<vmem>>, %arg9: memref<40x1024xf32, #tpu.memory_space<vmem>>, %arg10: memref<1280x40xf32, #tpu.memory_space<vmem>>) attributes {dimension_semantics = [#tpu.dimension_semantics<arbitrary>], iteration_bounds = array<i64: 8>, scalar_prefetch = 0 : i64, scratch_operands = 0 : i64, tpu.core_type = #tpu.core_type<tc>, window_params = [{transform_indices = @transform_0, window_bounds = array<i64: 1280, 128>}, {transform_indices = @transform_1, window_bounds = array<i64: 1280, 128>}, {transform_indices = @transform_2, window_bounds = array<i64: 1280, 128>}, {transform_indices = @transform_3, window_bounds = array<i64: 1280, 128>}, {transform_indices = @transform_4, window_bounds = array<i64: 1280, 2>}, {pipeline_mode = #tpu.pipeline_mode<synchronous>, transform_indices = @transform_5, window_bounds = array<i64: 512, 512>}, {pipeline_mode = #tpu.pipeline_mode<synchronous>, transform_indices = @transform_6, window_bounds = array<i64: 1, 512>}, {transform_indices = @transform_7, window_bounds = array<i64: 1280, 512>}, {pipeline_mode = #tpu.pipeline_mode<synchronous>, transform_indices = @transform_8, window_bounds = array<i64: 40, 1024>}, {transform_indices = @transform_9, window_bounds = array<i64: 1280, 40>}]} {
    %get3A = arith.constant 0 : index
    %get3A_0 = arith.constant 1 : index
    %get3A_1 = vector.load %arg5[%get3A, %get3A_0] : memref<1280x2xf32, #tpu.memory_space<vmem>>, vector<1280x1xf32>
    %max3A = arith.constant 1.000000e+00 : f32
    %max3A_2 = vector.broadcast %max3A : f32 to vector<1280x1xf32>
    %max3A_3 = arith.maximumf %get3A_1, %max3A_2 : vector<1280x1xf32>
    %sqrt3A = math.sqrt %max3A_3 : vector<1280x1xf32>
    %div3A = arith.constant 1.000000e+00 : f32
    %div3A_4 = vector.broadcast %div3A : f32 to vector<1280x1xf32>
    %div3A_5 = arith.divf %div3A_4, %sqrt3A : vector<1280x1xf32>
    %get3A_6 = arith.constant 0 : index
    %get3A_7 = arith.constant 0 : index
    %get3A_8 = vector.load %arg1[%get3A_6, %get3A_7] : memref<1280x128xf32, #tpu.memory_space<vmem>>, vector<1280x128xf32>
    %get3A_9 = arith.constant 0 : index
    %get3A_10 = arith.constant 0 : index
    %get3A_11 = vector.load %arg6[%get3A_9, %get3A_10] : memref<512x512xf32, #tpu.memory_space<vmem>>, vector<128x512xf32>
    %dot_general3A = arith.constant dense<0.000000e+00> : vector<1280x512xf32>
    %dot_general3A_12 = tpu.matmul %get3A_8, %get3A_11, %dot_general3A {dimension_numbers = #tpu.dot_dimension_numbers<[1], [0], [0], [1], [0, 0, 1, 1], [], []>, transpose_lhs_hint = false} : vector<1280x128xf32>, vector<128x512xf32>, vector<1280x512xf32> -> vector<1280x512xf32>
    %get3A_13 = arith.constant 0 : index
    %get3A_14 = arith.constant 0 : index
    %get3A_15 = vector.load %arg2[%get3A_13, %get3A_14] : memref<1280x128xf32, #tpu.memory_space<vmem>>, vector<1280x128xf32>
    %get3A_16 = arith.constant 128 : index
    %get3A_17 = arith.constant 0 : index
    %get3A_18 = vector.load %arg6[%get3A_16, %get3A_17] : memref<512x512xf32, #tpu.memory_space<vmem>>, vector<128x512xf32>
    %dot_general3A_19 = arith.constant dense<0.000000e+00> : vector<1280x512xf32>
    %dot_general3A_20 = tpu.matmul %get3A_15, %get3A_18, %dot_general3A_19 {dimension_numbers = #tpu.dot_dimension_numbers<[1], [0], [0], [1], [0, 0, 1, 1], [], []>, transpose_lhs_hint = false} : vector<1280x128xf32>, vector<128x512xf32>, vector<1280x512xf32> -> vector<1280x512xf32>
    %add3A = arith.addf %dot_general3A_12, %dot_general3A_20 : vector<1280x512xf32>
    %get3A_21 = arith.constant 0 : index
    %get3A_22 = arith.constant 0 : index
    %get3A_23 = vector.load %arg3[%get3A_21, %get3A_22] : memref<1280x128xf32, #tpu.memory_space<vmem>>, vector<1280x128xf32>
    %get3A_24 = arith.constant 256 : index
    %get3A_25 = arith.constant 0 : index
    %get3A_26 = vector.load %arg6[%get3A_24, %get3A_25] : memref<512x512xf32, #tpu.memory_space<vmem>>, vector<128x512xf32>
    %dot_general3A_27 = arith.constant dense<0.000000e+00> : vector<1280x512xf32>
    %dot_general3A_28 = tpu.matmul %get3A_23, %get3A_26, %dot_general3A_27 {dimension_numbers = #tpu.dot_dimension_numbers<[1], [0], [0], [1], [0, 0, 1, 1], [], []>, transpose_lhs_hint = false} : vector<1280x128xf32>, vector<128x512xf32>, vector<1280x512xf32> -> vector<1280x512xf32>
    %add3A_29 = arith.addf %add3A, %dot_general3A_28 : vector<1280x512xf32>
    %get3A_30 = arith.constant 0 : index
    %get3A_31 = arith.constant 0 : index
    %get3A_32 = vector.load %arg4[%get3A_30, %get3A_31] : memref<1280x128xf32, #tpu.memory_space<vmem>>, vector<1280x128xf32>
    %get3A_33 = arith.constant 384 : index
    %get3A_34 = arith.constant 0 : index
    %get3A_35 = vector.load %arg6[%get3A_33, %get3A_34] : memref<512x512xf32, #tpu.memory_space<vmem>>, vector<128x512xf32>
    %dot_general3A_36 = arith.constant dense<0.000000e+00> : vector<1280x512xf32>
    %dot_general3A_37 = tpu.matmul %get3A_32, %get3A_35, %dot_general3A_36 {dimension_numbers = #tpu.dot_dimension_numbers<[1], [0], [0], [1], [0, 0, 1, 1], [], []>, transpose_lhs_hint = false} : vector<1280x128xf32>, vector<128x512xf32>, vector<1280x512xf32> -> vector<1280x512xf32>
    %add3A_38 = arith.addf %add3A_29, %dot_general3A_37 : vector<1280x512xf32>
    %mul3A = vector.broadcast %div3A_5 : vector<1280x1xf32> to vector<1280x512xf32>
    %mul3A_39 = arith.mulf %add3A_38, %mul3A : vector<1280x512xf32>
    %get3A_40 = arith.constant 0 : index
    %get3A_41 = arith.constant 0 : index
    %get3A_42 = vector.load %arg7[%get3A_40, %get3A_41] : memref<1x512xf32, #tpu.memory_space<vmem>>, vector<1x512xf32>
    %add3A_43 = vector.broadcast %get3A_42 : vector<1x512xf32> to vector<1280x512xf32>
    %add3A_44 = arith.addf %mul3A_39, %add3A_43 : vector<1280x512xf32>
    %get3A_45 = arith.constant 0 : index
    %get3A_46 = arith.constant 0 : index
    %get3A_47 = vector.load %arg8[%get3A_45, %get3A_46] : memref<1280x512xf32, #tpu.memory_space<vmem>>, vector<1280x512xf32>
    %get3A_48 = arith.constant 0 : index
    %get3A_49 = arith.constant 0 : index
    %get3A_50 = vector.load %arg9[%get3A_48, %get3A_49] : memref<40x1024xf32, #tpu.memory_space<vmem>>, vector<40x1024xf32>
    %mul3A_51 = arith.mulf %add3A_44, %add3A_44 : vector<1280x512xf32>
    %reduce_sum3A = arith.constant dense<0.000000e+00> : vector<1280xf32>
    %reduce_sum3A_52 = vector.multi_reduction <add>, %mul3A_51, %reduce_sum3A [1] : vector<1280x512xf32> to vector<1280xf32>
    %broadcast_in_dim3A = vector.shape_cast %reduce_sum3A_52 : vector<1280xf32> to vector<1280x1xf32>
    %mul3A_53 = arith.mulf %get3A_47, %get3A_47 : vector<1280x512xf32>
    %reduce_sum3A_54 = arith.constant dense<0.000000e+00> : vector<1280xf32>
    %reduce_sum3A_55 = vector.multi_reduction <add>, %mul3A_53, %reduce_sum3A_54 [1] : vector<1280x512xf32> to vector<1280xf32>
    %broadcast_in_dim3A_56 = vector.shape_cast %reduce_sum3A_55 : vector<1280xf32> to vector<1280x1xf32>
    %add3A_57 = arith.addf %broadcast_in_dim3A, %broadcast_in_dim3A_56 : vector<1280x1xf32>
    %slice3A = vector.extract_strided_slice %get3A_50 {offsets = [0, 0], sizes = [40, 512], strides = [1, 1]} : vector<40x1024xf32> to vector<40x512xf32>
    %dot_general3A_58 = arith.constant dense<0.000000e+00> : vector<1280x40xf32>
    %dot_general3A_59 = tpu.matmul %add3A_44, %slice3A, %dot_general3A_58 {dimension_numbers = #tpu.dot_dimension_numbers<[1], [1], [0], [0], [0, 0, 1, 0], [], []>, transpose_lhs_hint = false} : vector<1280x512xf32>, vector<40x512xf32>, vector<1280x40xf32> -> vector<1280x40xf32>
    %slice3A_60 = vector.extract_strided_slice %get3A_50 {offsets = [0, 512], sizes = [40, 512], strides = [1, 1]} : vector<40x1024xf32> to vector<40x512xf32>
    %dot_general3A_61 = arith.constant dense<0.000000e+00> : vector<1280x40xf32>
    %dot_general3A_62 = tpu.matmul %get3A_47, %slice3A_60, %dot_general3A_61 {dimension_numbers = #tpu.dot_dimension_numbers<[1], [1], [0], [0], [0, 0, 1, 0], [], []>, transpose_lhs_hint = false} : vector<1280x512xf32>, vector<40x512xf32>, vector<1280x40xf32> -> vector<1280x40xf32>
    %add3A_63 = arith.addf %dot_general3A_59, %dot_general3A_62 : vector<1280x40xf32>
    %mul3A_64 = arith.mulf %get3A_50, %get3A_50 : vector<40x1024xf32>
    %reduce_sum3A_65 = arith.constant dense<0.000000e+00> : vector<40xf32>
    %reduce_sum3A_66 = vector.multi_reduction <add>, %mul3A_64, %reduce_sum3A_65 [1] : vector<40x1024xf32> to vector<40xf32>
    %broadcast_in_dim3A_67 = vector.shape_cast %reduce_sum3A_66 : vector<40xf32> to vector<1x40xf32>
    %mul3A_68 = arith.constant 2.000000e+00 : f32
    %mul3A_69 = vector.broadcast %mul3A_68 : f32 to vector<1280x40xf32>
    %mul3A_70 = arith.mulf %mul3A_69, %add3A_63 : vector<1280x40xf32>
    %sub3A = vector.broadcast %add3A_57 : vector<1280x1xf32> to vector<1280x40xf32>
    %sub3A_71 = arith.subf %sub3A, %mul3A_70 : vector<1280x40xf32>
    %add3A_72 = vector.broadcast %broadcast_in_dim3A_67 : vector<1x40xf32> to vector<1280x40xf32>
    %add3A_73 = arith.addf %sub3A_71, %add3A_72 : vector<1280x40xf32>
    %neg3A = arith.constant 0.000000e+00 : f32
    %neg3A_74 = vector.broadcast %neg3A : f32 to vector<1280x40xf32>
    %neg3A_75 = arith.subf %neg3A_74, %add3A_73 : vector<1280x40xf32>
    %swap3A = arith.constant 0 : index
    %swap3A_76 = arith.constant 0 : index
    %swap3A_77 = vector.load %arg10[%swap3A, %swap3A_76] : memref<1280x40xf32, #tpu.memory_space<vmem>>, vector<1280x40xf32>
    tpu.vector_store %arg10[%swap3A, %swap3A_76], %neg3A_75 {strides = array<i32>} : memref<1280x40xf32, #tpu.memory_space<vmem>>, vector<1280x40xf32>,
    return
  }
  func.func @transform_0(%arg0: i32) -> (i32, i32) {
    %c0_i32 = arith.constant 0 : i32
    %c0_i32_0 = arith.constant 0 : i32
    return %arg0, %c0_i32 : i32, i32
  }
  func.func @transform_1(%arg0: i32) -> (i32, i32) {
    %add3A = arith.constant 8 : i32
    %add3A_0 = arith.addi %arg0, %add3A : i32
    %c0_i32 = arith.constant 0 : i32
    %c0_i32_1 = arith.constant 0 : i32
    return %add3A_0, %c0_i32 : i32, i32
  }
  func.func @transform_2(%arg0: i32) -> (i32, i32) {
    %add3A = arith.constant 16 : i32
    %add3A_0 = arith.addi %arg0, %add3A : i32
    %c0_i32 = arith.constant 0 : i32
    %c0_i32_1 = arith.constant 0 : i32
    return %add3A_0, %c0_i32 : i32, i32
  }
  func.func @transform_3(%arg0: i32) -> (i32, i32) {
    %add3A = arith.constant 24 : i32
    %add3A_0 = arith.addi %arg0, %add3A : i32
    %c0_i32 = arith.constant 0 : i32
    %c0_i32_1 = arith.constant 0 : i32
    return %add3A_0, %c0_i32 : i32, i32
  }
  func.func @transform_4(%arg0: i32) -> (i32, i32) {
    %c0_i32 = arith.constant 0 : i32
    %c0_i32_0 = arith.constant 0 : i32
    return %arg0, %c0_i32 : i32, i32
  }
  func.func @transform_5(%arg0: i32) -> (i32, i32) {
    %c0_i32 = arith.constant 0 : i32
    %c0_i32_0 = arith.constant 0 : i32
    %c0_i32_1 = arith.constant 0 : i32
    return %c0_i32, %c0_i32_0 : i32, i32
  }
  func.func @transform_6(%arg0: i32) -> (i32, i32) {
    %c0_i32 = arith.constant 0 : i32
    %c0_i32_0 = arith.constant 0 : i32
    %c0_i32_1 = arith.constant 0 : i32
    return %c0_i32, %c0_i32_0 : i32, i32
  }
  func.func @transform_7(%arg0: i32) -> (i32, i32) {
    %c0_i32 = arith.constant 0 : i32
    %c0_i32_0 = arith.constant 0 : i32
    return %arg0, %c0_i32 : i32, i32
  }
  func.func @transform_8(%arg0: i32) -> (i32, i32) {
    %c0_i32 = arith.constant 0 : i32
    %c0_i32_0 = arith.constant 0 : i32
    %c0_i32_1 = arith.constant 0 : i32
    return %c0_i32, %c0_i32_0 : i32, i32
  }
  func.func @transform_9(%arg0: i32) -> (i32, i32) {
    %c0_i32 = arith.constant 0 : i32
    %c0_i32_0 = arith.constant 0 : i32
    return %arg0, %c0_i32 : i32, i32
  }
}

</mosaic_0001>

<sc_bundles>
// kernel: kernel.12.cloned.1.call-start
scs
__scs_entry_jumppad:
0x0: {  	(pc) =	sbr.rel $0x88, $3  }
0x1: {  	(tag) =	ssettag $0x0;
	lr =	simm.s32 $0x1  }
0x2: {  	[smem:$0x3F99] =	sst lr;
	_ =	strace $0xD0000000  }
0x3: {  	_ = 	snop  }
0x4: {  	_ = 	snop  }
0x5: {  	_ = 	snop  }
0x6: {  	_ = 	snop  }
0x7: {  	_ = 	snop  }
__scs_overlays_trampoline_lowered:
0x8: {  	[smem:$0x3FA8] =	sst s0  }
0x9: {  	[smem:$0x3FA9] =	sst s1  }
0xa: {  	[smem:$0x3FAA] =	sst s2  }
0xb: {  	[smem:$0x3FAB] =	sst s3  }
0xc: {  	[smem:$0x3FAC] =	sst s4  }
0xd: {  	[smem:$0x3FAD] =	sst s5  }
0xe: {  	[smem:$0x3FAE] =	sst s6  }
0xf: {  	[smem:$0x3FAF] =	sst s7  }
0x10: {  	[smem:$0x3FB0] =	sst s8  }
0x11: {  	[smem:$0x3FB1] =	sst s9;
	s0 =	simm.s32 @!p0 $0x0  }
0x12: {  	s1 =	sld [smem:$0x3F97];
	s0 =	simm.s32 @p0 $0x1  }
0x13: {  	[smem:$0x3FB2] =	sst s0;
	s0 =	simm.s32 @!p1 $0x0  }
0x14: {  	s2 =	sld [smem:$0x3F96];
	s0 =	simm.s32 @p1 $0x1  }
0x15: {  	[smem:$0x3FB3] =	sst s0;
	s0 =	simm.s32 @!p2 $0x0  }
0x16: {  	s3 =	sld [smem:$0x3FDB];
	s0 =	simm.s32 @p2 $0x1  }
0x17: {  	s4 =	simm.s32 $0x1BF5;
	[smem:$0x3FB5] =	sst s0  }
0x18: {  	s0 =	sld [smem:$0x3F98];
	_ =	swait.ge [sflag:s4], $0x0  }
0x19: {  	s7 =	sld [smem:$0x3F99]  }
0x1a: {  	s8 =	sadd.s32 $0xFFFFE003, lr  }
0x1b: {  	s9 =	sadd.s32 $0xFFFFFEF7, lr;
	s5 =	simm.s32 $0xFFFFFFFF;
	p2 =	slt.u32 s8, $0xFFFFF086  }
0x1c: {  	p1 =	slt.u32 s9, $0xF7A;
	s5 =	simm.s32 @!p2 $0x0  }
0x1d: {  	s5 =	simm.s32 @p1 $0x1;
	p0 =	seq.s32 s7, s2  }
0x1e: {  	s7 =	smul.u32 @!p0 $0xF7A, s2;
	p2 =	seq.s32 @!p0 s5, $0x0  }
0x1f: {  	s9 =	smul.u32 $0xF7A, s1;
	s8 =	simm.s32 @!p0 $0x1BF5;
	p2 =	por !p2, p0  }
0x20: {  	[sflag:s8] =	ssyncset.s32 @!p0 $0xFFFFF086;
	s6 =	sadd.s32 @!p0 s3, s7;
	s7 =	simm.s32 @!p0 $0x108  }
0x21: {  	s3 =	sadd.s32 s3, s9;
	s6 =	sadd.s32 @!p0 $0x88, s6;
	s7 =	simm.s32 @p2 $0x1082  }
0x22: {  	[simem:s7], [sflag:s8] =	dma.local @!p0 [hbm:s6], $0xF7A  }
0x23: {  	s9 =	sor.u32 $0xD0000000, s2;
	s6 =	simm.s32 $0x108;
	_ =	swait.ge @!p0 [sflag:s8], $0x0  }
0x24: {  	s3 =	sadd.s32 $0x88, s3;
	s6 =	simm.s32 @!p1 $0x1082;
	[sflag:s4] =	ssyncset.s32 $0xFFFFF086  }
0x25: {  	[simem:s6], [sflag:s4] =	dma.local [hbm:s3], $0xF7A  }
0x26: {  	[smem:$0x3F99] =	sst s1;
	(tag) =	ssettag s2;
	_ =	strace s9  }
0x27: {  	s1 =	sld [smem:$0x3FA9]  }
0x28: {  	s2 =	sld [smem:$0x3FAA]  }
0x29: {  	s4 =	sld [smem:$0x3FAC]  }
0x2a: {  	p0 =	seq.s32 s5, $0x0;
	s5 =	sld [smem:$0x3FAD]  }
0x2b: {  	s6 =	sld [smem:$0x3FAE]  }
0x2c: {  	s7 =	sld [smem:$0x3FAF]  }
0x2d: {  	s3 =	simm.s32 $0x108;
	s8 =	sld [smem:$0x3FB0]  }
0x2e: {  	s3 =	simm.s32 @!p0 $0x1082;
	s9 =	sld [smem:$0x3FB1]  }
0x2f: {  	lr =	sadd.s32 s0, s3;
	s0 =	sld [smem:$0x3FA8]  }
0x30: {  	s3 =	sld [smem:$0x3FAB]  }
0x31: {  	[smem:$0x3FB4] =	sst s10  }
0x32: {  	s10 =	sld [smem:$0x3FB2];
	_ =	sdelay $0x3  }
0x33: {  	p0 =	seq.s32 s10, $0x1;
	s10 =	sld [smem:$0x3FB4];
	_ =	sdelay $0x3  }
0x34: {  	[smem:$0x3FB4] =	sst s10  }
0x35: {  	s10 =	sld [smem:$0x3FB3];
	_ =	sdelay $0x3  }
0x36: {  	p1 =	seq.s32 s10, $0x1;
	s10 =	sld [smem:$0x3FB4];
	_ =	sdelay $0x3  }
0x37: {  	[smem:$0x3FB4] =	sst s10  }
0x38: {  	s10 =	sld [smem:$0x3FB5]  }
0x39: {  	_ = 	snop;
	(pc) =	sbr.ind lr, $3  }
0x3a: {  	_ = 	snop  }
0x3b: {  	_ = 	snop  }
0x3c: {  	p2 =	seq.s32 s10, $0x1;
	s10 =	sld [smem:$0x3FB4]  }
0x3d: {  	_ =	shalt  }
0x3e: {  	_ =	shalt  }
0x3f: {  	_ =	shalt  }
0x40: {  	_ =	shalt  }
0x41: {  	_ =	shalt  }
0x42: {  	_ =	shalt  }
0x43: {  	_ =	shalt  }
0x44: {  	_ =	shalt  }
0x45: {  	_ =	shalt  }
0x46: {  	_ =	shalt  }
0x47: {  	_ =	shalt  }
0x48: {  	_ =	shalt  }
0x49: {  	_ =	shalt  }
0x4a: {  	_ =	shalt  }
0x4b: {  	_ =	shalt  }
0x4c: {  	_ =	shalt  }
0x4d: {  	_ =	shalt  }
0x4e: {  	_ =	shalt  }
0x4f: {  	_ =	shalt  }
0x50: {  	_ =	shalt  }
0x51: {  	_ =	shalt  }
0x52: {  	_ =	shalt  }
0x53: {  	_ =	shalt  }
0x54: {  	_ =	shalt  }
0x55: {  	_ =	shalt  }
0x56: {  	_ =	shalt  }
0x57: {  	_ =	shalt  }
0x58: {  	_ =	shalt  }
0x59: {  	_ =	shalt  }
0x5a: {  	_ =	shalt  }
0x5b: {  	_ =	shalt  }
0x5c: {  	_ =	shalt  }
0x5d: {  	_ =	shalt  }
0x5e: {  	_ =	shalt  }
0x5f: {  	_ =	shalt  }
0x60: {  	_ =	shalt  }
0x61: {  	_ =	shalt  }
0x62: {  	_ =	shalt  }
0x63: {  	_ =	shalt  }
0x64: {  	_ =	shalt  }
0x65: {  	_ =	shalt  }
0x66: {  	_ =	shalt  }
0x67: {  	_ =	shalt  }
0x68: {  	_ =	shalt  }
0x69: {  	_ =	shalt  }
0x6a: {  	_ =	shalt  }
0x6b: {  	_ =	shalt  }
0x6c: {  	_ =	shalt  }
0x6d: {  	_ =	shalt  }
0x6e: {  	_ =	shalt  }
0x6f: {  	_ =	shalt  }
0x70: {  	_ =	shalt  }
0x71: {  	_ =	shalt  }
0x72: {  	_ =	shalt  }
0x73: {  	_ =	shalt  }
0x74: {  	_ =	shalt  }
0x75: {  	_ =	shalt  }
0x76: {  	_ =	shalt  }
0x77: {  	_ =	shalt  }
0x78: {  	_ =	shalt  }
0x79: {  	_ =	shalt  }
0x7a: {  	_ =	shalt  }
0x7b: {  	_ =	shalt  }
0x7c: {  	_ =	shalt  }
0x7d: {  	_ =	shalt  }
0x7e: {  	_ =	shalt  }
0x7f: {  	_ =	shalt  }
0x80: {  	_ =	shalt  }
0x81: {  	_ =	shalt  }
0x82: {  	_ =	shalt  }
0x83: {  	_ =	shalt  }
0x84: {  	_ =	shalt  }
0x85: {  	_ =	shalt  }
0x86: {  	_ =	shalt  }
0x87: {  	_ =	shalt  }
.Lfunc_end0:
.L_simem_size_0:
called_computation.1_lowered:
.L_overlay_start_0:
0x88: {  	s2 =	sld [smem:$0x3FD9]  }
0x89: {  	s3 =	sld [smem:$0x3FFE];
	_ =	sdelay $0x1  }
0x8a: {  	s1 =	srdreg.scid  }
0x8b: {  	s0 =	sand.u32 $0x1, s1  }
0x8c: {  	s16 =	sshll.u32 s0, $0xA;
	s2 =	sadd.s32 s3, s2  }
0x8d: {  	s2 =	sadd.s32 s2, s16  }
0x8e: {  	[smem:$0x3FC0] =	sst s2  }
0x8f: {  	_ = 	snop  }
0x90: {  	(tm) =	ssettm $0x1  }
0x91: {  	s17 =	sld [smem:$0x3FFB];
	_ =	sdelay $0x3  }
0x92: {  	_ =	strace s17  }
0x93: {  	s2 =	sld [smem:$0x3FFC];
	_ =	sdelay $0x3  }
0x94: {  	_ =	strace s2  }
0x95: {  	s2 =	sld [smem:$0x3FFD];
	_ =	sdelay $0x3  }
0x96: {  	_ =	strace s2  }
0x97: {  	_ =	strace $0x8FFFFFFF  }
0x98: {  	s18 =	sld [smem:$0x3FDB];
	_ =	sdelay $0x1  }
0x99: {  	s19 =	simm.s32 $_scs_section_size  }
0x9a: {  	s4 =	simm.s32 $_size__tile_overlayer_lowered;
	s5 =	simm.s32 $_tile_overlayer_lowered  }
0x9b: {  	s22 =	simm.s32 $0x1BFF;
	s21 =	sshll.u32 s5, $0x1;
	s2 =	sadd.s32 s19, s18  }
0x9c: {  	s6 =	simm.s32 $0x0;
	s20 =	sshll.u32 s4, $0x1;
	s4 =	sadd.s32 s21, s2  }
0x9d: {  	[timem:s6], [sflag:s22] =	dma.local [hbm:s4], s20  }
0x9e: {  	_ =	swait.ge [sflag:s22], s20  }
0x9f: {  	s3 =	ssub.s32 $0x0, s20;
	[sflag:s22] =	ssyncset.done $0x0  }
0xa0: {  	[sflag:s22] =	ssyncadd.s32 s3;
	_ =	sdelay $0x1  }
0xa1: {  	s23 =	simm.s32 $0x1B8B  }
0xa2: {  	_ =	swait.ge [sflag:s23], $0x1  }
0xa3: {  	[sflag:s23] =	ssyncset.done $0x0  }
0xa4: {  	s25 =	simm.s32 $0x1B8E;
	s24 =	sld [smem:$0x3FFE];
	[sflag:s23] =	ssyncadd.s32 $0xFFFFFFFF  }
0xa5: {  	s26 =	simm.s32 $execute0_lowered;
	[smem:$0x3FD2] =	sst s25  }
0xa6: {  	s4 =	sshll.u32 s26, $0x1;
	_ =	strace $0x80000049;
	[dreg:$0x1] =	wrdreg $0xFFFFFFFF  }
0xa7: {  	s28 =	simm.s32 $_size_execute0_lowered;
	s2 =	sadd.s32 s2, s4;
	[dreg:$0x0] =	wrdreg $0x0  }
0xa8: {  	s4 =	sshll.u32 s28, $0x1;
	[dreg:$0x2] =	wrdreg s2  }
0xa9: {  	[dreg:$0x3] =	wrdreg s4  }
0xaa: {  	[dreg:$0x4] =	wrdreg $0xC0  }
0xab: {  	_ =	task [dreg:s6], $0x5FFFF  }
0xac: {  	[dreg:$0x1] =	wrdreg $0xFFFFFFFF  }
0xad: {  	[dreg:$0x0] =	wrdreg $0x60  }
0xae: {  	[dreg:$0x2] =	wrdreg s24  }
0xaf: {  	[dreg:$0x3] =	wrdreg $0x9  }
0xb0: {  	_ =	task.clear_ibuf [dreg:s6], $0x4FFFF;
	_ =	strace $0x90000049  }
0xb1: {  	s29 =	simm.s32 $0x9;
	_ =	strace $0x8000004B  }
0xb2: {  	_ =	swait.ge [sflag:s29], $0x1  }
0xb3: {  	[sflag:s29] =	ssyncadd.s32 $0xFFFFFFFF  }
0xb4: {  	_ =	strace $0x9000004B  }
0xb5: {  	_ =	sfence  }
0xb6: {  	s30 =	sld [smem:$0x0];
	_ =	sdelay $0x2  }
0xb7: {  	s31 =	sshll.u32 s1, $0xD;
	s1 =	sshrl.u32 s1, $0x2  }
0xb8: {  	s3 =	sand.u32 $0x4000, s31;
	s1 =	sadd.s32 s1, s30  }
0xb9: {  	s0 =	sor.u32 s3, s0;
	s1 =	sshll.u32 s1, $0x11  }
0xba: {  	s0 =	sor.u32 s1, s0  }
0xbb: {  	s0 =	sadd.s32 $0x8F2B, s0  }
0xbc: {  	[sflag:s0] =	ssyncadd.remote.s32 $0x1  }
0xbd: {  	_ =	sfence.sel $0xFFFF  }
0xbe: {  	[dreg:$0x0] =	wrdreg $0xFFFFFFFF;
	(pc) =	sbr.abs _section_cstart, $3  }
0xbf: {  	[dreg:$0x1] =	wrdreg $0xFFFFFFFF  }
0xc0: {  	_ =	task.clear_ibuf [dreg:s6], $0x2FFFF;
	_ =	strace $0x9FFFFFFF  }
0xc1: {  	(tm) =	ssettm $0x7FFFFFFF  }
tec
execute0_lowered:
.L_overlay_start_1:
0x0: {  	(tag) =	ssettag $0x1  }
0x1: {  	s0 =	srdreg.scid  }
0x2: {  	s2 =	stileid.u32;
	s1 =	rddreg [dreg:$0x0];
	s30 =	simm.s32 $0x1  }
0x3: {  	s28 =	simm.s32 $0x2800;
	s0 =	sand.u32 $0x1, s0;
	s3 =	smul.u32 $0x280, s2  }
0x4: {  	s29 =	simm.s32 $0x0;
	s2 =	simm.s32 $0x0;
	s4 =	smul.u32 $0x2800, s0  }
0x5: {  	[smem:$0x7FF] =	sst s2;
	s5 =	smul.u32 $0x28000, s0;
	s0 =	ssub.s32 $0x2, s0  }
0x6: {  	s11 =	sadd.s32 $0x3600, s1;
	_ =	strace $0x8000004A;
	s31 =	sshrl.u32 s0, $0x1  }
0x7: {  	s4 =	sadd.s32 s3, s4;
	s9 =	sor.u32 s3, s5;
	s0 =	ssub.s32 s0, s31  }
0x8: {  	s26 =	sshrl.u32 s4, $0x3;
	s5 =	sshrl.u32 s9, $0x3;
	s12 =	sadd.s32 $0x14000, s9  }
0x9: {  	s20 =	smax.u32 s0, $0x1;
	s1 =	sadd.s32 s26, s1;
	s3 =	sadd.s32 s11, s5  }
0xa: {  	s12 =	sshrl.u32 s12, $0x3;
	s4 =	sadd.s32 $0x500, s3;
	s5 =	sadd.s32 $0xA00, s3  }
0xb: {  	s6 =	sadd.s32 $0xF00, s3;
	s7 =	sadd.s32 $0x1400, s3;
	s8 =	sadd.s32 $0x1900, s3  }
0xc: {  	s9 =	sadd.s32 $0x1E00, s3;
	s10 =	sadd.s32 $0x2300, s3;
	s11 =	sadd.s32 s11, s12  }
0xd: {  	s12 =	sadd.s32 $0x2D00, s3;
	s13 =	sadd.s32 $0x3200, s3;
	s14 =	sadd.s32 $0x3700, s3  }
0xe: {  	s15 =	sadd.s32 $0x3C00, s3;
	s16 =	sadd.s32 $0x4100, s3;
	s17 =	sadd.s32 $0x4600, s3  }
0xf: {  	s18 =	sadd.s32 $0x4B00, s3;
	s19 =	sadd.s32 $0xD600, s1;
	s21 =	sadd.s32 $0x10, s3  }
0x10: {  	s22 =	sadd.s32 $0x20, s3;
	s23 =	sadd.s32 $0x30, s3;
	s24 =	sadd.s32 $0x40, s3  }
.LBB2_1:
0x11: {  	[tilespmem:s2], [sflag:$0x1] =	stream.linear.gather [hbm4b:s3+s2], $0x80, $0x38;
	[tilespmem:$0x2A80] =	vst v63  }
0x12: {  	s0 =	simm.s32 $0x400  }
0x13: {  	[tilespmem:s0], [sflag:$0x1] =	stream.linear.gather [hbm4b:s21+s2], $0x80, $0x38;
	[tilespmem:$0x2A80] =	vst v63  }
0x14: {  	s25 =	simm.s32 $0x800  }
0x15: {  	[tilespmem:s25], [sflag:$0x1] =	stream.linear.gather [hbm4b:s22+s2], $0x80, $0x38;
	[tilespmem:$0x2A80] =	vst v63  }
0x16: {  	s26 =	simm.s32 $0xC00  }
0x17: {  	[tilespmem:s26], [sflag:$0x1] =	stream.linear.gather [hbm4b:s23+s2], $0x80, $0x38;
	[tilespmem:$0x2A80] =	vst v63  }
0x18: {  	s1 =	simm.s32 $0x1000  }
0x19: {  	[tilespmem:s1], [sflag:$0x1] =	stream.linear.gather [hbm4b:s24+s2], $0x80, $0x38;
	[tilespmem:$0x2A80] =	vst v63  }
0x1a: {  	_ =	swait.ge [sflag:s30], $0x280  }
0x1b: {  	[sflag:s30] =	ssyncset.done $0x0  }
0x1c: {  	s25 =	simm.s32 $0x80;
	[sflag:s30] =	ssyncadd.s32 $0xFFFFFD80  }
0x1d: {  	[tilespmem:s25], [sflag:$0x1] =	stream.linear.gather [hbm4b:s4+s2], $0x80, $0x38;
	[tilespmem:$0x2A80] =	vst v63  }
0x1e: {  	s26 =	sadd.s32 $0x10, s4;
	s1 =	simm.s32 $0x480  }
0x1f: {  	[tilespmem:s1], [sflag:$0x1] =	stream.linear.gather [hbm4b:s26+s2], $0x80, $0x38;
	[tilespmem:$0x2A80] =	vst v63  }
0x20: {  	s25 =	sadd.s32 $0x20, s4;
	s26 =	simm.s32 $0x880  }
0x21: {  	[tilespmem:s26], [sflag:$0x1] =	stream.linear.gather [hbm4b:s25+s2], $0x80, $0x38;
	[tilespmem:$0x2A80] =	vst v63  }
0x22: {  	s25 =	sadd.s32 $0x30, s4;
	s26 =	simm.s32 $0xC80  }
0x23: {  	[tilespmem:s26], [sflag:$0x1] =	stream.linear.gather [hbm4b:s25+s2], $0x80, $0x38;
	[tilespmem:$0x2A80] =	vst v63  }
0x24: {  	s25 =	sadd.s32 $0x40, s4;
	s26 =	simm.s32 $0x1080  }
0x25: {  	[tilespmem:s26], [sflag:$0x1] =	stream.linear.gather [hbm4b:s25+s2], $0x80, $0x38;
	[tilespmem:$0x2A80] =	vst v63  }
0x26: {  	_ =	swait.ge [sflag:s30], $0x280  }
0x27: {  	[sflag:s30] =	ssyncset.done $0x0  }
0x28: {  	s1 =	simm.s32 $0x100;
	[sflag:s30] =	ssyncadd.s32 $0xFFFFFD80  }
0x29: {  	[tilespmem:s1], [sflag:$0x1] =	stream.linear.gather [hbm4b:s5+s2], $0x80, $0x38;
	[tilespmem:$0x2A80] =	vst v63  }
0x2a: {  	s25 =	sadd.s32 $0x10, s5;
	s26 =	simm.s32 $0x500  }
0x2b: {  	[tilespmem:s26], [sflag:$0x1] =	stream.linear.gather [hbm4b:s25+s2], $0x80, $0x38;
	[tilespmem:$0x2A80] =	vst v63  }
0x2c: {  	s25 =	sadd.s32 $0x20, s5;
	s26 =	simm.s32 $0x900  }
0x2d: {  	[tilespmem:s26], [sflag:$0x1] =	stream.linear.gather [hbm4b:s25+s2], $0x80, $0x38;
	[tilespmem:$0x2A80] =	vst v63  }
0x2e: {  	s25 =	sadd.s32 $0x30, s5;
	s26 =	simm.s32 $0xD00  }
0x2f: {  	[tilespmem:s26], [sflag:$0x1] =	stream.linear.gather [hbm4b:s25+s2], $0x80, $0x38;
	[tilespmem:$0x2A80] =	vst v63  }
0x30: {  	s25 =	sadd.s32 $0x40, s5;
	s26 =	simm.s32 $0x1100  }
0x31: {  	[tilespmem:s26], [sflag:$0x1] =	stream.linear.gather [hbm4b:s25+s2], $0x80, $0x38;
	[tilespmem:$0x2A80] =	vst v63  }
0x32: {  	_ =	swait.ge [sflag:s30], $0x280  }
0x33: {  	[sflag:s30] =	ssyncset.done $0x0  }
0x34: {  	s1 =	simm.s32 $0x180;
	[sflag:s30] =	ssyncadd.s32 $0xFFFFFD80  }
0x35: {  	[tilespmem:s1], [sflag:$0x1] =	stream.linear.gather [hbm4b:s6+s2], $0x80, $0x38;
	[tilespmem:$0x2A80] =	vst v63  }
0x36: {  	s25 =	sadd.s32 $0x10, s6;
	s26 =	simm.s32 $0x580  }
0x37: {  	[tilespmem:s26], [sflag:$0x1] =	stream.linear.gather [hbm4b:s25+s2], $0x80, $0x38;
	[tilespmem:$0x2A80] =	vst v63  }
0x38: {  	s25 =	sadd.s32 $0x20, s6;
	s26 =	simm.s32 $0x980  }
0x39: {  	[tilespmem:s26], [sflag:$0x1] =	stream.linear.gather [hbm4b:s25+s2], $0x80, $0x38;
	[tilespmem:$0x2A80] =	vst v63  }
0x3a: {  	s25 =	sadd.s32 $0x30, s6;
	s26 =	simm.s32 $0xD80  }
0x3b: {  	[tilespmem:s26], [sflag:$0x1] =	stream.linear.gather [hbm4b:s25+s2], $0x80, $0x38;
	[tilespmem:$0x2A80] =	vst v63  }
0x3c: {  	s25 =	sadd.s32 $0x40, s6;
	s26 =	simm.s32 $0x1180  }
0x3d: {  	[tilespmem:s26], [sflag:$0x1] =	stream.linear.gather [hbm4b:s25+s2], $0x80, $0x38;
	[tilespmem:$0x2A80] =	vst v63  }
0x3e: {  	_ =	swait.ge [sflag:s30], $0x280  }
0x3f: {  	[sflag:s30] =	ssyncset.done $0x0  }
0x40: {  	s1 =	simm.s32 $0x200;
	[sflag:s30] =	ssyncadd.s32 $0xFFFFFD80  }
0x41: {  	[tilespmem:s1], [sflag:$0x1] =	stream.linear.gather [hbm4b:s7+s2], $0x80, $0x38;
	[tilespmem:$0x2A80] =	vst v63  }
0x42: {  	s25 =	sadd.s32 $0x10, s7;
	s26 =	simm.s32 $0x600  }
0x43: {  	[tilespmem:s26], [sflag:$0x1] =	stream.linear.gather [hbm4b:s25+s2], $0x80, $0x38;
	[tilespmem:$0x2A80] =	vst v63  }
0x44: {  	s25 =	sadd.s32 $0x20, s7;
	s26 =	simm.s32 $0xA00  }
0x45: {  	[tilespmem:s26], [sflag:$0x1] =	stream.linear.gather [hbm4b:s25+s2], $0x80, $0x38;
	[tilespmem:$0x2A80] =	vst v63  }
0x46: {  	s25 =	sadd.s32 $0x30, s7;
	s26 =	simm.s32 $0xE00  }
0x47: {  	[tilespmem:s26], [sflag:$0x1] =	stream.linear.gather [hbm4b:s25+s2], $0x80, $0x38;
	[tilespmem:$0x2A80] =	vst v63  }
0x48: {  	s25 =	sadd.s32 $0x40, s7;
	s26 =	simm.s32 $0x1200  }
0x49: {  	[tilespmem:s26], [sflag:$0x1] =	stream.linear.gather [hbm4b:s25+s2], $0x80, $0x38;
	[tilespmem:$0x2A80] =	vst v63  }
0x4a: {  	_ =	swait.ge [sflag:s30], $0x280  }
0x4b: {  	[sflag:s30] =	ssyncset.done $0x0  }
0x4c: {  	s1 =	simm.s32 $0x280;
	[sflag:s30] =	ssyncadd.s32 $0xFFFFFD80  }
0x4d: {  	[tilespmem:s1], [sflag:$0x1] =	stream.linear.gather [hbm4b:s8+s2], $0x80, $0x38;
	[tilespmem:$0x2A80] =	vst v63  }
0x4e: {  	s25 =	sadd.s32 $0x10, s8;
	s26 =	simm.s32 $0x680  }
0x4f: {  	[tilespmem:s26], [sflag:$0x1] =	stream.linear.gather [hbm4b:s25+s2], $0x80, $0x38;
	[tilespmem:$0x2A80] =	vst v63  }
0x50: {  	s25 =	sadd.s32 $0x20, s8;
	s26 =	simm.s32 $0xA80  }
0x51: {  	[tilespmem:s26], [sflag:$0x1] =	stream.linear.gather [hbm4b:s25+s2], $0x80, $0x38;
	[tilespmem:$0x2A80] =	vst v63  }
0x52: {  	s25 =	sadd.s32 $0x30, s8;
	s26 =	simm.s32 $0xE80  }
0x53: {  	[tilespmem:s26], [sflag:$0x1] =	stream.linear.gather [hbm4b:s25+s2], $0x80, $0x38;
	[tilespmem:$0x2A80] =	vst v63  }
0x54: {  	s25 =	sadd.s32 $0x40, s8;
	s26 =	simm.s32 $0x1280  }
0x55: {  	[tilespmem:s26], [sflag:$0x1] =	stream.linear.gather [hbm4b:s25+s2], $0x80, $0x38;
	[tilespmem:$0x2A80] =	vst v63  }
0x56: {  	_ =	swait.ge [sflag:s30], $0x280  }
0x57: {  	[sflag:s30] =	ssyncset.done $0x0  }
0x58: {  	s1 =	simm.s32 $0x300;
	[sflag:s30] =	ssyncadd.s32 $0xFFFFFD80  }
0x59: {  	[tilespmem:s1], [sflag:$0x1] =	stream.linear.gather [hbm4b:s9+s2], $0x80, $0x38;
	[tilespmem:$0x2A80] =	vst v63  }
0x5a: {  	s25 =	sadd.s32 $0x10, s9;
	s26 =	simm.s32 $0x700  }
0x5b: {  	[tilespmem:s26], [sflag:$0x1] =	stream.linear.gather [hbm4b:s25+s2], $0x80, $0x38;
	[tilespmem:$0x2A80] =	vst v63  }
0x5c: {  	s25 =	sadd.s32 $0x20, s9;
	s26 =	simm.s32 $0xB00  }
0x5d: {  	[tilespmem:s26], [sflag:$0x1] =	stream.linear.gather [hbm4b:s25+s2], $0x80, $0x38;
	[tilespmem:$0x2A80] =	vst v63  }
0x5e: {  	s25 =	sadd.s32 $0x30, s9;
	s26 =	simm.s32 $0xF00  }
0x5f: {  	[tilespmem:s26], [sflag:$0x1] =	stream.linear.gather [hbm4b:s25+s2], $0x80, $0x38;
	[tilespmem:$0x2A80] =	vst v63  }
0x60: {  	s25 =	sadd.s32 $0x40, s9;
	s26 =	simm.s32 $0x1300  }
0x61: {  	[tilespmem:s26], [sflag:$0x1] =	stream.linear.gather [hbm4b:s25+s2], $0x80, $0x38;
	[tilespmem:$0x2A80] =	vst v63  }
0x62: {  	_ =	swait.ge [sflag:s30], $0x280  }
0x63: {  	[sflag:s30] =	ssyncset.done $0x0  }
0x64: {  	s1 =	simm.s32 $0x380;
	[sflag:s30] =	ssyncadd.s32 $0xFFFFFD80  }
0x65: {  	[tilespmem:s1], [sflag:$0x1] =	stream.linear.gather [hbm4b:s10+s2], $0x80, $0x38;
	[tilespmem:$0x2A80] =	vst v63  }
0x66: {  	s25 =	sadd.s32 $0x10, s10;
	s26 =	simm.s32 $0x780  }
0x67: {  	[tilespmem:s26], [sflag:$0x1] =	stream.linear.gather [hbm4b:s25+s2], $0x80, $0x38;
	[tilespmem:$0x2A80] =	vst v63  }
0x68: {  	s25 =	sadd.s32 $0x20, s10;
	s26 =	simm.s32 $0xB80  }
0x69: {  	[tilespmem:s26], [sflag:$0x1] =	stream.linear.gather [hbm4b:s25+s2], $0x80, $0x38;
	[tilespmem:$0x2A80] =	vst v63  }
0x6a: {  	s25 =	sadd.s32 $0x30, s10;
	s26 =	simm.s32 $0xF80  }
0x6b: {  	[tilespmem:s26], [sflag:$0x1] =	stream.linear.gather [hbm4b:s25+s2], $0x80, $0x38;
	[tilespmem:$0x2A80] =	vst v63  }
0x6c: {  	s25 =	sadd.s32 $0x40, s10;
	s26 =	simm.s32 $0x1380  }
0x6d: {  	[tilespmem:s26], [sflag:$0x1] =	stream.linear.gather [hbm4b:s25+s2], $0x80, $0x38;
	[tilespmem:$0x2A80] =	vst v63  }
0x6e: {  	_ =	swait.ge [sflag:s30], $0x280  }
0x6f: {  	[sflag:s30] =	ssyncset.done $0x0  }
0x70: {  	s1 =	simm.s32 $0x1400;
	[sflag:s30] =	ssyncadd.s32 $0xFFFFFD80  }
0x71: {  	[tilespmem:s1], [sflag:$0x1] =	stream.linear.gather [hbm4b:s11+s2], $0x80, $0x38;
	[tilespmem:$0x2A80] =	vst v63  }
0x72: {  	s25 =	sadd.s32 $0x10, s11;
	s26 =	simm.s32 $0x1800  }
0x73: {  	[tilespmem:s26], [sflag:$0x1] =	stream.linear.gather [hbm4b:s25+s2], $0x80, $0x38;
	[tilespmem:$0x2A80] =	vst v63  }
0x74: {  	s25 =	sadd.s32 $0x20, s11;
	s26 =	simm.s32 $0x1C00  }
0x75: {  	[tilespmem:s26], [sflag:$0x1] =	stream.linear.gather [hbm4b:s25+s2], $0x80, $0x38;
	[tilespmem:$0x2A80] =	vst v63  }
0x76: {  	s25 =	sadd.s32 $0x30, s11;
	s26 =	simm.s32 $0x2000  }
0x77: {  	[tilespmem:s26], [sflag:$0x1] =	stream.linear.gather [hbm4b:s25+s2], $0x80, $0x38;
	[tilespmem:$0x2A80] =	vst v63  }
0x78: {  	s25 =	sadd.s32 $0x40, s11;
	s26 =	simm.s32 $0x2400  }
0x79: {  	[tilespmem:s26], [sflag:$0x1] =	stream.linear.gather [hbm4b:s25+s2], $0x80, $0x38;
	[tilespmem:$0x2A80] =	vst v63  }
0x7a: {  	_ =	swait.ge [sflag:s30], $0x280  }
0x7b: {  	[sflag:s30] =	ssyncset.done $0x0  }
0x7c: {  	s1 =	simm.s32 $0x1480;
	[sflag:s30] =	ssyncadd.s32 $0xFFFFFD80  }
0x7d: {  	[tilespmem:s1], [sflag:$0x1] =	stream.linear.gather [hbm4b:s12+s2], $0x80, $0x38;
	[tilespmem:$0x2A80] =	vst v63  }
0x7e: {  	s25 =	sadd.s32 $0x10, s12;
	s26 =	simm.s32 $0x1880  }
0x7f: {  	[tilespmem:s26], [sflag:$0x1] =	stream.linear.gather [hbm4b:s25+s2], $0x80, $0x38;
	[tilespmem:$0x2A80] =	vst v63  }
0x80: {  	s25 =	sadd.s32 $0x20, s12;
	s26 =	simm.s32 $0x1C80  }
0x81: {  	[tilespmem:s26], [sflag:$0x1] =	stream.linear.gather [hbm4b:s25+s2], $0x80, $0x38;
	[tilespmem:$0x2A80] =	vst v63  }
0x82: {  	s25 =	sadd.s32 $0x30, s12;
	s26 =	simm.s32 $0x2080  }
0x83: {  	[tilespmem:s26], [sflag:$0x1] =	stream.linear.gather [hbm4b:s25+s2], $0x80, $0x38;
	[tilespmem:$0x2A80] =	vst v63  }
0x84: {  	s25 =	sadd.s32 $0x40, s12;
	s26 =	simm.s32 $0x2480  }
0x85: {  	[tilespmem:s26], [sflag:$0x1] =	stream.linear.gather [hbm4b:s25+s2], $0x80, $0x38;
	[tilespmem:$0x2A80] =	vst v63  }
0x86: {  	_ =	swait.ge [sflag:s30], $0x280  }
0x87: {  	[sflag:s30] =	ssyncset.done $0x0  }
0x88: {  	s1 =	simm.s32 $0x1500;
	[sflag:s30] =	ssyncadd.s32 $0xFFFFFD80  }
0x89: {  	[tilespmem:s1], [sflag:$0x1] =	stream.linear.gather [hbm4b:s13+s2], $0x80, $0x38;
	[tilespmem:$0x2A80] =	vst v63  }
0x8a: {  	s25 =	sadd.s32 $0x10, s13;
	s26 =	simm.s32 $0x1900  }
0x8b: {  	[tilespmem:s26], [sflag:$0x1] =	stream.linear.gather [hbm4b:s25+s2], $0x80, $0x38;
	[tilespmem:$0x2A80] =	vst v63  }
0x8c: {  	s25 =	sadd.s32 $0x20, s13;
	s26 =	simm.s32 $0x1D00  }
0x8d: {  	[tilespmem:s26], [sflag:$0x1] =	stream.linear.gather [hbm4b:s25+s2], $0x80, $0x38;
	[tilespmem:$0x2A80] =	vst v63  }
0x8e: {  	s25 =	sadd.s32 $0x30, s13;
	s26 =	simm.s32 $0x2100  }
0x8f: {  	[tilespmem:s26], [sflag:$0x1] =	stream.linear.gather [hbm4b:s25+s2], $0x80, $0x38;
	[tilespmem:$0x2A80] =	vst v63  }
0x90: {  	s25 =	sadd.s32 $0x40, s13;
	s26 =	simm.s32 $0x2500  }
0x91: {  	[tilespmem:s26], [sflag:$0x1] =	stream.linear.gather [hbm4b:s25+s2], $0x80, $0x38;
	[tilespmem:$0x2A80] =	vst v63  }
0x92: {  	_ =	swait.ge [sflag:s30], $0x280  }
0x93: {  	[sflag:s30] =	ssyncset.done $0x0  }
0x94: {  	s1 =	simm.s32 $0x1580;
	[sflag:s30] =	ssyncadd.s32 $0xFFFFFD80  }
0x95: {  	[tilespmem:s1], [sflag:$0x1] =	stream.linear.gather [hbm4b:s14+s2], $0x80, $0x38;
	[tilespmem:$0x2A80] =	vst v63  }
0x96: {  	s25 =	sadd.s32 $0x10, s14;
	s26 =	simm.s32 $0x1980  }
0x97: {  	[tilespmem:s26], [sflag:$0x1] =	stream.linear.gather [hbm4b:s25+s2], $0x80, $0x38;
	[tilespmem:$0x2A80] =	vst v63  }
0x98: {  	s25 =	sadd.s32 $0x20, s14;
	s26 =	simm.s32 $0x1D80  }
0x99: {  	[tilespmem:s26], [sflag:$0x1] =	stream.linear.gather [hbm4b:s25+s2], $0x80, $0x38;
	[tilespmem:$0x2A80] =	vst v63  }
0x9a: {  	s25 =	sadd.s32 $0x30, s14;
	s26 =	simm.s32 $0x2180  }
0x9b: {  	[tilespmem:s26], [sflag:$0x1] =	stream.linear.gather [hbm4b:s25+s2], $0x80, $0x38;
	[tilespmem:$0x2A80] =	vst v63  }
0x9c: {  	s25 =	sadd.s32 $0x40, s14;
	s26 =	simm.s32 $0x2580  }
0x9d: {  	[tilespmem:s26], [sflag:$0x1] =	stream.linear.gather [hbm4b:s25+s2], $0x80, $0x38;
	[tilespmem:$0x2A80] =	vst v63  }
0x9e: {  	_ =	swait.ge [sflag:s30], $0x280  }
0x9f: {  	[sflag:s30] =	ssyncset.done $0x0  }
0xa0: {  	s1 =	simm.s32 $0x1600;
	[sflag:s30] =	ssyncadd.s32 $0xFFFFFD80  }
0xa1: {  	[tilespmem:s1], [sflag:$0x1] =	stream.linear.gather [hbm4b:s15+s2], $0x80, $0x38;
	[tilespmem:$0x2A80] =	vst v63  }
0xa2: {  	s25 =	sadd.s32 $0x10, s15;
	s26 =	simm.s32 $0x1A00  }
0xa3: {  	[tilespmem:s26], [sflag:$0x1] =	stream.linear.gather [hbm4b:s25+s2], $0x80, $0x38;
	[tilespmem:$0x2A80] =	vst v63  }
0xa4: {  	s25 =	sadd.s32 $0x20, s15;
	s26 =	simm.s32 $0x1E00  }
0xa5: {  	[tilespmem:s26], [sflag:$0x1] =	stream.linear.gather [hbm4b:s25+s2], $0x80, $0x38;
	[tilespmem:$0x2A80] =	vst v63  }
0xa6: {  	s25 =	sadd.s32 $0x30, s15;
	s26 =	simm.s32 $0x2200  }
0xa7: {  	[tilespmem:s26], [sflag:$0x1] =	stream.linear.gather [hbm4b:s25+s2], $0x80, $0x38;
	[tilespmem:$0x2A80] =	vst v63  }
0xa8: {  	s25 =	sadd.s32 $0x40, s15;
	s26 =	simm.s32 $0x2600  }
0xa9: {  	[tilespmem:s26], [sflag:$0x1] =	stream.linear.gather [hbm4b:s25+s2], $0x80, $0x38;
	[tilespmem:$0x2A80] =	vst v63  }
0xaa: {  	_ =	swait.ge [sflag:s30], $0x280  }
0xab: {  	[sflag:s30] =	ssyncset.done $0x0  }
0xac: {  	s1 =	simm.s32 $0x1680;
	[sflag:s30] =	ssyncadd.s32 $0xFFFFFD80  }
0xad: {  	[tilespmem:s1], [sflag:$0x1] =	stream.linear.gather [hbm4b:s16+s2], $0x80, $0x38;
	[tilespmem:$0x2A80] =	vst v63  }
0xae: {  	s25 =	sadd.s32 $0x10, s16;
	s26 =	simm.s32 $0x1A80  }
0xaf: {  	[tilespmem:s26], [sflag:$0x1] =	stream.linear.gather [hbm4b:s25+s2], $0x80, $0x38;
	[tilespmem:$0x2A80] =	vst v63  }
0xb0: {  	s25 =	sadd.s32 $0x20, s16;
	s26 =	simm.s32 $0x1E80  }
0xb1: {  	[tilespmem:s26], [sflag:$0x1] =	stream.linear.gather [hbm4b:s25+s2], $0x80, $0x38;
	[tilespmem:$0x2A80] =	vst v63  }
0xb2: {  	s25 =	sadd.s32 $0x30, s16;
	s26 =	simm.s32 $0x2280  }
0xb3: {  	[tilespmem:s26], [sflag:$0x1] =	stream.linear.gather [hbm4b:s25+s2], $0x80, $0x38;
	[tilespmem:$0x2A80] =	vst v63  }
0xb4: {  	s25 =	sadd.s32 $0x40, s16;
	s26 =	simm.s32 $0x2680  }
0xb5: {  	[tilespmem:s26], [sflag:$0x1] =	stream.linear.gather [hbm4b:s25+s2], $0x80, $0x38;
	[tilespmem:$0x2A80] =	vst v63  }
0xb6: {  	_ =	swait.ge [sflag:s30], $0x280  }
0xb7: {  	[sflag:s30] =	ssyncset.done $0x0  }
0xb8: {  	s1 =	simm.s32 $0x1700;
	[sflag:s30] =	ssyncadd.s32 $0xFFFFFD80  }
0xb9: {  	[tilespmem:s1], [sflag:$0x1] =	stream.linear.gather [hbm4b:s17+s2], $0x80, $0x38;
	[tilespmem:$0x2A80] =	vst v63  }
0xba: {  	s25 =	sadd.s32 $0x10, s17;
	s26 =	simm.s32 $0x1B00  }
0xbb: {  	[tilespmem:s26], [sflag:$0x1] =	stream.linear.gather [hbm4b:s25+s2], $0x80, $0x38;
	[tilespmem:$0x2A80] =	vst v63  }
0xbc: {  	s25 =	sadd.s32 $0x20, s17;
	s26 =	simm.s32 $0x1F00  }
0xbd: {  	[tilespmem:s26], [sflag:$0x1] =	stream.linear.gather [hbm4b:s25+s2], $0x80, $0x38;
	[tilespmem:$0x2A80] =	vst v63  }
0xbe: {  	s25 =	sadd.s32 $0x30, s17;
	s26 =	simm.s32 $0x2300  }
0xbf: {  	[tilespmem:s26], [sflag:$0x1] =	stream.linear.gather [hbm4b:s25+s2], $0x80, $0x38;
	[tilespmem:$0x2A80] =	vst v63  }
0xc0: {  	s25 =	sadd.s32 $0x40, s17;
	s26 =	simm.s32 $0x2700  }
0xc1: {  	[tilespmem:s26], [sflag:$0x1] =	stream.linear.gather [hbm4b:s25+s2], $0x80, $0x38;
	[tilespmem:$0x2A80] =	vst v63  }
0xc2: {  	_ =	swait.ge [sflag:s30], $0x280  }
0xc3: {  	[sflag:s30] =	ssyncset.done $0x0  }
0xc4: {  	s1 =	simm.s32 $0x1780;
	[sflag:s30] =	ssyncadd.s32 $0xFFFFFD80  }
0xc5: {  	[tilespmem:s1], [sflag:$0x1] =	stream.linear.gather [hbm4b:s18+s2], $0x80, $0x38;
	[tilespmem:$0x2A80] =	vst v63  }
0xc6: {  	s25 =	sadd.s32 $0x10, s18;
	s26 =	simm.s32 $0x1B80  }
0xc7: {  	[tilespmem:s26], [sflag:$0x1] =	stream.linear.gather [hbm4b:s25+s2], $0x80, $0x38;
	[tilespmem:$0x2A80] =	vst v63  }
0xc8: {  	s25 =	sadd.s32 $0x20, s18;
	s26 =	simm.s32 $0x1F80  }
0xc9: {  	[tilespmem:s26], [sflag:$0x1] =	stream.linear.gather [hbm4b:s25+s2], $0x80, $0x38;
	[tilespmem:$0x2A80] =	vst v63  }
0xca: {  	s25 =	sadd.s32 $0x30, s18;
	s26 =	simm.s32 $0x2380  }
0xcb: {  	[tilespmem:s26], [sflag:$0x1] =	stream.linear.gather [hbm4b:s25+s2], $0x80, $0x38;
	[tilespmem:$0x2A80] =	vst v63  }
0xcc: {  	s25 =	sadd.s32 $0x40, s18;
	s26 =	simm.s32 $0x2780  }
0xcd: {  	[tilespmem:s26], [sflag:$0x1] =	stream.linear.gather [hbm4b:s25+s2], $0x80, $0x38;
	[tilespmem:$0x2A80] =	vst v63  }
0xce: {  	_ =	swait.ge [sflag:s30], $0x280  }
0xcf: {  	s1 =	sand.u32 $0x70, s2;
	s25 =	sand.u32 $0x1C00, s2;
	[sflag:s30] =	ssyncset.done $0x0  }
0xd0: {  	s0 =	sor.u32 s1, s25;
	[sflag:s30] =	ssyncadd.s32 $0xFFFFFD80  }
0xd1: {  	v0 =	vld [tilespmem:s0+$0x80]  }
0xd2: {  	v1 =	vld [tilespmem:s0+$0x0];
	_ =	sdelay $0x1  }
0xd3: {  	v2 =	vld [tilespmem:s0+$0x100];
	_ =	sdelay $0x1  }
0xd4: {  	v3 =	vld [tilespmem:s0+$0x180]  }
0xd5: {  	v0 =	vadd.f32 v0, v1  }
0xd6: {  	v52 =	vld [tilespmem:s0+$0x200]  }
0xd7: {  	v0 =	vadd.f32 v2, v0  }
0xd8: {  	v53 =	vld [tilespmem:s0+$0x280]  }
0xd9: {  	v0 =	vadd.f32 v3, v0  }
0xda: {  	v54 =	vld [tilespmem:s0+$0x300]  }
0xdb: {  	v0 =	vadd.f32 v52, v0  }
0xdc: {  	v55 =	vld [tilespmem:s0+$0x380]  }
0xdd: {  	v0 =	vadd.f32 v53, v0  }
0xde: {  	v56 =	vld [tilespmem:s0+$0x1400]  }
0xdf: {  	v0 =	vadd.f32 v54, v0  }
0xe0: {  	v57 =	vld [tilespmem:s0+$0x1480]  }
0xe1: {  	v0 =	vadd.f32 v55, v0  }
0xe2: {  	v58 =	vld [tilespmem:s0+$0x1500]  }
0xe3: {  	v0 =	vadd.f32 v56, v0  }
0xe4: {  	v59 =	vld [tilespmem:s0+$0x1580]  }
0xe5: {  	v0 =	vadd.f32 v57, v0  }
0xe6: {  	v60 =	vld [tilespmem:s0+$0x1600]  }
0xe7: {  	v0 =	vadd.f32 v58, v0  }
0xe8: {  	v61 =	vld [tilespmem:s0+$0x1680]  }
0xe9: {  	v0 =	vadd.f32 v59, v0  }
0xea: {  	v62 =	vld [tilespmem:s0+$0x1700]  }
0xeb: {  	v0 =	vadd.f32 v60, v0  }
0xec: {  	v63 =	vld [tilespmem:s0+$0x1780]  }
0xed: {  	v0 =	vadd.f32 v61, v0;
	_ =	sdelay $0x1  }
0xee: {  	v0 =	vadd.f32 v62, v0;
	_ =	sdelay $0x1  }
0xef: {  	s26 =	simm.s32 $0x10;
	s0 =	simm.s32 $0x80;
	v0 =	vadd.f32 v63, v0  }
0xf0: {  	s1 =	sand.u32 $0x70, s26;
	s25 =	sand.u32 $0x1C00, s0  }
0xf1: {  	s31 =	simm.s32 $0x2800;
	s1 =	sor.u32 s1, s25;
	s25 =	simm.s32 $0x20;
	[tilespmem:s28+$0x0] =	vst v0  }
.LBB2_2:
0xf2: {  	p0 =	sne.s32 s25, $0x270;
	v0 =	vld [tilespmem:s1+$0x80]  }
0xf3: {  	v1 =	vld [tilespmem:s1+$0x0];
	_ =	sdelay $0x1  }
0xf4: {  	v2 =	vld [tilespmem:s1+$0x100];
	_ =	sdelay $0x1  }
0xf5: {  	v3 =	vld [tilespmem:s1+$0x180]  }
0xf6: {  	v0 =	vadd.f32 v0, v1  }
0xf7: {  	v1 =	vld [tilespmem:s1+$0x200]  }
0xf8: {  	v0 =	vadd.f32 v2, v0  }
0xf9: {  	v2 =	vld [tilespmem:s1+$0x280]  }
0xfa: {  	v0 =	vadd.f32 v3, v0  }
0xfb: {  	v3 =	vld [tilespmem:s1+$0x300]  }
0xfc: {  	v0 =	vadd.f32 v1, v0  }
0xfd: {  	v1 =	vld [tilespmem:s1+$0x380]  }
0xfe: {  	v0 =	vadd.f32 v2, v0  }
0xff: {  	v2 =	vld [tilespmem:s1+$0x1400]  }
0x100: {  	v0 =	vadd.f32 v3, v0  }
0x101: {  	v3 =	vld [tilespmem:s1+$0x1480]  }
0x102: {  	v0 =	vadd.f32 v1, v0  }
0x103: {  	v1 =	vld [tilespmem:s1+$0x1500]  }
0x104: {  	v0 =	vadd.f32 v2, v0  }
0x105: {  	v2 =	vld [tilespmem:s1+$0x1580]  }
0x106: {  	v0 =	vadd.f32 v3, v0  }
0x107: {  	v3 =	vld [tilespmem:s1+$0x1600]  }
0x108: {  	v0 =	vadd.f32 v1, v0  }
0x109: {  	v1 =	vld [tilespmem:s1+$0x1680]  }
0x10a: {  	v0 =	vadd.f32 v2, v0  }
0x10b: {  	v2 =	vld [tilespmem:s1+$0x1700]  }
0x10c: {  	v0 =	vadd.f32 v3, v0  }
0x10d: {  	v3 =	vld [tilespmem:s1+$0x1780]  }
0x10e: {  	v0 =	vadd.f32 v1, v0;
	_ =	sdelay $0x1  }
.Ltmp0:
0x10f: {  	v0 =	vadd.f32 v2, v0;
	(pc) =	sbr.rel @p0 .LBB2_2-.Ltmp0, $4  }
0x110: {  	_ = 	snop  }
0x111: {  	s0 =	sadd.s32 $0x80, s0;
	v0 =	vadd.f32 v3, v0  }
0x112: {  	s31 =	sadd.s32 $0x10, s31;
	s26 =	sand.u32 $0x1C00, s0;
	s1 =	sand.u32 $0x70, s25  }
0x113: {  	s25 =	sadd.s32 $0x10, s25;
	s1 =	sor.u32 s1, s26;
	[tilespmem:s31+$0x0] =	vst v0  }
0x114: {  	v0 =	vld [tilespmem:s1+$0x80]  }
0x115: {  	v1 =	vld [tilespmem:s1+$0x0];
	_ =	sdelay $0x1  }
0x116: {  	v2 =	vld [tilespmem:s1+$0x100];
	_ =	sdelay $0x1  }
0x117: {  	v3 =	vld [tilespmem:s1+$0x180]  }
0x118: {  	v0 =	vadd.f32 v0, v1  }
0x119: {  	v52 =	vld [tilespmem:s1+$0x200]  }
0x11a: {  	v0 =	vadd.f32 v2, v0  }
0x11b: {  	v53 =	vld [tilespmem:s1+$0x280]  }
0x11c: {  	v0 =	vadd.f32 v3, v0  }
0x11d: {  	v54 =	vld [tilespmem:s1+$0x300]  }
0x11e: {  	v0 =	vadd.f32 v52, v0  }
0x11f: {  	v55 =	vld [tilespmem:s1+$0x380]  }
0x120: {  	v0 =	vadd.f32 v53, v0  }
0x121: {  	v56 =	vld [tilespmem:s1+$0x1400]  }
0x122: {  	v0 =	vadd.f32 v54, v0  }
0x123: {  	v57 =	vld [tilespmem:s1+$0x1480]  }
0x124: {  	v0 =	vadd.f32 v55, v0  }
0x125: {  	v58 =	vld [tilespmem:s1+$0x1500]  }
0x126: {  	v0 =	vadd.f32 v56, v0  }
0x127: {  	v59 =	vld [tilespmem:s1+$0x1580]  }
0x128: {  	v0 =	vadd.f32 v57, v0  }
0x129: {  	v60 =	vld [tilespmem:s1+$0x1600]  }
0x12a: {  	v0 =	vadd.f32 v58, v0  }
0x12b: {  	v61 =	vld [tilespmem:s1+$0x1680]  }
0x12c: {  	v0 =	vadd.f32 v59, v0  }
0x12d: {  	v62 =	vld [tilespmem:s1+$0x1700]  }
0x12e: {  	v0 =	vadd.f32 v60, v0  }
0x12f: {  	v63 =	vld [tilespmem:s1+$0x1780]  }
0x130: {  	v0 =	vadd.f32 v61, v0;
	_ =	sdelay $0x1  }
0x131: {  	v0 =	vadd.f32 v62, v0;
	_ =	sdelay $0x1  }
0x132: {  	s29 =	sadd.s32 $0x1, s29;
	v0 =	vadd.f32 v63, v0  }
0x133: {  	s0 =	sadd.s32 $0x10, s31;
	p0 =	sne.s32 s29, s20  }
.Ltmp1:
0x134: {  	[tilespmem:s0+$0x0] =	vst v0;
	(pc) =	sbr.rel @p0 .LBB2_1-.Ltmp1, $4  }
0x135: {  	[hbm4b:s19+s2] =	stream.linear.scatter [tilespmem:s28], [sflag:$0x1], $0x280, $0x38;
	[tilespmem:$0x2A80] =	vst v63  }
0x136: {  	_ =	swait.ge [sflag:s30], $0x280  }
0x137: {  	[sflag:s30] =	ssyncset.done $0x0  }
0x138: {  	[sflag:s30] =	ssyncadd.s32 $0xFFFFFD80  }
0x139: {  	_ =	sfence.sel $0x180000  }
0x13a: {  	[bflag:$0x0] =	sbarrier.arrive $0xFFFF  }
0x13b: {  	_ =	strace $0x9000004A  }
0x13c: {  	s0 =	stileid.u32;
	[bflag:$0x2] =	sbarrier.arrive $0xFFFF  }
0x13d: {  	p0 =	sne.s32 s0, $0x0;
	s0 =	rddreg [dreg:$0x1]  }
0x13e: {  	s0 =	sadd.s32 @!p0 $0x100000, s0  }
0x13f: {  	[sflag:s0] =	ssyncadd.tile.s32 @!p0 $0x1;
	_ =	shalt  }
.Lfunc_end2:
_tile_overlayer_lowered:
.L_overlay_start_2:
0x140: {  	(tag) =	ssettag $0x2  }
0x141: {  	s0 =	rddreg [dreg:$0x0];
	s2 =	stileid.u32  }
0x142: {  	s1 =	rddreg [dreg:$0x1];
	p0 =	sne.s32 s2, $0x0  }
0x143: {  	s3 =	rddreg [dreg:$0x2];
	[bflag:$0x3] =	sbarrier.arrive $0xFFFF;
	s2 =	simm.s32 @!p0 $0x1C01  }
0x144: {  	[timem:s3], [sflag:s2] =	dma.local @!p0 [hbm:s0], s1  }
0x145: {  	s0 =	simm.s32 @!p0 $0x1  }
0x146: {  	_ =	swait.ge @!p0 [sflag:s0], s1  }
0x147: {  	s1 =	ssub.s32 @!p0 $0x0, s1;
	[sflag:s0] =	ssyncset.done @!p0 $0x0  }
0x148: {  	[sflag:s0] =	ssyncadd.s32 @!p0 s1  }
0x149: {  	[bflag:$0x3] =	sbarrier.arrive $0xFFFF  }
0x14a: {  	_ =	shalt  }

// kernel: kernel.15.cloned.1.call-start
scs
__scs_entry_jumppad:
0x0: {  	(pc) =	sbr.rel $0x88, $3  }
0x1: {  	(tag) =	ssettag $0x0;
	lr =	simm.s32 $0x1  }
0x2: {  	[smem:$0x3F99] =	sst lr;
	_ =	strace $0xD0000000  }
0x3: {  	_ = 	snop  }
0x4: {  	_ = 	snop  }
0x5: {  	_ = 	snop  }
0x6: {  	_ = 	snop  }
0x7: {  	_ = 	snop  }
__scs_overlays_trampoline_lowered:
0x8: {  	[smem:$0x3FA8] =	sst s0  }
0x9: {  	[smem:$0x3FA9] =	sst s1  }
0xa: {  	[smem:$0x3FAA] =	sst s2  }
0xb: {  	[smem:$0x3FAB] =	sst s3  }
0xc: {  	[smem:$0x3FAC] =	sst s4  }
0xd: {  	[smem:$0x3FAD] =	sst s5  }
0xe: {  	[smem:$0x3FAE] =	sst s6  }
0xf: {  	[smem:$0x3FAF] =	sst s7  }
0x10: {  	[smem:$0x3FB0] =	sst s8  }
0x11: {  	[smem:$0x3FB1] =	sst s9;
	s0 =	simm.s32 @!p0 $0x0  }
0x12: {  	s1 =	sld [smem:$0x3F97];
	s0 =	simm.s32 @p0 $0x1  }
0x13: {  	[smem:$0x3FB2] =	sst s0;
	s0 =	simm.s32 @!p1 $0x0  }
0x14: {  	s2 =	sld [smem:$0x3F96];
	s0 =	simm.s32 @p1 $0x1  }
0x15: {  	[smem:$0x3FB3] =	sst s0;
	s0 =	simm.s32 @!p2 $0x0  }
0x16: {  	s3 =	sld [smem:$0x3FDB];
	s0 =	simm.s32 @p2 $0x1  }
0x17: {  	s4 =	simm.s32 $0x1BF5;
	[smem:$0x3FB5] =	sst s0  }
0x18: {  	s0 =	sld [smem:$0x3F98];
	_ =	swait.ge [sflag:s4], $0x0  }
0x19: {  	s7 =	sld [smem:$0x3F99]  }
0x1a: {  	s8 =	sadd.s32 $0xFFFFE003, lr  }
0x1b: {  	s9 =	sadd.s32 $0xFFFFFEF7, lr;
	s5 =	simm.s32 $0xFFFFFFFF;
	p2 =	slt.u32 s8, $0xFFFFF086  }
0x1c: {  	p1 =	slt.u32 s9, $0xF7A;
	s5 =	simm.s32 @!p2 $0x0  }
0x1d: {  	s5 =	simm.s32 @p1 $0x1;
	p0 =	seq.s32 s7, s2  }
0x1e: {  	s7 =	smul.u32 @!p0 $0xF7A, s2;
	p2 =	seq.s32 @!p0 s5, $0x0  }
0x1f: {  	s9 =	smul.u32 $0xF7A, s1;
	s8 =	simm.s32 @!p0 $0x1BF5;
	p2 =	por !p2, p0  }
0x20: {  	[sflag:s8] =	ssyncset.s32 @!p0 $0xFFFFF086;
	s6 =	sadd.s32 @!p0 s3, s7;
	s7 =	simm.s32 @!p0 $0x108  }
0x21: {  	s3 =	sadd.s32 s3, s9;
	s6 =	sadd.s32 @!p0 $0x88, s6;
	s7 =	simm.s32 @p2 $0x1082  }
0x22: {  	[simem:s7], [sflag:s8] =	dma.local @!p0 [hbm:s6], $0xF7A  }
0x23: {  	s9 =	sor.u32 $0xD0000000, s2;
	s6 =	simm.s32 $0x108;
	_ =	swait.ge @!p0 [sflag:s8], $0x0  }
0x24: {  	s3 =	sadd.s32 $0x88, s3;
	s6 =	simm.s32 @!p1 $0x1082;
	[sflag:s4] =	ssyncset.s32 $0xFFFFF086  }
0x25: {  	[simem:s6], [sflag:s4] =	dma.local [hbm:s3], $0xF7A  }
0x26: {  	[smem:$0x3F99] =	sst s1;
	(tag) =	ssettag s2;
	_ =	strace s9  }
0x27: {  	s1 =	sld [smem:$0x3FA9]  }
0x28: {  	s2 =	sld [smem:$0x3FAA]  }
0x29: {  	s4 =	sld [smem:$0x3FAC]  }
0x2a: {  	p0 =	seq.s32 s5, $0x0;
	s5 =	sld [smem:$0x3FAD]  }
0x2b: {  	s6 =	sld [smem:$0x3FAE]  }
0x2c: {  	s7 =	sld [smem:$0x3FAF]  }
0x2d: {  	s3 =	simm.s32 $0x108;
	s8 =	sld [smem:$0x3FB0]  }
0x2e: {  	s3 =	simm.s32 @!p0 $0x1082;
	s9 =	sld [smem:$0x3FB1]  }
0x2f: {  	lr =	sadd.s32 s0, s3;
	s0 =	sld [smem:$0x3FA8]  }
0x30: {  	s3 =	sld [smem:$0x3FAB]  }
0x31: {  	[smem:$0x3FB4] =	sst s10  }
0x32: {  	s10 =	sld [smem:$0x3FB2];
	_ =	sdelay $0x3  }
0x33: {  	p0 =	seq.s32 s10, $0x1;
	s10 =	sld [smem:$0x3FB4];
	_ =	sdelay $0x3  }
0x34: {  	[smem:$0x3FB4] =	sst s10  }
0x35: {  	s10 =	sld [smem:$0x3FB3];
	_ =	sdelay $0x3  }
0x36: {  	p1 =	seq.s32 s10, $0x1;
	s10 =	sld [smem:$0x3FB4];
	_ =	sdelay $0x3  }
0x37: {  	[smem:$0x3FB4] =	sst s10  }
0x38: {  	s10 =	sld [smem:$0x3FB5]  }
0x39: {  	_ = 	snop;
	(pc) =	sbr.ind lr, $3  }
0x3a: {  	_ = 	snop  }
0x3b: {  	_ = 	snop  }
0x3c: {  	p2 =	seq.s32 s10, $0x1;
	s10 =	sld [smem:$0x3FB4]  }
0x3d: {  	_ =	shalt  }
0x3e: {  	_ =	shalt  }
0x3f: {  	_ =	shalt  }
0x40: {  	_ =	shalt  }
0x41: {  	_ =	shalt  }
0x42: {  	_ =	shalt  }
0x43: {  	_ =	shalt  }
0x44: {  	_ =	shalt  }
0x45: {  	_ =	shalt  }
0x46: {  	_ =	shalt  }
0x47: {  	_ =	shalt  }
0x48: {  	_ =	shalt  }
0x49: {  	_ =	shalt  }
0x4a: {  	_ =	shalt  }
0x4b: {  	_ =	shalt  }
0x4c: {  	_ =	shalt  }
0x4d: {  	_ =	shalt  }
0x4e: {  	_ =	shalt  }
0x4f: {  	_ =	shalt  }
0x50: {  	_ =	shalt  }
0x51: {  	_ =	shalt  }
0x52: {  	_ =	shalt  }
0x53: {  	_ =	shalt  }
0x54: {  	_ =	shalt  }
0x55: {  	_ =	shalt  }
0x56: {  	_ =	shalt  }
0x57: {  	_ =	shalt  }
0x58: {  	_ =	shalt  }
0x59: {  	_ =	shalt  }
0x5a: {  	_ =	shalt  }
0x5b: {  	_ =	shalt  }
0x5c: {  	_ =	shalt  }
0x5d: {  	_ =	shalt  }
0x5e: {  	_ =	shalt  }
0x5f: {  	_ =	shalt  }
0x60: {  	_ =	shalt  }
0x61: {  	_ =	shalt  }
0x62: {  	_ =	shalt  }
0x63: {  	_ =	shalt  }
0x64: {  	_ =	shalt  }
0x65: {  	_ =	shalt  }
0x66: {  	_ =	shalt  }
0x67: {  	_ =	shalt  }
0x68: {  	_ =	shalt  }
0x69: {  	_ =	shalt  }
0x6a: {  	_ =	shalt  }
0x6b: {  	_ =	shalt  }
0x6c: {  	_ =	shalt  }
0x6d: {  	_ =	shalt  }
0x6e: {  	_ =	shalt  }
0x6f: {  	_ =	shalt  }
0x70: {  	_ =	shalt  }
0x71: {  	_ =	shalt  }
0x72: {  	_ =	shalt  }
0x73: {  	_ =	shalt  }
0x74: {  	_ =	shalt  }
0x75: {  	_ =	shalt  }
0x76: {  	_ =	shalt  }
0x77: {  	_ =	shalt  }
0x78: {  	_ =	shalt  }
0x79: {  	_ =	shalt  }
0x7a: {  	_ =	shalt  }
0x7b: {  	_ =	shalt  }
0x7c: {  	_ =	shalt  }
0x7d: {  	_ =	shalt  }
0x7e: {  	_ =	shalt  }
0x7f: {  	_ =	shalt  }
0x80: {  	_ =	shalt  }
0x81: {  	_ =	shalt  }
0x82: {  	_ =	shalt  }
0x83: {  	_ =	shalt  }
0x84: {  	_ =	shalt  }
0x85: {  	_ =	shalt  }
0x86: {  	_ =	shalt  }
0x87: {  	_ =	shalt  }
.Lfunc_end0:
.L_simem_size_0:
called_computation.2_lowered:
.L_overlay_start_0:
0x88: {  	s2 =	sld [smem:$0x3FD9]  }
0x89: {  	s3 =	sld [smem:$0x3FFE];
	_ =	sdelay $0x1  }
0x8a: {  	s1 =	srdreg.scid  }
0x8b: {  	s0 =	sand.u32 $0x1, s1  }
0x8c: {  	s17 =	sshll.u32 s0, $0xA;
	s2 =	sadd.s32 s3, s2  }
0x8d: {  	s2 =	sadd.s32 s2, s17  }
0x8e: {  	[smem:$0x3FC0] =	sst s2  }
0x8f: {  	_ = 	snop  }
0x90: {  	s2 =	sld [smem:$0x3FD0];
	(tm) =	ssettm $0x1  }
0x91: {  	s18 =	sld [smem:$0x3FFB];
	_ =	sdelay $0x3  }
0x92: {  	_ =	strace s18  }
0x93: {  	s3 =	sld [smem:$0x3FFC];
	_ =	sdelay $0x3  }
0x94: {  	_ =	strace s3  }
0x95: {  	s3 =	sld [smem:$0x3FFD];
	_ =	sdelay $0x3  }
0x96: {  	_ =	strace s3  }
0x97: {  	_ =	strace $0x8FFFFFFF  }
0x98: {  	s19 =	sld [smem:$0x3FDB];
	_ =	sdelay $0x1  }
0x99: {  	s4 =	simm.s32 $_scs_section_size  }
0x9a: {  	s5 =	simm.s32 $_size__tile_overlayer_lowered;
	s6 =	simm.s32 $_tile_overlayer_lowered  }
0x9b: {  	s22 =	simm.s32 $0x1BFF;
	s21 =	sshll.u32 s6, $0x1;
	s3 =	sadd.s32 s4, s19  }
0x9c: {  	s7 =	simm.s32 $0x0;
	s20 =	sshll.u32 s5, $0x1;
	s5 =	sadd.s32 s21, s3  }
0x9d: {  	[timem:s7], [sflag:s22] =	dma.local [hbm:s5], s20  }
0x9e: {  	_ =	swait.ge [sflag:s22], s20  }
0x9f: {  	s4 =	ssub.s32 $0x0, s20;
	[sflag:s22] =	ssyncset.done $0x0  }
0xa0: {  	[sflag:s22] =	ssyncadd.s32 s4;
	_ =	sdelay $0x1  }
0xa1: {  	s23 =	simm.s32 $0x1B8B  }
0xa2: {  	_ =	swait.ge [sflag:s23], $0x1  }
0xa3: {  	[sflag:s23] =	ssyncset.done $0x0  }
0xa4: {  	s25 =	simm.s32 $0x1B8E;
	s24 =	sld [smem:$0x3FFE];
	[sflag:s23] =	ssyncadd.s32 $0xFFFFFFFF  }
0xa5: {  	s26 =	simm.s32 $execute0_lowered;
	[smem:$0x3FD2] =	sst s25  }
0xa6: {  	s5 =	sshll.u32 s26, $0x1;
	_ =	strace $0x8000004C;
	[dreg:$0x1] =	wrdreg $0xFFFFFFFF  }
0xa7: {  	s28 =	simm.s32 $_size_execute0_lowered;
	s3 =	sadd.s32 s3, s5;
	[dreg:$0x0] =	wrdreg $0x0  }
0xa8: {  	s5 =	sshll.u32 s28, $0x1;
	[dreg:$0x2] =	wrdreg s3  }
0xa9: {  	[dreg:$0x3] =	wrdreg s5  }
0xaa: {  	[dreg:$0x4] =	wrdreg $0xC0  }
0xab: {  	_ =	task [dreg:s7], $0x5FFFF  }
0xac: {  	[dreg:$0x1] =	wrdreg $0xFFFFFFFF  }
0xad: {  	[dreg:$0x0] =	wrdreg $0x60  }
0xae: {  	[dreg:$0x2] =	wrdreg s2  }
0xaf: {  	[dreg:$0x3] =	wrdreg s24  }
0xb0: {  	[dreg:$0x4] =	wrdreg $0x90000  }
0xb1: {  	[dreg:$0x5] =	wrdreg $0x9  }
0xb2: {  	_ =	task.clear_ibuf [dreg:s7], $0x6FFFF;
	_ =	strace $0x9000004C  }
0xb3: {  	s29 =	simm.s32 $0x9;
	_ =	strace $0x8000004E  }
0xb4: {  	_ =	swait.ge [sflag:s29], $0x1  }
0xb5: {  	[sflag:s29] =	ssyncadd.s32 $0xFFFFFFFF  }
0xb6: {  	_ =	strace $0x9000004E  }
0xb7: {  	_ =	sfence  }
0xb8: {  	s30 =	sld [smem:$0x0];
	_ =	sdelay $0x2  }
0xb9: {  	s31 =	sshll.u32 s1, $0xD;
	s1 =	sshrl.u32 s1, $0x2  }
0xba: {  	s3 =	sand.u32 $0x4000, s31;
	s1 =	sadd.s32 s1, s30  }
0xbb: {  	s0 =	sor.u32 s3, s0;
	s1 =	sshll.u32 s1, $0x11  }
0xbc: {  	s0 =	sor.u32 s1, s0  }
0xbd: {  	s0 =	sadd.s32 $0x8F2B, s0  }
0xbe: {  	[sflag:s0] =	ssyncadd.remote.s32 $0x1  }
0xbf: {  	_ =	sfence.sel $0xFFFF  }
0xc0: {  	[dreg:$0x0] =	wrdreg $0xFFFFFFFF;
	(pc) =	sbr.abs _section_cstart, $3  }
0xc1: {  	[dreg:$0x1] =	wrdreg $0xFFFFFFFF  }
0xc2: {  	_ =	task.clear_ibuf [dreg:s7], $0x2FFFF;
	_ =	strace $0x9FFFFFFF  }
0xc3: {  	(tm) =	ssettm $0x7FFFFFFF  }
tec
execute0_lowered:
.L_overlay_start_1:
0x0: {  	(tag) =	ssettag $0x1  }
0x1: {  	s7 =	rddreg [dreg:$0x0]  }
0x2: {  	s5 =	rddreg [dreg:$0x1]  }
0x3: {  	s2 =	rddreg [dreg:$0x2];
	s3 =	simm.s32 $0x0  }
0x4: {  	s1 =	stileid.u32;
	s4 =	srdreg.scid;
	s28 =	simm.s32 $0x0  }
0x5: {  	[smem:$0x7FF] =	sst s3;
	s8 =	smul.u32 $0x500, s1;
	s6 =	sand.u32 $0x1, s4  }
0x6: {  	s11 =	smul.u32 $0x50000, s1;
	s4 =	sadd.s32 $0x13000, s5;
	s21 =	sadd.s32 $0x63000, s5  }
0x7: {  	s18 =	smul.u32 $0x280, s1;
	_ =	strace $0x8000004D;
	s10 =	ssub.s32 $0x2, s6  }
0x8: {  	s25 =	smul.u32 $0x2800, s6;
	s9 =	sadd.s32 s8, s5;
	s22 =	sshrl.u32 s10, $0x1  }
0x9: {  	s23 =	sshrl.u32 s11, $0x2;
	s7 =	sadd.s32 s7, s8;
	s14 =	sadd.s32 $0x80, s18  }
0xa: {  	s26 =	sadd.s32 $0x100, s18;
	s30 =	sadd.s32 $0x180, s18;
	s10 =	ssub.s32 s10, s22  }
0xb: {  	s5 =	sadd.s32 $0xE000, s9;
	s6 =	sadd.s32 s23, s2;
	s13 =	sadd.s32 s25, s18  }
0xc: {  	s15 =	sshll.u32 s14, $0x7;
	s16 =	sadd.s32 s25, s14;
	s17 =	sshll.u32 s26, $0x7  }
0xd: {  	s19 =	sadd.s32 s25, s26;
	s20 =	sshll.u32 s30, $0x7;
	s22 =	sadd.s32 $0x200, s18  }
0xe: {  	s26 =	simm.s32 $0x1;
	s8 =	smax.u32 s10, $0x1;
	s9 =	sadd.s32 $0x4000, s6  }
0xf: {  	s10 =	sadd.s32 $0x8000, s6;
	s11 =	sadd.s32 $0xC000, s6;
	s12 =	sadd.s32 $0x10000, s6  }
0x10: {  	s13 =	sshll.u32 s13, $0x4;
	s14 =	sadd.s32 s15, s2;
	s24 =	sshll.u32 s16, $0x4  }
0x11: {  	s16 =	sadd.s32 s17, s2;
	s29 =	sshll.u32 s19, $0x4;
	s18 =	sadd.s32 s20, s2  }
0x12: {  	s19 =	sadd.s32 s25, s30;
	s31 =	sadd.s32 s25, s22;
	s22 =	sshll.u32 s22, $0x7  }
0x13: {  	v0 =	vmov s25;
	s25 =	simm.s32 $0x80;
	s13 =	sadd.s32 s21, s13;
	s15 =	sadd.s32 s21, s24  }
0x14: {  	s17 =	sadd.s32 s21, s29;
	s19 =	sshll.u32 s19, $0x4;
	s23 =	sshll.u32 s31, $0x4  }
0x15: {  	s20 =	sadd.s32 s22, s2;
	s22 =	simm.s32 $0x2800;
	s24 =	simm.s32 $0x5000  }
0x16: {  	v1 =	vimm.f32 $0.0e+00;
	s19 =	sadd.s32 s21, s19;
	s21 =	sadd.s32 s21, s23;
	s23 =	simm.s32 $0x2  }
.LBB2_1:
0x17: {  	[tilespmem:s22], [sflag:$0x2] =	stream.linear.gather [hbm4b:s5+s3], $0x2800, $0x38;
	[tilespmem:$0x1D000] =	vst v63  }
0x18: {  	_ =	swait.ge [sflag:s23], $0x2800  }
0x19: {  	[sflag:s23] =	ssyncset.done $0x0  }
0x1a: {  	[sflag:s23] =	ssyncadd.s32 $0xFFFFD800  }
0x1b: {  	[tilespmem:s3], [sflag:$0x2] =	stream.linear.gather [hbm4b:s7+s3], $0x2800, $0x38;
	[tilespmem:$0x1D000] =	vst v63  }
0x1c: {  	_ =	swait.ge [sflag:s23], $0x2800  }
0x1d: {  	[sflag:s23] =	ssyncset.done $0x0  }
0x1e: {  	s29 =	simm.s32 $0x0;
	[sflag:s23] =	ssyncadd.s32 $0xFFFFD800  }
0x1f: {  	v4 =	vld [tilespmem:s29+$0x0]  }
0x20: {  	v6 =	vld [tilespmem:s29+$0x10]  }
0x21: {  	v5 =	vld [tilespmem:s29+$0x20]  }
0x22: {  	v3 =	vld [tilespmem:s29+$0x30]  }
0x23: {  	v2 =	vld [tilespmem:s29+$0x40]  }
0x24: {  	v7 =	vadd.s32 v0, v4;
	v4 =	vld [tilespmem:s29+$0x50]  }
0x25: {  	s30 =	simm.s32 $0x200;
	[tilespmem:s29+$0x0] =	vst v7;
	v7 =	vadd.s32 v0, v6;
	v6 =	vld [tilespmem:s29+$0x60]  }
.LBB2_2:
0x26: {  	s31 =	sshra.s32 s30, $0x2;
	p0 =	sne.s32 s30, $0x9E00;
	[tilespmem:s29+$0x10] =	vst v7;
	v5 =	vadd.s32 v0, v5;
	v7 =	vld [tilespmem:s29+$0x70]  }
0x27: {  	v8 =	vld [tilespmem:s31+$0x0];
	[tilespmem:s29+$0x20] =	vst v5;
	v3 =	vadd.s32 v0, v3  }
0x28: {  	v9 =	vld [tilespmem:s31+$0x10];
	[tilespmem:s29+$0x30] =	vst v3;
	v2 =	vadd.s32 v0, v2  }
.Ltmp0:
0x29: {  	v5 =	vld [tilespmem:s31+$0x20];
	[tilespmem:s29+$0x40] =	vst v2;
	v2 =	vadd.s32 v0, v4;
	(pc) =	sbr.rel @p0 .LBB2_2-.Ltmp0, $4  }
0x2a: {  	v3 =	vld [tilespmem:s31+$0x30];
	[tilespmem:s29+$0x50] =	vst v2;
	v4 =	vadd.s32 v0, v6  }
0x2b: {  	v2 =	vld [tilespmem:s31+$0x40];
	[tilespmem:s29+$0x60] =	vst v4;
	v6 =	vadd.s32 v0, v7  }
0x2c: {  	v7 =	vadd.s32 v0, v8;
	v4 =	vld [tilespmem:s31+$0x50];
	[tilespmem:s29+$0x70] =	vst v6;
	s29 =	smov.u32 s31  }
0x2d: {  	s30 =	sadd.s32 $0x200, s30;
	[tilespmem:s29+$0x0] =	vst v7;
	v7 =	vadd.s32 v0, v9;
	v6 =	vld [tilespmem:s29+$0x60]  }
0x2e: {  	[tilespmem:s29+$0x10] =	vst v7;
	v5 =	vadd.s32 v0, v5;
	v63 =	vld [tilespmem:s29+$0x70]  }
0x2f: {  	[tilespmem:s29+$0x20] =	vst v5;
	v3 =	vadd.s32 v0, v3  }
0x30: {  	[tilespmem:s29+$0x30] =	vst v3;
	v2 =	vadd.s32 v0, v2  }
0x31: {  	[tilespmem:s29+$0x40] =	vst v2;
	v2 =	vadd.s32 v0, v4  }
0x32: {  	[tilespmem:s29+$0x50] =	vst v2;
	v2 =	vadd.s32 v0, v6  }
0x33: {  	[tilespmem:s29+$0x60] =	vst v2;
	v2 =	vadd.s32 v0, v63  }
0x34: {  	s30 =	simm.s32 $0x200;
	[tilespmem:s29+$0x70] =	vst v2;
	s29 =	simm.s32 $0x0  }
.LBB2_4:
0x35: {  	p0 =	sne.s32 s30, $0xFE00;
	[tilespmem:s29+$0x5070] =	vst v1  }
0x36: {  	[tilespmem:s29+$0x5000] =	vst v1  }
0x37: {  	[tilespmem:s29+$0x5010] =	vst v1  }
.Ltmp1:
0x38: {  	[tilespmem:s29+$0x5020] =	vst v1;
	(pc) =	sbr.rel @p0 .LBB2_4-.Ltmp1, $4  }
0x39: {  	[tilespmem:s29+$0x5030] =	vst v1  }
0x3a: {  	[tilespmem:s29+$0x5040] =	vst v1  }
0x3b: {  	[tilespmem:s29+$0x5050] =	vst v1  }
0x3c: {  	[tilespmem:s29+$0x5060] =	vst v1;
	s29 =	sshra.s32 s30, $0x2;
	s30 =	sadd.s32 $0x200, s30  }
0x3d: {  	[tilespmem:s29+$0x5070] =	vst v1  }
0x3e: {  	[tilespmem:s29+$0x5000] =	vst v1  }
0x3f: {  	[tilespmem:s29+$0x5010] =	vst v1  }
0x40: {  	[tilespmem:s29+$0x5020] =	vst v1  }
0x41: {  	[tilespmem:s29+$0x5030] =	vst v1  }
0x42: {  	[tilespmem:s29+$0x5040] =	vst v1  }
0x43: {  	[tilespmem:s29+$0x5050] =	vst v1  }
0x44: {  	[tilespmem:s29+$0x5060] =	vst v1  }
0x45: {  	[spmem:s6] =	stream.linear.scatter [tilespmem:s24], [sflag:$0x2], $0x4000, $0x38;
	[tilespmem:$0x1D000] =	vst v63  }
0x46: {  	_ =	swait.ge [sflag:s23], $0x4000  }
0x47: {  	[sflag:s23] =	ssyncset.done $0x0  }
0x48: {  	[sflag:s23] =	ssyncadd.s32 $0xFFFFC000  }
0x49: {  	[spmem:s9] =	stream.linear.scatter [tilespmem:s24], [sflag:$0x2], $0x4000, $0x38;
	[tilespmem:$0x1D000] =	vst v63  }
0x4a: {  	_ =	swait.ge [sflag:s23], $0x4000  }
0x4b: {  	[sflag:s23] =	ssyncset.done $0x0  }
0x4c: {  	[sflag:s23] =	ssyncadd.s32 $0xFFFFC000  }
0x4d: {  	[spmem:s10] =	stream.linear.scatter [tilespmem:s24], [sflag:$0x2], $0x4000, $0x38;
	[tilespmem:$0x1D000] =	vst v63  }
0x4e: {  	_ =	swait.ge [sflag:s23], $0x4000  }
0x4f: {  	[sflag:s23] =	ssyncset.done $0x0  }
0x50: {  	[sflag:s23] =	ssyncadd.s32 $0xFFFFC000  }
0x51: {  	[spmem:s11] =	stream.linear.scatter [tilespmem:s24], [sflag:$0x2], $0x4000, $0x38;
	[tilespmem:$0x1D000] =	vst v63  }
0x52: {  	_ =	swait.ge [sflag:s23], $0x4000  }
0x53: {  	[sflag:s23] =	ssyncset.done $0x0  }
0x54: {  	[sflag:s23] =	ssyncadd.s32 $0xFFFFC000  }
0x55: {  	[spmem:s12] =	stream.linear.scatter [tilespmem:s24], [sflag:$0x2], $0x4000, $0x38;
	[tilespmem:$0x1D000] =	vst v63  }
0x56: {  	_ =	swait.ge [sflag:s23], $0x4000  }
0x57: {  	[sflag:s23] =	ssyncset.done $0x0  }
0x58: {  	[sflag:s23] =	ssyncadd.s32 $0xFFFFC000  }
0x59: {  	s29 =	simm.s32 $0x0;
	[bflag:$0x0] =	sbarrier.arrive $0xFFFF  }
0x5a: {  	[tilespmem:s24], [sflag:$0x1] =	stream.indirect.gather [hbm4b:s4+s25], $0x80, s29, s25, $0xb8;
	[tilespmem:$0x1D000] =	vst v63  }
0x5b: {  	_ =	swait.ge [sflag:s26], $0x4000  }
0x5c: {  	[sflag:s26] =	ssyncset.done $0x0  }
0x5d: {  	s29 =	simm.s32 $0x2800;
	[sflag:s26] =	ssyncadd.s32 $0xFFFFC000  }
0x5e: {  	[spmem:s2] =	stream.indirect.scatter.add.f32 [tilespmem:s24], [sflag:$0x2], $0x80, s29, s25, $0xb8;
	[tilespmem:$0x1D000] =	vst v63  }
0x5f: {  	_ =	swait.ge [sflag:s23], $0x4000  }
0x60: {  	s30 =	simm.s32 $0x400;
	s29 =	simm.s32 $0x200;
	[sflag:s23] =	ssyncset.done $0x0  }
.LBB2_6:
0x61: {  	s31 =	sshra.s32 s29, $0x2  }
0x62: {  	[sflag:s23] =	ssyncadd.s32 $0xFFFFC000;
	s29 =	smov.u32 s30;
	s0 =	sadd.s32 $0x200, s30  }
0x63: {  	[tilespmem:s24], [sflag:$0x1] =	stream.indirect.gather [hbm4b:s4+s25], $0x80, s31, s25, $0xb8;
	[tilespmem:$0x1D000] =	vst v63  }
0x64: {  	p0 =	sne.s32 s30, $0x9E00;
	_ =	swait.ge [sflag:s26], $0x4000  }
.Ltmp2:
0x65: {  	[sflag:s26] =	ssyncset.done $0x0;
	(pc) =	sbr.rel @p0 .LBB2_6-.Ltmp2, $4  }
0x66: {  	s30 =	sadd.s32 $0x2800, s31;
	[sflag:s26] =	ssyncadd.s32 $0xFFFFC000  }
0x67: {  	[spmem:s2] =	stream.indirect.scatter.add.f32 [tilespmem:s24], [sflag:$0x2], $0x80, s30, s25, $0xb8;
	[tilespmem:$0x1D000] =	vst v63  }
0x68: {  	_ =	swait.ge [sflag:s23], $0x4000  }
0x69: {  	s30 =	smov.u32 s0;
	[sflag:s23] =	ssyncset.done $0x0  }
0x6a: {  	s0 =	sshra.s32 s29, $0x2;
	[sflag:s23] =	ssyncadd.s32 $0xFFFFC000  }
0x6b: {  	[tilespmem:s24], [sflag:$0x1] =	stream.indirect.gather [hbm4b:s4+s25], $0x80, s0, s25, $0xb8;
	[tilespmem:$0x1D000] =	vst v63  }
0x6c: {  	_ =	swait.ge [sflag:s26], $0x4000  }
0x6d: {  	[sflag:s26] =	ssyncset.done $0x0  }
0x6e: {  	s0 =	sadd.s32 $0x2800, s0;
	[sflag:s26] =	ssyncadd.s32 $0xFFFFC000  }
0x6f: {  	[spmem:s2] =	stream.indirect.scatter.add.f32 [tilespmem:s24], [sflag:$0x2], $0x80, s0, s25, $0xb8;
	[tilespmem:$0x1D000] =	vst v63  }
0x70: {  	_ =	swait.ge [sflag:s23], $0x4000  }
0x71: {  	[sflag:s23] =	ssyncset.done $0x0  }
0x72: {  	[sflag:s23] =	ssyncadd.s32 $0xFFFFC000  }
0x73: {  	[bflag:$0x0] =	sbarrier.arrive $0xFFFF  }
0x74: {  	[tilespmem:s24], [sflag:$0x2] =	stream.linear.gather [spmem:s6], $0x4000, $0x38;
	[tilespmem:$0x1D000] =	vst v63  }
0x75: {  	_ =	swait.ge [sflag:s23], $0x4000  }
0x76: {  	[sflag:s23] =	ssyncset.done $0x0  }
0x77: {  	[sflag:s23] =	ssyncadd.s32 $0xFFFFC000  }
0x78: {  	[hbm4b:s13+s3] =	stream.linear.scatter [tilespmem:s24], [sflag:$0x2], $0x4000, $0x38;
	[tilespmem:$0x1D000] =	vst v63  }
0x79: {  	_ =	swait.ge [sflag:s23], $0x4000  }
0x7a: {  	[sflag:s23] =	ssyncset.done $0x0  }
0x7b: {  	[sflag:s23] =	ssyncadd.s32 $0xFFFFC000  }
0x7c: {  	[tilespmem:s24], [sflag:$0x2] =	stream.linear.gather [spmem:s14], $0x4000, $0x38;
	[tilespmem:$0x1D000] =	vst v63  }
0x7d: {  	_ =	swait.ge [sflag:s23], $0x4000  }
0x7e: {  	[sflag:s23] =	ssyncset.done $0x0  }
0x7f: {  	[sflag:s23] =	ssyncadd.s32 $0xFFFFC000  }
0x80: {  	[hbm4b:s15+s3] =	stream.linear.scatter [tilespmem:s24], [sflag:$0x2], $0x4000, $0x38;
	[tilespmem:$0x1D000] =	vst v63  }
0x81: {  	_ =	swait.ge [sflag:s23], $0x4000  }
0x82: {  	[sflag:s23] =	ssyncset.done $0x0  }
0x83: {  	[sflag:s23] =	ssyncadd.s32 $0xFFFFC000  }
0x84: {  	[tilespmem:s24], [sflag:$0x2] =	stream.linear.gather [spmem:s16], $0x4000, $0x38;
	[tilespmem:$0x1D000] =	vst v63  }
0x85: {  	_ =	swait.ge [sflag:s23], $0x4000  }
0x86: {  	[sflag:s23] =	ssyncset.done $0x0  }
0x87: {  	[sflag:s23] =	ssyncadd.s32 $0xFFFFC000  }
0x88: {  	[hbm4b:s17+s3] =	stream.linear.scatter [tilespmem:s24], [sflag:$0x2], $0x4000, $0x38;
	[tilespmem:$0x1D000] =	vst v63  }
0x89: {  	_ =	swait.ge [sflag:s23], $0x4000  }
0x8a: {  	[sflag:s23] =	ssyncset.done $0x0  }
0x8b: {  	[sflag:s23] =	ssyncadd.s32 $0xFFFFC000  }
0x8c: {  	[tilespmem:s24], [sflag:$0x2] =	stream.linear.gather [spmem:s18], $0x4000, $0x38;
	[tilespmem:$0x1D000] =	vst v63  }
0x8d: {  	_ =	swait.ge [sflag:s23], $0x4000  }
0x8e: {  	[sflag:s23] =	ssyncset.done $0x0  }
0x8f: {  	[sflag:s23] =	ssyncadd.s32 $0xFFFFC000  }
0x90: {  	[hbm4b:s19+s3] =	stream.linear.scatter [tilespmem:s24], [sflag:$0x2], $0x4000, $0x38;
	[tilespmem:$0x1D000] =	vst v63  }
0x91: {  	_ =	swait.ge [sflag:s23], $0x4000  }
0x92: {  	[sflag:s23] =	ssyncset.done $0x0  }
0x93: {  	[sflag:s23] =	ssyncadd.s32 $0xFFFFC000  }
0x94: {  	[tilespmem:s24], [sflag:$0x2] =	stream.linear.gather [spmem:s20], $0x4000, $0x38;
	[tilespmem:$0x1D000] =	vst v63  }
0x95: {  	s28 =	sadd.s32 $0x1, s28;
	_ =	swait.ge [sflag:s23], $0x4000  }
0x96: {  	p0 =	sne.s32 s28, s8;
	[sflag:s23] =	ssyncset.done $0x0  }
.Ltmp3:
0x97: {  	[sflag:s23] =	ssyncadd.s32 $0xFFFFC000;
	(pc) =	sbr.rel @p0 .LBB2_1-.Ltmp3, $4  }
0x98: {  	[hbm4b:s21+s3] =	stream.linear.scatter [tilespmem:s24], [sflag:$0x2], $0x4000, $0x38;
	[tilespmem:$0x1D000] =	vst v63  }
0x99: {  	_ =	swait.ge [sflag:s23], $0x4000  }
0x9a: {  	[sflag:s23] =	ssyncset.done $0x0  }
0x9b: {  	[sflag:s23] =	ssyncadd.s32 $0xFFFFC000  }
0x9c: {  	_ =	sfence.sel $0x180000  }
0x9d: {  	[bflag:$0x0] =	sbarrier.arrive $0xFFFF  }
0x9e: {  	_ =	strace $0x9000004D  }
0x9f: {  	[bflag:$0x2] =	sbarrier.arrive $0xFFFF  }
0xa0: {  	p0 =	sne.s32 s1, $0x0;
	s0 =	rddreg [dreg:$0x3]  }
0xa1: {  	s0 =	sadd.s32 @!p0 $0x100000, s0  }
0xa2: {  	[sflag:s0] =	ssyncadd.tile.s32 @!p0 $0x1;
	_ =	shalt  }
.Lfunc_end2:
_tile_overlayer_lowered:
.L_overlay_start_2:
0xa3: {  	(tag) =	ssettag $0x2  }
0xa4: {  	s0 =	rddreg [dreg:$0x0];
	s2 =	stileid.u32  }
0xa5: {  	s1 =	rddreg [dreg:$0x1];
	p0 =	sne.s32 s2, $0x0  }
0xa6: {  	s3 =	rddreg [dreg:$0x2];
	[bflag:$0x3] =	sbarrier.arrive $0xFFFF;
	s2 =	simm.s32 @!p0 $0x1C02  }
0xa7: {  	[timem:s3], [sflag:s2] =	dma.local @!p0 [hbm:s0], s1  }
0xa8: {  	s0 =	simm.s32 @!p0 $0x2  }
0xa9: {  	_ =	swait.ge @!p0 [sflag:s0], s1  }
0xaa: {  	s1 =	ssub.s32 @!p0 $0x0, s1;
	[sflag:s0] =	ssyncset.done @!p0 $0x0  }
0xab: {  	[sflag:s0] =	ssyncadd.s32 @!p0 s1  }
0xac: {  	[bflag:$0x3] =	sbarrier.arrive $0xFFFF  }
0xad: {  	_ =	shalt  }

// kernel: kernel.18.cloned.1.call-start
scs
__scs_entry_jumppad:
0x0: {  	(pc) =	sbr.rel $0x88, $3  }
0x1: {  	(tag) =	ssettag $0x0;
	lr =	simm.s32 $0x1  }
0x2: {  	[smem:$0x3F99] =	sst lr;
	_ =	strace $0xD0000000  }
0x3: {  	_ = 	snop  }
0x4: {  	_ = 	snop  }
0x5: {  	_ = 	snop  }
0x6: {  	_ = 	snop  }
0x7: {  	_ = 	snop  }
__scs_overlays_trampoline_lowered:
0x8: {  	[smem:$0x3FA8] =	sst s0  }
0x9: {  	[smem:$0x3FA9] =	sst s1  }
0xa: {  	[smem:$0x3FAA] =	sst s2  }
0xb: {  	[smem:$0x3FAB] =	sst s3  }
0xc: {  	[smem:$0x3FAC] =	sst s4  }
0xd: {  	[smem:$0x3FAD] =	sst s5  }
0xe: {  	[smem:$0x3FAE] =	sst s6  }
0xf: {  	[smem:$0x3FAF] =	sst s7  }
0x10: {  	[smem:$0x3FB0] =	sst s8  }
0x11: {  	[smem:$0x3FB1] =	sst s9;
	s0 =	simm.s32 @!p0 $0x0  }
0x12: {  	s1 =	sld [smem:$0x3F97];
	s0 =	simm.s32 @p0 $0x1  }
0x13: {  	[smem:$0x3FB2] =	sst s0;
	s0 =	simm.s32 @!p1 $0x0  }
0x14: {  	s2 =	sld [smem:$0x3F96];
	s0 =	simm.s32 @p1 $0x1  }
0x15: {  	[smem:$0x3FB3] =	sst s0;
	s0 =	simm.s32 @!p2 $0x0  }
0x16: {  	s3 =	sld [smem:$0x3FDB];
	s0 =	simm.s32 @p2 $0x1  }
0x17: {  	s4 =	simm.s32 $0x1BF5;
	[smem:$0x3FB5] =	sst s0  }
0x18: {  	s0 =	sld [smem:$0x3F98];
	_ =	swait.ge [sflag:s4], $0x0  }
0x19: {  	s7 =	sld [smem:$0x3F99]  }
0x1a: {  	s8 =	sadd.s32 $0xFFFFE003, lr  }
0x1b: {  	s9 =	sadd.s32 $0xFFFFFEF7, lr;
	s5 =	simm.s32 $0xFFFFFFFF;
	p2 =	slt.u32 s8, $0xFFFFF086  }
0x1c: {  	p1 =	slt.u32 s9, $0xF7A;
	s5 =	simm.s32 @!p2 $0x0  }
0x1d: {  	s5 =	simm.s32 @p1 $0x1;
	p0 =	seq.s32 s7, s2  }
0x1e: {  	s7 =	smul.u32 @!p0 $0xF7A, s2;
	p2 =	seq.s32 @!p0 s5, $0x0  }
0x1f: {  	s9 =	smul.u32 $0xF7A, s1;
	s8 =	simm.s32 @!p0 $0x1BF5;
	p2 =	por !p2, p0  }
0x20: {  	[sflag:s8] =	ssyncset.s32 @!p0 $0xFFFFF086;
	s6 =	sadd.s32 @!p0 s3, s7;
	s7 =	simm.s32 @!p0 $0x108  }
0x21: {  	s3 =	sadd.s32 s3, s9;
	s6 =	sadd.s32 @!p0 $0x88, s6;
	s7 =	simm.s32 @p2 $0x1082  }
0x22: {  	[simem:s7], [sflag:s8] =	dma.local @!p0 [hbm:s6], $0xF7A  }
0x23: {  	s9 =	sor.u32 $0xD0000000, s2;
	s6 =	simm.s32 $0x108;
	_ =	swait.ge @!p0 [sflag:s8], $0x0  }
0x24: {  	s3 =	sadd.s32 $0x88, s3;
	s6 =	simm.s32 @!p1 $0x1082;
	[sflag:s4] =	ssyncset.s32 $0xFFFFF086  }
0x25: {  	[simem:s6], [sflag:s4] =	dma.local [hbm:s3], $0xF7A  }
0x26: {  	[smem:$0x3F99] =	sst s1;
	(tag) =	ssettag s2;
	_ =	strace s9  }
0x27: {  	s1 =	sld [smem:$0x3FA9]  }
0x28: {  	s2 =	sld [smem:$0x3FAA]  }
0x29: {  	s4 =	sld [smem:$0x3FAC]  }
0x2a: {  	p0 =	seq.s32 s5, $0x0;
	s5 =	sld [smem:$0x3FAD]  }
0x2b: {  	s6 =	sld [smem:$0x3FAE]  }
0x2c: {  	s7 =	sld [smem:$0x3FAF]  }
0x2d: {  	s3 =	simm.s32 $0x108;
	s8 =	sld [smem:$0x3FB0]  }
0x2e: {  	s3 =	simm.s32 @!p0 $0x1082;
	s9 =	sld [smem:$0x3FB1]  }
0x2f: {  	lr =	sadd.s32 s0, s3;
	s0 =	sld [smem:$0x3FA8]  }
0x30: {  	s3 =	sld [smem:$0x3FAB]  }
0x31: {  	[smem:$0x3FB4] =	sst s10  }
0x32: {  	s10 =	sld [smem:$0x3FB2];
	_ =	sdelay $0x3  }
0x33: {  	p0 =	seq.s32 s10, $0x1;
	s10 =	sld [smem:$0x3FB4];
	_ =	sdelay $0x3  }
0x34: {  	[smem:$0x3FB4] =	sst s10  }
0x35: {  	s10 =	sld [smem:$0x3FB3];
	_ =	sdelay $0x3  }
0x36: {  	p1 =	seq.s32 s10, $0x1;
	s10 =	sld [smem:$0x3FB4];
	_ =	sdelay $0x3  }
0x37: {  	[smem:$0x3FB4] =	sst s10  }
0x38: {  	s10 =	sld [smem:$0x3FB5]  }
0x39: {  	_ = 	snop;
	(pc) =	sbr.ind lr, $3  }
0x3a: {  	_ = 	snop  }
0x3b: {  	_ = 	snop  }
0x3c: {  	p2 =	seq.s32 s10, $0x1;
	s10 =	sld [smem:$0x3FB4]  }
0x3d: {  	_ =	shalt  }
0x3e: {  	_ =	shalt  }
0x3f: {  	_ =	shalt  }
0x40: {  	_ =	shalt  }
0x41: {  	_ =	shalt  }
0x42: {  	_ =	shalt  }
0x43: {  	_ =	shalt  }
0x44: {  	_ =	shalt  }
0x45: {  	_ =	shalt  }
0x46: {  	_ =	shalt  }
0x47: {  	_ =	shalt  }
0x48: {  	_ =	shalt  }
0x49: {  	_ =	shalt  }
0x4a: {  	_ =	shalt  }
0x4b: {  	_ =	shalt  }
0x4c: {  	_ =	shalt  }
0x4d: {  	_ =	shalt  }
0x4e: {  	_ =	shalt  }
0x4f: {  	_ =	shalt  }
0x50: {  	_ =	shalt  }
0x51: {  	_ =	shalt  }
0x52: {  	_ =	shalt  }
0x53: {  	_ =	shalt  }
0x54: {  	_ =	shalt  }
0x55: {  	_ =	shalt  }
0x56: {  	_ =	shalt  }
0x57: {  	_ =	shalt  }
0x58: {  	_ =	shalt  }
0x59: {  	_ =	shalt  }
0x5a: {  	_ =	shalt  }
0x5b: {  	_ =	shalt  }
0x5c: {  	_ =	shalt  }
0x5d: {  	_ =	shalt  }
0x5e: {  	_ =	shalt  }
0x5f: {  	_ =	shalt  }
0x60: {  	_ =	shalt  }
0x61: {  	_ =	shalt  }
0x62: {  	_ =	shalt  }
0x63: {  	_ =	shalt  }
0x64: {  	_ =	shalt  }
0x65: {  	_ =	shalt  }
0x66: {  	_ =	shalt  }
0x67: {  	_ =	shalt  }
0x68: {  	_ =	shalt  }
0x69: {  	_ =	shalt  }
0x6a: {  	_ =	shalt  }
0x6b: {  	_ =	shalt  }
0x6c: {  	_ =	shalt  }
0x6d: {  	_ =	shalt  }
0x6e: {  	_ =	shalt  }
0x6f: {  	_ =	shalt  }
0x70: {  	_ =	shalt  }
0x71: {  	_ =	shalt  }
0x72: {  	_ =	shalt  }
0x73: {  	_ =	shalt  }
0x74: {  	_ =	shalt  }
0x75: {  	_ =	shalt  }
0x76: {  	_ =	shalt  }
0x77: {  	_ =	shalt  }
0x78: {  	_ =	shalt  }
0x79: {  	_ =	shalt  }
0x7a: {  	_ =	shalt  }
0x7b: {  	_ =	shalt  }
0x7c: {  	_ =	shalt  }
0x7d: {  	_ =	shalt  }
0x7e: {  	_ =	shalt  }
0x7f: {  	_ =	shalt  }
0x80: {  	_ =	shalt  }
0x81: {  	_ =	shalt  }
0x82: {  	_ =	shalt  }
0x83: {  	_ =	shalt  }
0x84: {  	_ =	shalt  }
0x85: {  	_ =	shalt  }
0x86: {  	_ =	shalt  }
0x87: {  	_ =	shalt  }
.Lfunc_end0:
.L_simem_size_0:
called_computation.3_lowered:
.L_overlay_start_0:
0x88: {  	s2 =	sld [smem:$0x3FD9]  }
0x89: {  	s3 =	sld [smem:$0x3FFE];
	_ =	sdelay $0x1  }
0x8a: {  	s1 =	srdreg.scid  }
0x8b: {  	s0 =	sand.u32 $0x1, s1  }
0x8c: {  	s17 =	sshll.u32 s0, $0xA;
	s2 =	sadd.s32 s3, s2  }
0x8d: {  	s2 =	sadd.s32 s2, s17  }
0x8e: {  	[smem:$0x3FC0] =	sst s2  }
0x8f: {  	_ = 	snop  }
0x90: {  	s2 =	sld [smem:$0x3FD0];
	(tm) =	ssettm $0x1  }
0x91: {  	s18 =	sld [smem:$0x3FFB];
	_ =	sdelay $0x3  }
0x92: {  	_ =	strace s18  }
0x93: {  	s3 =	sld [smem:$0x3FFC];
	_ =	sdelay $0x3  }
0x94: {  	_ =	strace s3  }
0x95: {  	s3 =	sld [smem:$0x3FFD];
	_ =	sdelay $0x3  }
0x96: {  	_ =	strace s3  }
0x97: {  	_ =	strace $0x8FFFFFFF  }
0x98: {  	s19 =	sld [smem:$0x3FDB];
	_ =	sdelay $0x1  }
0x99: {  	s4 =	simm.s32 $_scs_section_size  }
0x9a: {  	s5 =	simm.s32 $_size__tile_overlayer_lowered;
	s6 =	simm.s32 $_tile_overlayer_lowered  }
0x9b: {  	s22 =	simm.s32 $0x1BFF;
	s21 =	sshll.u32 s6, $0x1;
	s3 =	sadd.s32 s4, s19  }
0x9c: {  	s7 =	simm.s32 $0x0;
	s20 =	sshll.u32 s5, $0x1;
	s5 =	sadd.s32 s21, s3  }
0x9d: {  	[timem:s7], [sflag:s22] =	dma.local [hbm:s5], s20  }
0x9e: {  	_ =	swait.ge [sflag:s22], s20  }
0x9f: {  	s4 =	ssub.s32 $0x0, s20;
	[sflag:s22] =	ssyncset.done $0x0  }
0xa0: {  	[sflag:s22] =	ssyncadd.s32 s4;
	_ =	sdelay $0x1  }
0xa1: {  	s23 =	simm.s32 $0x1B8B  }
0xa2: {  	_ =	swait.ge [sflag:s23], $0x1  }
0xa3: {  	[sflag:s23] =	ssyncset.done $0x0  }
0xa4: {  	s25 =	simm.s32 $0x1B8E;
	s24 =	sld [smem:$0x3FFE];
	[sflag:s23] =	ssyncadd.s32 $0xFFFFFFFF  }
0xa5: {  	s26 =	simm.s32 $execute0_lowered;
	[smem:$0x3FD2] =	sst s25  }
0xa6: {  	s5 =	sshll.u32 s26, $0x1;
	_ =	strace $0x8000004F;
	[dreg:$0x1] =	wrdreg $0xFFFFFFFF  }
0xa7: {  	s28 =	simm.s32 $_size_execute0_lowered;
	s3 =	sadd.s32 s3, s5;
	[dreg:$0x0] =	wrdreg $0x0  }
0xa8: {  	s5 =	sshll.u32 s28, $0x1;
	[dreg:$0x2] =	wrdreg s3  }
0xa9: {  	[dreg:$0x3] =	wrdreg s5  }
0xaa: {  	[dreg:$0x4] =	wrdreg $0xC0  }
0xab: {  	_ =	task [dreg:s7], $0x5FFFF  }
0xac: {  	[dreg:$0x1] =	wrdreg $0xFFFFFFFF  }
0xad: {  	[dreg:$0x0] =	wrdreg $0x60  }
0xae: {  	[dreg:$0x2] =	wrdreg s2  }
0xaf: {  	[dreg:$0x3] =	wrdreg s24  }
0xb0: {  	[dreg:$0x4] =	wrdreg $0x90000  }
0xb1: {  	[dreg:$0x5] =	wrdreg $0x9  }
0xb2: {  	_ =	task.clear_ibuf [dreg:s7], $0x6FFFF;
	_ =	strace $0x9000004F  }
0xb3: {  	s29 =	simm.s32 $0x9;
	_ =	strace $0x80000051  }
0xb4: {  	_ =	swait.ge [sflag:s29], $0x1  }
0xb5: {  	[sflag:s29] =	ssyncadd.s32 $0xFFFFFFFF  }
0xb6: {  	_ =	strace $0x90000051  }
0xb7: {  	_ =	sfence  }
0xb8: {  	s30 =	sld [smem:$0x0];
	_ =	sdelay $0x2  }
0xb9: {  	s31 =	sshll.u32 s1, $0xD;
	s1 =	sshrl.u32 s1, $0x2  }
0xba: {  	s3 =	sand.u32 $0x4000, s31;
	s1 =	sadd.s32 s1, s30  }
0xbb: {  	s0 =	sor.u32 s3, s0;
	s1 =	sshll.u32 s1, $0x11  }
0xbc: {  	s0 =	sor.u32 s1, s0  }
0xbd: {  	s0 =	sadd.s32 $0x8F2B, s0  }
0xbe: {  	[sflag:s0] =	ssyncadd.remote.s32 $0x1  }
0xbf: {  	_ =	sfence.sel $0xFFFF  }
0xc0: {  	[dreg:$0x0] =	wrdreg $0xFFFFFFFF;
	(pc) =	sbr.abs _section_cstart, $3  }
0xc1: {  	[dreg:$0x1] =	wrdreg $0xFFFFFFFF  }
0xc2: {  	_ =	task.clear_ibuf [dreg:s7], $0x2FFFF;
	_ =	strace $0x9FFFFFFF  }
0xc3: {  	(tm) =	ssettm $0x7FFFFFFF  }
tec
execute0_lowered:
.L_overlay_start_1:
0x0: {  	(tag) =	ssettag $0x1  }
0x1: {  	s1 =	rddreg [dreg:$0x0]  }
0x2: {  	s5 =	rddreg [dreg:$0x1]  }
0x3: {  	s2 =	rddreg [dreg:$0x2];
	s11 =	stileid.u32  }
0x4: {  	s3 =	simm.s32 $0x0;
	s0 =	srdreg.scid;
	s6 =	smul.u32 $0x500, s11  }
0x5: {  	s29 =	simm.s32 $0x2;
	s30 =	simm.s32 $0x5000;
	s9 =	smul.u32 $0x50000, s11  }
0x6: {  	[smem:$0x7FF] =	sst s3;
	s4 =	sand.u32 $0x1, s0;
	s13 =	smul.u32 $0x280, s11  }
0x7: {  	s31 =	simm.s32 $0x80;
	_ =	strace $0x80000050;
	s0 =	smul.u32 $0x5000, s4  }
0x8: {  	s8 =	ssub.s32 $0x2, s4;
	s4 =	sadd.s32 $0x13000, s5;
	s7 =	sadd.s32 s6, s5  }
0x9: {  	s10 =	sshrl.u32 s8, $0x1;
	s5 =	sadd.s32 $0xB3000, s5;
	s6 =	sadd.s32 s1, s6  }
0xa: {  	s16 =	sshrl.u32 s9, $0x2;
	s19 =	sadd.s32 $0x80, s13;
	s21 =	sadd.s32 $0x100, s13  }
0xb: {  	s8 =	ssub.s32 s8, s10;
	s7 =	sadd.s32 $0xE000, s7;
	s17 =	sadd.s32 s0, s13  }
0xc: {  	s1 =	sadd.s32 $0x2800, s0;
	s20 =	sshll.u32 s19, $0x7;
	s22 =	sadd.s32 s0, s19  }
0xd: {  	s23 =	sadd.s32 s0, s21;
	s26 =	sshll.u32 s21, $0x7;
	[dreg:$0x4] =	wrdreg s7  }
0xe: {  	s7 =	sadd.s32 s16, s2;
	s9 =	sshll.u32 s17, $0x4;
	s8 =	smax.u32 s8, $0x1  }
0xf: {  	s10 =	sshll.u32 s22, $0x4;
	s22 =	sadd.s32 $0x180, s13;
	s11 =	sshll.u32 s23, $0x4  }
0x10: {  	s23 =	sadd.s32 $0x200, s13;
	s13 =	sadd.s32 s1, s13;
	s24 =	sadd.s32 s1, s21  }
0x11: {  	s20 =	sadd.s32 s20, s2;
	s21 =	sadd.s32 s26, s2;
	[dreg:$0x5] =	wrdreg s8  }
0x12: {  	s18 =	sadd.s32 s5, s9;
	s10 =	sadd.s32 s5, s10;
	s12 =	sadd.s32 s0, s22  }
0x13: {  	s11 =	sadd.s32 s5, s11;
	s14 =	sadd.s32 s0, s23;
	s15 =	sshll.u32 s13, $0x4  }
0x14: {  	s8 =	sadd.s32 s1, s19;
	s16 =	sadd.s32 s1, s22;
	s19 =	sadd.s32 $0x4000, s7  }
0x15: {  	v0 =	vmov s0;
	s28 =	sshll.u32 s22, $0x7;
	s26 =	sadd.s32 $0x10000, s7;
	s0 =	simm.s32 $0x1  }
0x16: {  	[dreg:$0x6] =	wrdreg s18;
	s12 =	sshll.u32 s12, $0x4;
	s14 =	sshll.u32 s14, $0x4  }
0x17: {  	s8 =	sshll.u32 s8, $0x4;
	s17 =	sshll.u32 s16, $0x4;
	s18 =	sadd.s32 s1, s23  }
0x18: {  	v1 =	vmov s1;
	s23 =	sshll.u32 s23, $0x7;
	s22 =	sadd.s32 s28, s2;
	s1 =	simm.s32 $0x0  }
0x19: {  	s12 =	sadd.s32 s5, s12;
	s13 =	sadd.s32 s5, s14;
	s14 =	sadd.s32 s5, s15  }
0x1a: {  	s15 =	sadd.s32 s5, s8;
	s8 =	sshll.u32 s24, $0x4;
	s17 =	sadd.s32 s5, s17  }
0x1b: {  	s25 =	sshll.u32 s18, $0x4;
	s23 =	sadd.s32 s23, s2;
	s24 =	sadd.s32 $0x8000, s7  }
0x1c: {  	v2 =	vimm.f32 $0.0e+00;
	s16 =	sadd.s32 s5, s8;
	s18 =	sadd.s32 s5, s25;
	s25 =	sadd.s32 $0xC000, s7  }
.LBB2_1:
0x1d: {  	s5 =	rddreg [dreg:$0x4];
	s8 =	simm.s32 $0x2800  }
0x1e: {  	[tilespmem:s8], [sflag:$0x2] =	stream.linear.gather [hbm4b:s5+s3], $0x2800, $0x38;
	[tilespmem:$0x1D000] =	vst v63  }
0x1f: {  	_ =	swait.ge [sflag:s29], $0x2800  }
0x20: {  	[sflag:s29] =	ssyncset.done $0x0  }
0x21: {  	[sflag:s29] =	ssyncadd.s32 $0xFFFFD800  }
0x22: {  	[tilespmem:s3], [sflag:$0x2] =	stream.linear.gather [hbm4b:s6+s3], $0x2800, $0x38;
	[tilespmem:$0x1D000] =	vst v63  }
0x23: {  	_ =	swait.ge [sflag:s29], $0x2800  }
0x24: {  	[sflag:s29] =	ssyncset.done $0x0  }
0x25: {  	s28 =	simm.s32 $0x0;
	[sflag:s29] =	ssyncadd.s32 $0xFFFFD800  }
0x26: {  	v5 =	vld [tilespmem:s28+$0x0]  }
0x27: {  	v7 =	vld [tilespmem:s28+$0x10]  }
0x28: {  	v6 =	vld [tilespmem:s28+$0x20]  }
0x29: {  	v4 =	vld [tilespmem:s28+$0x30]  }
0x2a: {  	v3 =	vld [tilespmem:s28+$0x40]  }
0x2b: {  	v8 =	vadd.s32 v0, v5;
	v5 =	vld [tilespmem:s28+$0x50]  }
0x2c: {  	s5 =	simm.s32 $0x200;
	[tilespmem:s28+$0x0] =	vst v8;
	v8 =	vadd.s32 v0, v7;
	v7 =	vld [tilespmem:s28+$0x60]  }
.LBB2_2:
0x2d: {  	s8 =	sshra.s32 s5, $0x2;
	p0 =	sne.s32 s5, $0x9E00;
	[tilespmem:s28+$0x10] =	vst v8;
	v6 =	vadd.s32 v0, v6;
	v8 =	vld [tilespmem:s28+$0x70]  }
0x2e: {  	v9 =	vld [tilespmem:s8+$0x0];
	[tilespmem:s28+$0x20] =	vst v6;
	v4 =	vadd.s32 v0, v4  }
0x2f: {  	v10 =	vld [tilespmem:s8+$0x10];
	[tilespmem:s28+$0x30] =	vst v4;
	v3 =	vadd.s32 v0, v3  }
.Ltmp0:
0x30: {  	v6 =	vld [tilespmem:s8+$0x20];
	[tilespmem:s28+$0x40] =	vst v3;
	v3 =	vadd.s32 v0, v5;
	(pc) =	sbr.rel @p0 .LBB2_2-.Ltmp0, $4  }
0x31: {  	v4 =	vld [tilespmem:s8+$0x30];
	[tilespmem:s28+$0x50] =	vst v3;
	v5 =	vadd.s32 v0, v7  }
0x32: {  	v3 =	vld [tilespmem:s8+$0x40];
	[tilespmem:s28+$0x60] =	vst v5;
	v7 =	vadd.s32 v0, v8  }
0x33: {  	v8 =	vadd.s32 v0, v9;
	v5 =	vld [tilespmem:s8+$0x50];
	[tilespmem:s28+$0x70] =	vst v7;
	s28 =	smov.u32 s8  }
0x34: {  	s5 =	sadd.s32 $0x200, s5;
	[tilespmem:s28+$0x0] =	vst v8;
	v8 =	vadd.s32 v0, v10;
	v7 =	vld [tilespmem:s28+$0x60]  }
0x35: {  	[tilespmem:s28+$0x10] =	vst v8;
	v6 =	vadd.s32 v0, v6;
	v63 =	vld [tilespmem:s28+$0x70]  }
0x36: {  	[tilespmem:s28+$0x20] =	vst v6;
	v4 =	vadd.s32 v0, v4  }
0x37: {  	[tilespmem:s28+$0x30] =	vst v4;
	v3 =	vadd.s32 v0, v3  }
0x38: {  	[tilespmem:s28+$0x40] =	vst v3;
	v3 =	vadd.s32 v0, v5  }
0x39: {  	[tilespmem:s28+$0x50] =	vst v3;
	v3 =	vadd.s32 v0, v7  }
0x3a: {  	[tilespmem:s28+$0x60] =	vst v3;
	v3 =	vadd.s32 v0, v63  }
0x3b: {  	s5 =	simm.s32 $0x0;
	s8 =	simm.s32 $0x200;
	[tilespmem:s28+$0x70] =	vst v3  }
.LBB2_4:
0x3c: {  	p0 =	sne.s32 s8, $0xFE00;
	[tilespmem:s5+$0x5070] =	vst v2  }
0x3d: {  	[tilespmem:s5+$0x5000] =	vst v2  }
0x3e: {  	[tilespmem:s5+$0x5010] =	vst v2  }
.Ltmp1:
0x3f: {  	[tilespmem:s5+$0x5020] =	vst v2;
	(pc) =	sbr.rel @p0 .LBB2_4-.Ltmp1, $4  }
0x40: {  	[tilespmem:s5+$0x5030] =	vst v2  }
0x41: {  	[tilespmem:s5+$0x5040] =	vst v2  }
0x42: {  	[tilespmem:s5+$0x5050] =	vst v2  }
0x43: {  	[tilespmem:s5+$0x5060] =	vst v2;
	s5 =	sshra.s32 s8, $0x2;
	s8 =	sadd.s32 $0x200, s8  }
0x44: {  	[tilespmem:s5+$0x5070] =	vst v2  }
0x45: {  	[tilespmem:s5+$0x5000] =	vst v2  }
0x46: {  	[tilespmem:s5+$0x5010] =	vst v2  }
0x47: {  	[tilespmem:s5+$0x5020] =	vst v2  }
0x48: {  	[tilespmem:s5+$0x5030] =	vst v2  }
0x49: {  	[tilespmem:s5+$0x5040] =	vst v2  }
0x4a: {  	[tilespmem:s5+$0x5050] =	vst v2  }
0x4b: {  	[tilespmem:s5+$0x5060] =	vst v2  }
0x4c: {  	[spmem:s7] =	stream.linear.scatter [tilespmem:s30], [sflag:$0x2], $0x4000, $0x38;
	[tilespmem:$0x1D000] =	vst v63  }
0x4d: {  	_ =	swait.ge [sflag:s29], $0x4000  }
0x4e: {  	[sflag:s29] =	ssyncset.done $0x0  }
0x4f: {  	[sflag:s29] =	ssyncadd.s32 $0xFFFFC000  }
0x50: {  	[spmem:s19] =	stream.linear.scatter [tilespmem:s30], [sflag:$0x2], $0x4000, $0x38;
	[tilespmem:$0x1D000] =	vst v63  }
0x51: {  	_ =	swait.ge [sflag:s29], $0x4000  }
0x52: {  	[sflag:s29] =	ssyncset.done $0x0  }
0x53: {  	[sflag:s29] =	ssyncadd.s32 $0xFFFFC000  }
0x54: {  	[spmem:s24] =	stream.linear.scatter [tilespmem:s30], [sflag:$0x2], $0x4000, $0x38;
	[tilespmem:$0x1D000] =	vst v63  }
0x55: {  	_ =	swait.ge [sflag:s29], $0x4000  }
0x56: {  	[sflag:s29] =	ssyncset.done $0x0  }
0x57: {  	[sflag:s29] =	ssyncadd.s32 $0xFFFFC000  }
0x58: {  	[spmem:s25] =	stream.linear.scatter [tilespmem:s30], [sflag:$0x2], $0x4000, $0x38;
	[tilespmem:$0x1D000] =	vst v63  }
0x59: {  	_ =	swait.ge [sflag:s29], $0x4000  }
0x5a: {  	[sflag:s29] =	ssyncset.done $0x0  }
0x5b: {  	[sflag:s29] =	ssyncadd.s32 $0xFFFFC000  }
0x5c: {  	[spmem:s26] =	stream.linear.scatter [tilespmem:s30], [sflag:$0x2], $0x4000, $0x38;
	[tilespmem:$0x1D000] =	vst v63  }
0x5d: {  	_ =	swait.ge [sflag:s29], $0x4000  }
0x5e: {  	[sflag:s29] =	ssyncset.done $0x0  }
0x5f: {  	[sflag:s29] =	ssyncadd.s32 $0xFFFFC000  }
0x60: {  	s9 =	simm.s32 $0x0;
	[bflag:$0x0] =	sbarrier.arrive $0xFFFF  }
0x61: {  	[tilespmem:s30], [sflag:$0x1] =	stream.indirect.gather [hbm4b:s4+s31], $0x80, s9, s31, $0xb8;
	[tilespmem:$0x1D000] =	vst v63  }
0x62: {  	_ =	swait.ge [sflag:s0], $0x4000  }
0x63: {  	[sflag:s0] =	ssyncset.done $0x0  }
0x64: {  	s28 =	simm.s32 $0x2800;
	[sflag:s0] =	ssyncadd.s32 $0xFFFFC000  }
0x65: {  	[spmem:s2] =	stream.indirect.scatter.add.f32 [tilespmem:s30], [sflag:$0x2], $0x80, s28, s31, $0xb8;
	[tilespmem:$0x1D000] =	vst v63  }
0x66: {  	_ =	swait.ge [sflag:s29], $0x4000  }
0x67: {  	s5 =	simm.s32 $0x200;
	s8 =	simm.s32 $0x400;
	[sflag:s29] =	ssyncset.done $0x0  }
.LBB2_6:
0x68: {  	s28 =	sshra.s32 s5, $0x2  }
0x69: {  	[sflag:s29] =	ssyncadd.s32 $0xFFFFC000;
	s5 =	smov.u32 s8;
	s9 =	sadd.s32 $0x200, s8  }
0x6a: {  	[tilespmem:s30], [sflag:$0x1] =	stream.indirect.gather [hbm4b:s4+s31], $0x80, s28, s31, $0xb8;
	[tilespmem:$0x1D000] =	vst v63  }
0x6b: {  	p0 =	sne.s32 s8, $0x9E00;
	_ =	swait.ge [sflag:s0], $0x4000  }
.Ltmp2:
0x6c: {  	[sflag:s0] =	ssyncset.done $0x0;
	(pc) =	sbr.rel @p0 .LBB2_6-.Ltmp2, $4  }
0x6d: {  	s8 =	sadd.s32 $0x2800, s28;
	[sflag:s0] =	ssyncadd.s32 $0xFFFFC000  }
0x6e: {  	[spmem:s2] =	stream.indirect.scatter.add.f32 [tilespmem:s30], [sflag:$0x2], $0x80, s8, s31, $0xb8;
	[tilespmem:$0x1D000] =	vst v63  }
0x6f: {  	_ =	swait.ge [sflag:s29], $0x4000  }
0x70: {  	s8 =	smov.u32 s9;
	[sflag:s29] =	ssyncset.done $0x0  }
0x71: {  	s5 =	sshra.s32 s5, $0x2;
	[sflag:s29] =	ssyncadd.s32 $0xFFFFC000  }
0x72: {  	[tilespmem:s30], [sflag:$0x1] =	stream.indirect.gather [hbm4b:s4+s31], $0x80, s5, s31, $0xb8;
	[tilespmem:$0x1D000] =	vst v63  }
0x73: {  	_ =	swait.ge [sflag:s0], $0x4000  }
0x74: {  	[sflag:s0] =	ssyncset.done $0x0  }
0x75: {  	s5 =	sadd.s32 $0x2800, s5;
	[sflag:s0] =	ssyncadd.s32 $0xFFFFC000  }
0x76: {  	[spmem:s2] =	stream.indirect.scatter.add.f32 [tilespmem:s30], [sflag:$0x2], $0x80, s5, s31, $0xb8;
	[tilespmem:$0x1D000] =	vst v63  }
0x77: {  	_ =	swait.ge [sflag:s29], $0x4000  }
0x78: {  	[sflag:s29] =	ssyncset.done $0x0  }
0x79: {  	[sflag:s29] =	ssyncadd.s32 $0xFFFFC000  }
0x7a: {  	[bflag:$0x0] =	sbarrier.arrive $0xFFFF  }
0x7b: {  	[tilespmem:s30], [sflag:$0x2] =	stream.linear.gather [spmem:s7], $0x4000, $0x38;
	[tilespmem:$0x1D000] =	vst v63  }
0x7c: {  	_ =	swait.ge [sflag:s29], $0x4000  }
0x7d: {  	[sflag:s29] =	ssyncset.done $0x0  }
0x7e: {  	s9 =	simm.s32 $0x0;
	s8 =	rddreg [dreg:$0x6];
	[sflag:s29] =	ssyncadd.s32 $0xFFFFC000  }
0x7f: {  	[hbm4b:s8+s9] =	stream.linear.scatter [tilespmem:s30], [sflag:$0x2], $0x4000, $0x38;
	[tilespmem:$0x1D000] =	vst v63  }
0x80: {  	_ =	swait.ge [sflag:s29], $0x4000  }
0x81: {  	[sflag:s29] =	ssyncset.done $0x0  }
0x82: {  	[sflag:s29] =	ssyncadd.s32 $0xFFFFC000  }
0x83: {  	[tilespmem:s30], [sflag:$0x2] =	stream.linear.gather [spmem:s20], $0x4000, $0x38;
	[tilespmem:$0x1D000] =	vst v63  }
0x84: {  	_ =	swait.ge [sflag:s29], $0x4000  }
0x85: {  	[sflag:s29] =	ssyncset.done $0x0  }
0x86: {  	[sflag:s29] =	ssyncadd.s32 $0xFFFFC000  }
0x87: {  	[hbm4b:s10+s9] =	stream.linear.scatter [tilespmem:s30], [sflag:$0x2], $0x4000, $0x38;
	[tilespmem:$0x1D000] =	vst v63  }
0x88: {  	_ =	swait.ge [sflag:s29], $0x4000  }
0x89: {  	[sflag:s29] =	ssyncset.done $0x0  }
0x8a: {  	[sflag:s29] =	ssyncadd.s32 $0xFFFFC000  }
0x8b: {  	[tilespmem:s30], [sflag:$0x2] =	stream.linear.gather [spmem:s21], $0x4000, $0x38;
	[tilespmem:$0x1D000] =	vst v63  }
0x8c: {  	_ =	swait.ge [sflag:s29], $0x4000  }
0x8d: {  	[sflag:s29] =	ssyncset.done $0x0  }
0x8e: {  	[sflag:s29] =	ssyncadd.s32 $0xFFFFC000  }
0x8f: {  	[hbm4b:s11+s9] =	stream.linear.scatter [tilespmem:s30], [sflag:$0x2], $0x4000, $0x38;
	[tilespmem:$0x1D000] =	vst v63  }
0x90: {  	_ =	swait.ge [sflag:s29], $0x4000  }
0x91: {  	[sflag:s29] =	ssyncset.done $0x0  }
0x92: {  	[sflag:s29] =	ssyncadd.s32 $0xFFFFC000  }
0x93: {  	[tilespmem:s30], [sflag:$0x2] =	stream.linear.gather [spmem:s22], $0x4000, $0x38;
	[tilespmem:$0x1D000] =	vst v63  }
0x94: {  	_ =	swait.ge [sflag:s29], $0x4000  }
0x95: {  	[sflag:s29] =	ssyncset.done $0x0  }
0x96: {  	[sflag:s29] =	ssyncadd.s32 $0xFFFFC000  }
0x97: {  	[hbm4b:s12+s9] =	stream.linear.scatter [tilespmem:s30], [sflag:$0x2], $0x4000, $0x38;
	[tilespmem:$0x1D000] =	vst v63  }
0x98: {  	_ =	swait.ge [sflag:s29], $0x4000  }
0x99: {  	[sflag:s29] =	ssyncset.done $0x0  }
0x9a: {  	[sflag:s29] =	ssyncadd.s32 $0xFFFFC000  }
0x9b: {  	[tilespmem:s30], [sflag:$0x2] =	stream.linear.gather [spmem:s23], $0x4000, $0x38;
	[tilespmem:$0x1D000] =	vst v63  }
0x9c: {  	_ =	swait.ge [sflag:s29], $0x4000  }
0x9d: {  	[sflag:s29] =	ssyncset.done $0x0  }
0x9e: {  	[sflag:s29] =	ssyncadd.s32 $0xFFFFC000  }
0x9f: {  	[hbm4b:s13+s9] =	stream.linear.scatter [tilespmem:s30], [sflag:$0x2], $0x4000, $0x38;
	[tilespmem:$0x1D000] =	vst v63  }
0xa0: {  	_ =	swait.ge [sflag:s29], $0x4000  }
0xa1: {  	[sflag:s29] =	ssyncset.done $0x0  }
0xa2: {  	[sflag:s29] =	ssyncadd.s32 $0xFFFFC000  }
0xa3: {  	[tilespmem:s9], [sflag:$0x2] =	stream.linear.gather [hbm4b:s6+s9], $0x2800, $0x38;
	[tilespmem:$0x1D000] =	vst v63  }
0xa4: {  	_ =	swait.ge [sflag:s29], $0x2800  }
0xa5: {  	[sflag:s29] =	ssyncset.done $0x0  }
0xa6: {  	s28 =	simm.s32 $0x0;
	[sflag:s29] =	ssyncadd.s32 $0xFFFFD800  }
0xa7: {  	v5 =	vld [tilespmem:s28+$0x0]  }
0xa8: {  	v7 =	vld [tilespmem:s28+$0x10]  }
0xa9: {  	v6 =	vld [tilespmem:s28+$0x20]  }
0xaa: {  	v4 =	vld [tilespmem:s28+$0x30]  }
0xab: {  	v3 =	vld [tilespmem:s28+$0x40]  }
0xac: {  	v8 =	vadd.s32 v1, v5;
	v5 =	vld [tilespmem:s28+$0x50]  }
0xad: {  	s5 =	simm.s32 $0x0;
	s8 =	simm.s32 $0x200;
	[tilespmem:s28+$0x0] =	vst v8;
	v8 =	vadd.s32 v1, v7;
	v7 =	vld [tilespmem:s28+$0x60]  }
.LBB2_8:
0xae: {  	s9 =	sshra.s32 s8, $0x2;
	p0 =	sne.s32 s8, $0x9E00;
	[tilespmem:s5+$0x10] =	vst v8;
	v6 =	vadd.s32 v1, v6;
	v8 =	vld [tilespmem:s5+$0x70]  }
0xaf: {  	v9 =	vld [tilespmem:s9+$0x0];
	[tilespmem:s5+$0x20] =	vst v6;
	v4 =	vadd.s32 v1, v4  }
0xb0: {  	v10 =	vld [tilespmem:s9+$0x10];
	[tilespmem:s5+$0x30] =	vst v4;
	v3 =	vadd.s32 v1, v3  }
.Ltmp3:
0xb1: {  	v6 =	vld [tilespmem:s9+$0x20];
	[tilespmem:s5+$0x40] =	vst v3;
	v3 =	vadd.s32 v1, v5;
	(pc) =	sbr.rel @p0 .LBB2_8-.Ltmp3, $4  }
0xb2: {  	v4 =	vld [tilespmem:s9+$0x30];
	[tilespmem:s5+$0x50] =	vst v3;
	v5 =	vadd.s32 v1, v7  }
0xb3: {  	v3 =	vld [tilespmem:s9+$0x40];
	[tilespmem:s5+$0x60] =	vst v5;
	v7 =	vadd.s32 v1, v8  }
0xb4: {  	v8 =	vadd.s32 v1, v9;
	v5 =	vld [tilespmem:s9+$0x50];
	[tilespmem:s5+$0x70] =	vst v7;
	s5 =	smov.u32 s9  }
0xb5: {  	s8 =	sadd.s32 $0x200, s8;
	[tilespmem:s5+$0x0] =	vst v8;
	v8 =	vadd.s32 v1, v10;
	v7 =	vld [tilespmem:s5+$0x60]  }
0xb6: {  	[tilespmem:s5+$0x10] =	vst v8;
	v6 =	vadd.s32 v1, v6;
	v63 =	vld [tilespmem:s5+$0x70]  }
0xb7: {  	[tilespmem:s5+$0x20] =	vst v6;
	v4 =	vadd.s32 v1, v4  }
0xb8: {  	[tilespmem:s5+$0x30] =	vst v4;
	v3 =	vadd.s32 v1, v3  }
0xb9: {  	[tilespmem:s5+$0x40] =	vst v3;
	v3 =	vadd.s32 v1, v5  }
0xba: {  	[tilespmem:s5+$0x50] =	vst v3;
	v3 =	vadd.s32 v1, v7  }
0xbb: {  	[tilespmem:s5+$0x60] =	vst v3;
	v3 =	vadd.s32 v1, v63  }
0xbc: {  	[tilespmem:s5+$0x70] =	vst v3;
	s5 =	simm.s32 $0x200  }
.LBB2_10:
0xbd: {  	p0 =	sne.s32 s5, $0xFE00;
	[tilespmem:s28+$0x5070] =	vst v2  }
0xbe: {  	[tilespmem:s28+$0x5000] =	vst v2  }
0xbf: {  	[tilespmem:s28+$0x5010] =	vst v2  }
.Ltmp4:
0xc0: {  	[tilespmem:s28+$0x5020] =	vst v2;
	(pc) =	sbr.rel @p0 .LBB2_10-.Ltmp4, $4  }
0xc1: {  	[tilespmem:s28+$0x5030] =	vst v2  }
0xc2: {  	[tilespmem:s28+$0x5040] =	vst v2  }
0xc3: {  	[tilespmem:s28+$0x5050] =	vst v2  }
0xc4: {  	[tilespmem:s28+$0x5060] =	vst v2;
	s28 =	sshra.s32 s5, $0x2;
	s5 =	sadd.s32 $0x200, s5  }
0xc5: {  	[tilespmem:s28+$0x5070] =	vst v2  }
0xc6: {  	[tilespmem:s28+$0x5000] =	vst v2  }
0xc7: {  	[tilespmem:s28+$0x5010] =	vst v2  }
0xc8: {  	[tilespmem:s28+$0x5020] =	vst v2  }
0xc9: {  	[tilespmem:s28+$0x5030] =	vst v2  }
0xca: {  	[tilespmem:s28+$0x5040] =	vst v2  }
0xcb: {  	[tilespmem:s28+$0x5050] =	vst v2  }
0xcc: {  	[tilespmem:s28+$0x5060] =	vst v2  }
0xcd: {  	[spmem:s7] =	stream.linear.scatter [tilespmem:s30], [sflag:$0x2], $0x4000, $0x38;
	[tilespmem:$0x1D000] =	vst v63  }
0xce: {  	_ =	swait.ge [sflag:s29], $0x4000  }
0xcf: {  	[sflag:s29] =	ssyncset.done $0x0  }
0xd0: {  	[sflag:s29] =	ssyncadd.s32 $0xFFFFC000  }
0xd1: {  	[spmem:s19] =	stream.linear.scatter [tilespmem:s30], [sflag:$0x2], $0x4000, $0x38;
	[tilespmem:$0x1D000] =	vst v63  }
0xd2: {  	_ =	swait.ge [sflag:s29], $0x4000  }
0xd3: {  	[sflag:s29] =	ssyncset.done $0x0  }
0xd4: {  	[sflag:s29] =	ssyncadd.s32 $0xFFFFC000  }
0xd5: {  	[spmem:s24] =	stream.linear.scatter [tilespmem:s30], [sflag:$0x2], $0x4000, $0x38;
	[tilespmem:$0x1D000] =	vst v63  }
0xd6: {  	_ =	swait.ge [sflag:s29], $0x4000  }
0xd7: {  	[sflag:s29] =	ssyncset.done $0x0  }
0xd8: {  	[sflag:s29] =	ssyncadd.s32 $0xFFFFC000  }
0xd9: {  	[spmem:s25] =	stream.linear.scatter [tilespmem:s30], [sflag:$0x2], $0x4000, $0x38;
	[tilespmem:$0x1D000] =	vst v63  }
0xda: {  	_ =	swait.ge [sflag:s29], $0x4000  }
0xdb: {  	[sflag:s29] =	ssyncset.done $0x0  }
0xdc: {  	[sflag:s29] =	ssyncadd.s32 $0xFFFFC000  }
0xdd: {  	[spmem:s26] =	stream.linear.scatter [tilespmem:s30], [sflag:$0x2], $0x4000, $0x38;
	[tilespmem:$0x1D000] =	vst v63  }
0xde: {  	_ =	swait.ge [sflag:s29], $0x4000  }
0xdf: {  	[sflag:s29] =	ssyncset.done $0x0  }
0xe0: {  	[sflag:s29] =	ssyncadd.s32 $0xFFFFC000  }
0xe1: {  	s5 =	simm.s32 $0x0;
	[bflag:$0x0] =	sbarrier.arrive $0xFFFF  }
0xe2: {  	[tilespmem:s30], [sflag:$0x1] =	stream.indirect.gather [hbm4b:s4+s31], $0x80, s5, s31, $0xb8;
	[tilespmem:$0x1D000] =	vst v63  }
0xe3: {  	_ =	swait.ge [sflag:s0], $0x4000  }
0xe4: {  	[sflag:s0] =	ssyncset.done $0x0  }
0xe5: {  	s28 =	simm.s32 $0x2800;
	[sflag:s0] =	ssyncadd.s32 $0xFFFFC000  }
0xe6: {  	[spmem:s2] =	stream.indirect.scatter.add.f32 [tilespmem:s30], [sflag:$0x2], $0x80, s28, s31, $0xb8;
	[tilespmem:$0x1D000] =	vst v63  }
0xe7: {  	_ =	swait.ge [sflag:s29], $0x4000  }
0xe8: {  	s8 =	simm.s32 $0x400;
	s5 =	simm.s32 $0x200;
	[sflag:s29] =	ssyncset.done $0x0  }
.LBB2_12:
0xe9: {  	s9 =	sshra.s32 s5, $0x2  }
0xea: {  	[sflag:s29] =	ssyncadd.s32 $0xFFFFC000;
	s5 =	smov.u32 s8;
	s28 =	sadd.s32 $0x200, s8  }
0xeb: {  	[tilespmem:s30], [sflag:$0x1] =	stream.indirect.gather [hbm4b:s4+s31], $0x80, s9, s31, $0xb8;
	[tilespmem:$0x1D000] =	vst v63  }
0xec: {  	p0 =	sne.s32 s8, $0x9E00;
	_ =	swait.ge [sflag:s0], $0x4000  }
.Ltmp5:
0xed: {  	[sflag:s0] =	ssyncset.done $0x0;
	(pc) =	sbr.rel @p0 .LBB2_12-.Ltmp5, $4  }
0xee: {  	s8 =	sadd.s32 $0x2800, s9;
	[sflag:s0] =	ssyncadd.s32 $0xFFFFC000  }
0xef: {  	[spmem:s2] =	stream.indirect.scatter.add.f32 [tilespmem:s30], [sflag:$0x2], $0x80, s8, s31, $0xb8;
	[tilespmem:$0x1D000] =	vst v63  }
0xf0: {  	_ =	swait.ge [sflag:s29], $0x4000  }
0xf1: {  	s8 =	smov.u32 s28;
	[sflag:s29] =	ssyncset.done $0x0  }
0xf2: {  	s5 =	sshra.s32 s5, $0x2;
	[sflag:s29] =	ssyncadd.s32 $0xFFFFC000  }
0xf3: {  	[tilespmem:s30], [sflag:$0x1] =	stream.indirect.gather [hbm4b:s4+s31], $0x80, s5, s31, $0xb8;
	[tilespmem:$0x1D000] =	vst v63  }
0xf4: {  	_ =	swait.ge [sflag:s0], $0x4000  }
0xf5: {  	[sflag:s0] =	ssyncset.done $0x0  }
0xf6: {  	s5 =	sadd.s32 $0x2800, s5;
	[sflag:s0] =	ssyncadd.s32 $0xFFFFC000  }
0xf7: {  	[spmem:s2] =	stream.indirect.scatter.add.f32 [tilespmem:s30], [sflag:$0x2], $0x80, s5, s31, $0xb8;
	[tilespmem:$0x1D000] =	vst v63  }
0xf8: {  	_ =	swait.ge [sflag:s29], $0x4000  }
0xf9: {  	[sflag:s29] =	ssyncset.done $0x0  }
0xfa: {  	[sflag:s29] =	ssyncadd.s32 $0xFFFFC000  }
0xfb: {  	[bflag:$0x0] =	sbarrier.arrive $0xFFFF  }
0xfc: {  	[tilespmem:s30], [sflag:$0x2] =	stream.linear.gather [spmem:s7], $0x4000, $0x38;
	[tilespmem:$0x1D000] =	vst v63  }
0xfd: {  	_ =	swait.ge [sflag:s29], $0x4000  }
0xfe: {  	[sflag:s29] =	ssyncset.done $0x0  }
0xff: {  	[sflag:s29] =	ssyncadd.s32 $0xFFFFC000  }
0x100: {  	[hbm4b:s14+s3] =	stream.linear.scatter [tilespmem:s30], [sflag:$0x2], $0x4000, $0x38;
	[tilespmem:$0x1D000] =	vst v63  }
0x101: {  	_ =	swait.ge [sflag:s29], $0x4000  }
0x102: {  	[sflag:s29] =	ssyncset.done $0x0  }
0x103: {  	[sflag:s29] =	ssyncadd.s32 $0xFFFFC000  }
0x104: {  	[tilespmem:s30], [sflag:$0x2] =	stream.linear.gather [spmem:s20], $0x4000, $0x38;
	[tilespmem:$0x1D000] =	vst v63  }
0x105: {  	_ =	swait.ge [sflag:s29], $0x4000  }
0x106: {  	[sflag:s29] =	ssyncset.done $0x0  }
0x107: {  	[sflag:s29] =	ssyncadd.s32 $0xFFFFC000  }
0x108: {  	[hbm4b:s15+s3] =	stream.linear.scatter [tilespmem:s30], [sflag:$0x2], $0x4000, $0x38;
	[tilespmem:$0x1D000] =	vst v63  }
0x109: {  	_ =	swait.ge [sflag:s29], $0x4000  }
0x10a: {  	[sflag:s29] =	ssyncset.done $0x0  }
0x10b: {  	[sflag:s29] =	ssyncadd.s32 $0xFFFFC000  }
0x10c: {  	[tilespmem:s30], [sflag:$0x2] =	stream.linear.gather [spmem:s21], $0x4000, $0x38;
	[tilespmem:$0x1D000] =	vst v63  }
0x10d: {  	_ =	swait.ge [sflag:s29], $0x4000  }
0x10e: {  	[sflag:s29] =	ssyncset.done $0x0  }
0x10f: {  	[sflag:s29] =	ssyncadd.s32 $0xFFFFC000  }
0x110: {  	[hbm4b:s16+s3] =	stream.linear.scatter [tilespmem:s30], [sflag:$0x2], $0x4000, $0x38;
	[tilespmem:$0x1D000] =	vst v63  }
0x111: {  	_ =	swait.ge [sflag:s29], $0x4000  }
0x112: {  	[sflag:s29] =	ssyncset.done $0x0  }
0x113: {  	[sflag:s29] =	ssyncadd.s32 $0xFFFFC000  }
0x114: {  	[tilespmem:s30], [sflag:$0x2] =	stream.linear.gather [spmem:s22], $0x4000, $0x38;
	[tilespmem:$0x1D000] =	vst v63  }
0x115: {  	_ =	swait.ge [sflag:s29], $0x4000  }
0x116: {  	[sflag:s29] =	ssyncset.done $0x0  }
0x117: {  	[sflag:s29] =	ssyncadd.s32 $0xFFFFC000  }
0x118: {  	[hbm4b:s17+s3] =	stream.linear.scatter [tilespmem:s30], [sflag:$0x2], $0x4000, $0x38;
	[tilespmem:$0x1D000] =	vst v63  }
0x119: {  	_ =	swait.ge [sflag:s29], $0x4000  }
0x11a: {  	[sflag:s29] =	ssyncset.done $0x0  }
0x11b: {  	[sflag:s29] =	ssyncadd.s32 $0xFFFFC000  }
0x11c: {  	[tilespmem:s30], [sflag:$0x2] =	stream.linear.gather [spmem:s23], $0x4000, $0x38;
	[tilespmem:$0x1D000] =	vst v63  }
0x11d: {  	_ =	swait.ge [sflag:s29], $0x4000  }
0x11e: {  	[sflag:s29] =	ssyncset.done $0x0  }
0x11f: {  	[sflag:s29] =	ssyncadd.s32 $0xFFFFC000  }
0x120: {  	[hbm4b:s18+s3] =	stream.linear.scatter [tilespmem:s30], [sflag:$0x2], $0x4000, $0x38;
	[tilespmem:$0x1D000] =	vst v63  }
0x121: {  	_ =	swait.ge [sflag:s29], $0x4000  }
0x122: {  	s1 =	sadd.s32 $0x1, s1;
	s28 =	rddreg [dreg:$0x5]  }
0x123: {  	p0 =	sne.s32 s1, s28  }
.Ltmp6:
0x124: {  	_ = 	snop;
	(pc) =	sbr.rel @p0 .LBB2_1-.Ltmp6, $3  }
0x125: {  	_ =	sdelay $0x1  }
0x126: {  	[sflag:s29] =	ssyncset.done $0x0  }
0x127: {  	[sflag:s29] =	ssyncadd.s32 $0xFFFFC000  }
0x128: {  	_ =	sfence.sel $0x180000  }
0x129: {  	[bflag:$0x0] =	sbarrier.arrive $0xFFFF  }
0x12a: {  	_ =	strace $0x90000050  }
0x12b: {  	s0 =	stileid.u32;
	[bflag:$0x2] =	sbarrier.arrive $0xFFFF  }
0x12c: {  	p0 =	sne.s32 s0, $0x0;
	s0 =	rddreg [dreg:$0x3]  }
0x12d: {  	s0 =	sadd.s32 @!p0 $0x100000, s0  }
0x12e: {  	[sflag:s0] =	ssyncadd.tile.s32 @!p0 $0x1;
	_ =	shalt  }
.Lfunc_end2:
_tile_overlayer_lowered:
.L_overlay_start_2:
0x12f: {  	(tag) =	ssettag $0x2  }
0x130: {  	s0 =	rddreg [dreg:$0x0];
	s2 =	stileid.u32  }
0x131: {  	s1 =	rddreg [dreg:$0x1];
	p0 =	sne.s32 s2, $0x0  }
0x132: {  	s3 =	rddreg [dreg:$0x2];
	[bflag:$0x3] =	sbarrier.arrive $0xFFFF;
	s2 =	simm.s32 @!p0 $0x1C02  }
0x133: {  	[timem:s3], [sflag:s2] =	dma.local @!p0 [hbm:s0], s1  }
0x134: {  	s0 =	simm.s32 @!p0 $0x2  }
0x135: {  	_ =	swait.ge @!p0 [sflag:s0], s1  }
0x136: {  	s1 =	ssub.s32 @!p0 $0x0, s1;
	[sflag:s0] =	ssyncset.done @!p0 $0x0  }
0x137: {  	[sflag:s0] =	ssyncadd.s32 @!p0 s1  }
0x138: {  	[bflag:$0x3] =	sbarrier.arrive $0xFFFF  }
0x139: {  	_ =	shalt  }

// kernel: kernel.9.cloned.1.call-start
scs
__scs_entry_jumppad:
0x0: {  	(pc) =	sbr.rel $0x88, $3  }
0x1: {  	(tag) =	ssettag $0x0;
	lr =	simm.s32 $0x1  }
0x2: {  	[smem:$0x3F99] =	sst lr;
	_ =	strace $0xD0000000  }
0x3: {  	_ = 	snop  }
0x4: {  	_ = 	snop  }
0x5: {  	_ = 	snop  }
0x6: {  	_ = 	snop  }
0x7: {  	_ = 	snop  }
__scs_overlays_trampoline_lowered:
0x8: {  	[smem:$0x3FA8] =	sst s0  }
0x9: {  	[smem:$0x3FA9] =	sst s1  }
0xa: {  	[smem:$0x3FAA] =	sst s2  }
0xb: {  	[smem:$0x3FAB] =	sst s3  }
0xc: {  	[smem:$0x3FAC] =	sst s4  }
0xd: {  	[smem:$0x3FAD] =	sst s5  }
0xe: {  	[smem:$0x3FAE] =	sst s6  }
0xf: {  	[smem:$0x3FAF] =	sst s7  }
0x10: {  	[smem:$0x3FB0] =	sst s8  }
0x11: {  	[smem:$0x3FB1] =	sst s9;
	s0 =	simm.s32 @!p0 $0x0  }
0x12: {  	s1 =	sld [smem:$0x3F97];
	s0 =	simm.s32 @p0 $0x1  }
0x13: {  	[smem:$0x3FB2] =	sst s0;
	s0 =	simm.s32 @!p1 $0x0  }
0x14: {  	s2 =	sld [smem:$0x3F96];
	s0 =	simm.s32 @p1 $0x1  }
0x15: {  	[smem:$0x3FB3] =	sst s0;
	s0 =	simm.s32 @!p2 $0x0  }
0x16: {  	s3 =	sld [smem:$0x3FDB];
	s0 =	simm.s32 @p2 $0x1  }
0x17: {  	s4 =	simm.s32 $0x1BF5;
	[smem:$0x3FB5] =	sst s0  }
0x18: {  	s0 =	sld [smem:$0x3F98];
	_ =	swait.ge [sflag:s4], $0x0  }
0x19: {  	s7 =	sld [smem:$0x3F99]  }
0x1a: {  	s8 =	sadd.s32 $0xFFFFE003, lr  }
0x1b: {  	s9 =	sadd.s32 $0xFFFFFEF7, lr;
	s5 =	simm.s32 $0xFFFFFFFF;
	p2 =	slt.u32 s8, $0xFFFFF086  }
0x1c: {  	p1 =	slt.u32 s9, $0xF7A;
	s5 =	simm.s32 @!p2 $0x0  }
0x1d: {  	s5 =	simm.s32 @p1 $0x1;
	p0 =	seq.s32 s7, s2  }
0x1e: {  	s7 =	smul.u32 @!p0 $0xF7A, s2;
	p2 =	seq.s32 @!p0 s5, $0x0  }
0x1f: {  	s9 =	smul.u32 $0xF7A, s1;
	s8 =	simm.s32 @!p0 $0x1BF5;
	p2 =	por !p2, p0  }
0x20: {  	[sflag:s8] =	ssyncset.s32 @!p0 $0xFFFFF086;
	s6 =	sadd.s32 @!p0 s3, s7;
	s7 =	simm.s32 @!p0 $0x108  }
0x21: {  	s3 =	sadd.s32 s3, s9;
	s6 =	sadd.s32 @!p0 $0x88, s6;
	s7 =	simm.s32 @p2 $0x1082  }
0x22: {  	[simem:s7], [sflag:s8] =	dma.local @!p0 [hbm:s6], $0xF7A  }
0x23: {  	s9 =	sor.u32 $0xD0000000, s2;
	s6 =	simm.s32 $0x108;
	_ =	swait.ge @!p0 [sflag:s8], $0x0  }
0x24: {  	s3 =	sadd.s32 $0x88, s3;
	s6 =	simm.s32 @!p1 $0x1082;
	[sflag:s4] =	ssyncset.s32 $0xFFFFF086  }
0x25: {  	[simem:s6], [sflag:s4] =	dma.local [hbm:s3], $0xF7A  }
0x26: {  	[smem:$0x3F99] =	sst s1;
	(tag) =	ssettag s2;
	_ =	strace s9  }
0x27: {  	s1 =	sld [smem:$0x3FA9]  }
0x28: {  	s2 =	sld [smem:$0x3FAA]  }
0x29: {  	s4 =	sld [smem:$0x3FAC]  }
0x2a: {  	p0 =	seq.s32 s5, $0x0;
	s5 =	sld [smem:$0x3FAD]  }
0x2b: {  	s6 =	sld [smem:$0x3FAE]  }
0x2c: {  	s7 =	sld [smem:$0x3FAF]  }
0x2d: {  	s3 =	simm.s32 $0x108;
	s8 =	sld [smem:$0x3FB0]  }
0x2e: {  	s3 =	simm.s32 @!p0 $0x1082;
	s9 =	sld [smem:$0x3FB1]  }
0x2f: {  	lr =	sadd.s32 s0, s3;
	s0 =	sld [smem:$0x3FA8]  }
0x30: {  	s3 =	sld [smem:$0x3FAB]  }
0x31: {  	[smem:$0x3FB4] =	sst s10  }
0x32: {  	s10 =	sld [smem:$0x3FB2];
	_ =	sdelay $0x3  }
0x33: {  	p0 =	seq.s32 s10, $0x1;
	s10 =	sld [smem:$0x3FB4];
	_ =	sdelay $0x3  }
0x34: {  	[smem:$0x3FB4] =	sst s10  }
0x35: {  	s10 =	sld [smem:$0x3FB3];
	_ =	sdelay $0x3  }
0x36: {  	p1 =	seq.s32 s10, $0x1;
	s10 =	sld [smem:$0x3FB4];
	_ =	sdelay $0x3  }
0x37: {  	[smem:$0x3FB4] =	sst s10  }
0x38: {  	s10 =	sld [smem:$0x3FB5]  }
0x39: {  	_ = 	snop;
	(pc) =	sbr.ind lr, $3  }
0x3a: {  	_ = 	snop  }
0x3b: {  	_ = 	snop  }
0x3c: {  	p2 =	seq.s32 s10, $0x1;
	s10 =	sld [smem:$0x3FB4]  }
0x3d: {  	_ =	shalt  }
0x3e: {  	_ =	shalt  }
0x3f: {  	_ =	shalt  }
0x40: {  	_ =	shalt  }
0x41: {  	_ =	shalt  }
0x42: {  	_ =	shalt  }
0x43: {  	_ =	shalt  }
0x44: {  	_ =	shalt  }
0x45: {  	_ =	shalt  }
0x46: {  	_ =	shalt  }
0x47: {  	_ =	shalt  }
0x48: {  	_ =	shalt  }
0x49: {  	_ =	shalt  }
0x4a: {  	_ =	shalt  }
0x4b: {  	_ =	shalt  }
0x4c: {  	_ =	shalt  }
0x4d: {  	_ =	shalt  }
0x4e: {  	_ =	shalt  }
0x4f: {  	_ =	shalt  }
0x50: {  	_ =	shalt  }
0x51: {  	_ =	shalt  }
0x52: {  	_ =	shalt  }
0x53: {  	_ =	shalt  }
0x54: {  	_ =	shalt  }
0x55: {  	_ =	shalt  }
0x56: {  	_ =	shalt  }
0x57: {  	_ =	shalt  }
0x58: {  	_ =	shalt  }
0x59: {  	_ =	shalt  }
0x5a: {  	_ =	shalt  }
0x5b: {  	_ =	shalt  }
0x5c: {  	_ =	shalt  }
0x5d: {  	_ =	shalt  }
0x5e: {  	_ =	shalt  }
0x5f: {  	_ =	shalt  }
0x60: {  	_ =	shalt  }
0x61: {  	_ =	shalt  }
0x62: {  	_ =	shalt  }
0x63: {  	_ =	shalt  }
0x64: {  	_ =	shalt  }
0x65: {  	_ =	shalt  }
0x66: {  	_ =	shalt  }
0x67: {  	_ =	shalt  }
0x68: {  	_ =	shalt  }
0x69: {  	_ =	shalt  }
0x6a: {  	_ =	shalt  }
0x6b: {  	_ =	shalt  }
0x6c: {  	_ =	shalt  }
0x6d: {  	_ =	shalt  }
0x6e: {  	_ =	shalt  }
0x6f: {  	_ =	shalt  }
0x70: {  	_ =	shalt  }
0x71: {  	_ =	shalt  }
0x72: {  	_ =	shalt  }
0x73: {  	_ =	shalt  }
0x74: {  	_ =	shalt  }
0x75: {  	_ =	shalt  }
0x76: {  	_ =	shalt  }
0x77: {  	_ =	shalt  }
0x78: {  	_ =	shalt  }
0x79: {  	_ =	shalt  }
0x7a: {  	_ =	shalt  }
0x7b: {  	_ =	shalt  }
0x7c: {  	_ =	shalt  }
0x7d: {  	_ =	shalt  }
0x7e: {  	_ =	shalt  }
0x7f: {  	_ =	shalt  }
0x80: {  	_ =	shalt  }
0x81: {  	_ =	shalt  }
0x82: {  	_ =	shalt  }
0x83: {  	_ =	shalt  }
0x84: {  	_ =	shalt  }
0x85: {  	_ =	shalt  }
0x86: {  	_ =	shalt  }
0x87: {  	_ =	shalt  }
.Lfunc_end0:
.L_simem_size_0:
called_computation_lowered:
.L_overlay_start_0:
0x88: {  	s2 =	sld [smem:$0x3FD9]  }
0x89: {  	s3 =	sld [smem:$0x3FFE];
	_ =	sdelay $0x1  }
0x8a: {  	s1 =	srdreg.scid  }
0x8b: {  	s0 =	sand.u32 $0x1, s1  }
0x8c: {  	s17 =	sshll.u32 s0, $0xA;
	s2 =	sadd.s32 s3, s2  }
0x8d: {  	s2 =	sadd.s32 s2, s17  }
0x8e: {  	[smem:$0x3FC0] =	sst s2  }
0x8f: {  	_ = 	snop  }
0x90: {  	s2 =	sld [smem:$0x3FD0];
	(tm) =	ssettm $0x1  }
0x91: {  	s18 =	sld [smem:$0x3FFB];
	_ =	sdelay $0x3  }
0x92: {  	_ =	strace s18  }
0x93: {  	s3 =	sld [smem:$0x3FFC];
	_ =	sdelay $0x3  }
0x94: {  	_ =	strace s3  }
0x95: {  	s3 =	sld [smem:$0x3FFD];
	_ =	sdelay $0x3  }
0x96: {  	_ =	strace s3  }
0x97: {  	_ =	strace $0x8FFFFFFF  }
0x98: {  	s19 =	sld [smem:$0x3FDB];
	_ =	sdelay $0x1  }
0x99: {  	s4 =	simm.s32 $_scs_section_size  }
0x9a: {  	s5 =	simm.s32 $_size__tile_overlayer_lowered;
	s6 =	simm.s32 $_tile_overlayer_lowered  }
0x9b: {  	s22 =	simm.s32 $0x1BFF;
	s21 =	sshll.u32 s6, $0x1;
	s3 =	sadd.s32 s4, s19  }
0x9c: {  	s7 =	simm.s32 $0x0;
	s20 =	sshll.u32 s5, $0x1;
	s5 =	sadd.s32 s21, s3  }
0x9d: {  	[timem:s7], [sflag:s22] =	dma.local [hbm:s5], s20  }
0x9e: {  	_ =	swait.ge [sflag:s22], s20  }
0x9f: {  	s4 =	ssub.s32 $0x0, s20;
	[sflag:s22] =	ssyncset.done $0x0  }
0xa0: {  	[sflag:s22] =	ssyncadd.s32 s4;
	_ =	sdelay $0x1  }
0xa1: {  	s23 =	simm.s32 $0x1B8B  }
0xa2: {  	_ =	swait.ge [sflag:s23], $0x1  }
0xa3: {  	[sflag:s23] =	ssyncset.done $0x0  }
0xa4: {  	s25 =	simm.s32 $0x1B8E;
	s24 =	sld [smem:$0x3FFE];
	[sflag:s23] =	ssyncadd.s32 $0xFFFFFFFF  }
0xa5: {  	s26 =	simm.s32 $execute0_lowered;
	[smem:$0x3FD2] =	sst s25  }
0xa6: {  	s5 =	sshll.u32 s26, $0x1;
	_ =	strace $0x80000046;
	[dreg:$0x1] =	wrdreg $0xFFFFFFFF  }
0xa7: {  	s28 =	simm.s32 $_size_execute0_lowered;
	s3 =	sadd.s32 s3, s5;
	[dreg:$0x0] =	wrdreg $0x0  }
0xa8: {  	s5 =	sshll.u32 s28, $0x1;
	[dreg:$0x2] =	wrdreg s3  }
0xa9: {  	[dreg:$0x3] =	wrdreg s5  }
0xaa: {  	[dreg:$0x4] =	wrdreg $0xC0  }
0xab: {  	_ =	task [dreg:s7], $0x5FFFF  }
0xac: {  	[dreg:$0x1] =	wrdreg $0xFFFFFFFF  }
0xad: {  	[dreg:$0x0] =	wrdreg $0x60  }
0xae: {  	[dreg:$0x2] =	wrdreg s2  }
0xaf: {  	[dreg:$0x3] =	wrdreg s24  }
0xb0: {  	[dreg:$0x4] =	wrdreg $0x9  }
0xb1: {  	_ =	task.clear_ibuf [dreg:s7], $0x5FFFF;
	_ =	strace $0x90000046  }
0xb2: {  	s29 =	simm.s32 $0x9;
	_ =	strace $0x80000048  }
0xb3: {  	_ =	swait.ge [sflag:s29], $0x1  }
0xb4: {  	[sflag:s29] =	ssyncadd.s32 $0xFFFFFFFF  }
0xb5: {  	_ =	strace $0x90000048  }
0xb6: {  	_ =	sfence  }
0xb7: {  	s30 =	sld [smem:$0x0];
	_ =	sdelay $0x2  }
0xb8: {  	s31 =	sshll.u32 s1, $0xD;
	s1 =	sshrl.u32 s1, $0x2  }
0xb9: {  	s3 =	sand.u32 $0x4000, s31;
	s1 =	sadd.s32 s1, s30  }
0xba: {  	s0 =	sor.u32 s3, s0;
	s1 =	sshll.u32 s1, $0x11  }
0xbb: {  	s0 =	sor.u32 s1, s0  }
0xbc: {  	s0 =	sadd.s32 $0x8F2B, s0  }
0xbd: {  	[sflag:s0] =	ssyncadd.remote.s32 $0x1  }
0xbe: {  	_ =	sfence.sel $0xFFFF  }
0xbf: {  	[dreg:$0x0] =	wrdreg $0xFFFFFFFF;
	(pc) =	sbr.abs _section_cstart, $3  }
0xc0: {  	[dreg:$0x1] =	wrdreg $0xFFFFFFFF  }
0xc1: {  	_ =	task.clear_ibuf [dreg:s7], $0x2FFFF;
	_ =	strace $0x9FFFFFFF  }
0xc2: {  	(tm) =	ssettm $0x7FFFFFFF  }
0xc3: {  	_ =	shalt  }
tec
execute0_lowered:
.L_overlay_start_1:
0x0: {  	(tag) =	ssettag $0x1  }
0x1: {  	s0 =	srdreg.scid;
	s3 =	rddreg [dreg:$0x0]  }
0x2: {  	s5 =	rddreg [dreg:$0x1];
	s4 =	sand.u32 $0x1, s0  }
0x3: {  	s1 =	stileid.u32;
	s8 =	simm.s32 $0x0;
	s2 =	sshll.u32 s4, $0x4  }
0x4: {  	s4 =	ssub.s32 $0x2, s4;
	s6 =	sor.u32 s1, s2;
	s2 =	simm.s32 $0x0  }
0x5: {  	s7 =	sshrl.u32 s4, $0x1;
	s6 =	smul.u32 $0x500, s6;
	[smem:$0x7FF] =	sst s2  }
0x6: {  	s0 =	rddreg [dreg:$0x2];
	s7 =	ssub.s32 s4, s7;
	_ =	strace $0x80000047  }
0x7: {  	s5 =	sadd.s32 s6, s5;
	s3 =	sadd.s32 s3, s6;
	s6 =	simm.s32 $0x1  }
0x8: {  	v0 =	vimm.f32 $0.0e+00;
	v1 =	vimm.f32 $1.000000000e+00;
	s4 =	sadd.s32 $0x3600, s5;
	s5 =	smax.u32 s7, $0x1;
	s7 =	simm.s32 $0x2800  }
.LBB2_1:
0x9: {  	[tilespmem:s2], [sflag:$0x1] =	stream.linear.gather [hbm4b:s3+s2], $0x2800, $0x38;
	[tilespmem:$0x5000] =	vst v63  }
0xa: {  	_ =	swait.ge [sflag:s6], $0x2800  }
0xb: {  	[sflag:s6] =	ssyncset.done $0x0  }
0xc: {  	s9 =	simm.s32 $0x0;
	[sflag:s6] =	ssyncadd.s32 $0xFFFFD800  }
.LBB2_2:
0xd: {  	p0 =	sne.s32 s9, $0x9FC0  }
.Ltmp0:
0xe: {  	_ = 	snop;
	(pc) =	sbr.rel @p0 .LBB2_2-.Ltmp0, $3  }
0xf: {  	_ =	sdelay $0x1  }
0x10: {  	s10 =	sshra.s32 s9, $0x2  }
0x11: {  	s9 =	sadd.s32 $0x40, s9;
	[tilespmem:s10+$0x2800] =	vst v0  }
0x12: {  	s9 =	simm.s32 $0x1C0  }
.LBB2_4:
0x13: {  	s10 =	sshra.s32 s9, $0x2  }
0x14: {  	v2 =	vld [tilespmem:s10+$0xFFFFFF90];
	_ =	sdelay $0x7  }
0x15: {  	[tilespmem:v2+s7+$0x0] =	vst.idx.add.f32.msk $0xffff, v1  }
0x16: {  	v2 =	vld [tilespmem:s10+$0xFFFFFFA0];
	_ =	sdelay $0x7  }
0x17: {  	[tilespmem:v2+s7+$0x0] =	vst.idx.add.f32.msk $0xffff, v1  }
0x18: {  	v2 =	vld [tilespmem:s10+$0xFFFFFFB0];
	_ =	sdelay $0x7  }
0x19: {  	[tilespmem:v2+s7+$0x0] =	vst.idx.add.f32.msk $0xffff, v1  }
0x1a: {  	v2 =	vld [tilespmem:s10+$0xFFFFFFC0];
	_ =	sdelay $0x7  }
0x1b: {  	[tilespmem:v2+s7+$0x0] =	vst.idx.add.f32.msk $0xffff, v1  }
0x1c: {  	v2 =	vld [tilespmem:s10+$0xFFFFFFD0];
	_ =	sdelay $0x7  }
0x1d: {  	[tilespmem:v2+s7+$0x0] =	vst.idx.add.f32.msk $0xffff, v1  }
0x1e: {  	v2 =	vld [tilespmem:s10+$0xFFFFFFE0];
	_ =	sdelay $0x7  }
0x1f: {  	[tilespmem:v2+s7+$0x0] =	vst.idx.add.f32.msk $0xffff, v1  }
0x20: {  	v2 =	vld [tilespmem:s10+$0xFFFFFFF0];
	_ =	sdelay $0x7  }
0x21: {  	[tilespmem:v2+s7+$0x0] =	vst.idx.add.f32.msk $0xffff, v1  }
0x22: {  	v2 =	vld [tilespmem:s10+$0x0];
	_ =	sdelay $0x2  }
0x23: {  	p0 =	sne.s32 s9, $0x9FC0  }
.Ltmp1:
0x24: {  	_ = 	snop;
	(pc) =	sbr.rel @p0 .LBB2_4-.Ltmp1, $2  }
0x25: {  	_ =	sdelay $0x2  }
0x26: {  	s9 =	sadd.s32 $0x200, s9;
	[tilespmem:v2+s7+$0x0] =	vst.idx.add.f32.msk $0xffff, v1  }
0x27: {  	s8 =	sadd.s32 $0x1, s8  }
0x28: {  	p0 =	sne.s32 s8, s5  }
.Ltmp2:
0x29: {  	_ = 	snop;
	(pc) =	sbr.rel @p0 .LBB2_1-.Ltmp2, $4  }
0x2a: {  	[hbm4b:s4+s2] =	stream.linear.scatter [tilespmem:s7], [sflag:$0x1], $0x2800, $0x38;
	[tilespmem:$0x5000] =	vst v63  }
0x2b: {  	_ =	swait.ge [sflag:s6], $0x2800  }
0x2c: {  	[sflag:s6] =	ssyncset.done $0x0  }
0x2d: {  	[sflag:s6] =	ssyncadd.s32 $0xFFFFD800  }
0x2e: {  	_ =	sfence.sel $0x180000  }
0x2f: {  	[bflag:$0x0] =	sbarrier.arrive $0xFFFF  }
0x30: {  	p0 =	sne.s32 s1, $0x0;
	_ =	strace $0x90000047  }
0x31: {  	s0 =	sadd.s32 @!p0 $0x100000, s0;
	[bflag:$0x2] =	sbarrier.arrive $0xFFFF  }
0x32: {  	[sflag:s0] =	ssyncadd.tile.s32 @!p0 $0x1;
	_ =	shalt  }
.Lfunc_end2:
_tile_overlayer_lowered:
.L_overlay_start_2:
0x33: {  	(tag) =	ssettag $0x2  }
0x34: {  	s0 =	rddreg [dreg:$0x0];
	s2 =	stileid.u32  }
0x35: {  	s1 =	rddreg [dreg:$0x1];
	p0 =	sne.s32 s2, $0x0  }
0x36: {  	s3 =	rddreg [dreg:$0x2];
	[bflag:$0x3] =	sbarrier.arrive $0xFFFF;
	s2 =	simm.s32 @!p0 $0x1C01  }
0x37: {  	[timem:s3], [sflag:s2] =	dma.local @!p0 [hbm:s0], s1  }
0x38: {  	s0 =	simm.s32 @!p0 $0x1  }
0x39: {  	_ =	swait.ge @!p0 [sflag:s0], s1  }
0x3a: {  	s1 =	ssub.s32 @!p0 $0x0, s1;
	[sflag:s0] =	ssyncset.done @!p0 $0x0  }
0x3b: {  	[sflag:s0] =	ssyncadd.s32 @!p0 s1  }
0x3c: {  	[bflag:$0x3] =	sbarrier.arrive $0xFFFF  }
0x3d: {  	_ =	shalt  }

</sc_bundles>
